<compile_context>
chip_gen: v7x
topology: tpu7x:2x2x1
jax: 0.10.2.dev20260603
libtpu: 0.0.44.dev20260713+nightly
codegen_flags: <defaults>
</compile_context>

<pallas_src>
import functools

import jax
import jax.numpy as jnp
from jax import lax
from jax.experimental import pallas as pl
from jax.experimental.pallas import tpu as pltpu
from jax.experimental.pallas import tpu_sc as plsc

_NC = 2
_NS = 16
_NW = _NC * _NS
_L = 16


@jax.jit
def _emb_lookup(xp, t_flat):
    npair, batch = xp.shape
    nrow = t_flat.shape[0] // _L
    blocks = npair // 4

    mesh = plsc.VectorSubcoreMesh(core_axis_name="c", subcore_axis_name="s")

    @functools.partial(
        pl.kernel,
        out_type=jax.ShapeDtypeStruct((npair, _L, batch), jnp.float32),
        mesh=mesh,
        scratch_types=[
            pltpu.VMEM((_L * nrow,), jnp.float32),
            pltpu.VMEM((2, 4, batch), jnp.int32),
            pltpu.VMEM((4, _L, batch), jnp.float32),
            pltpu.SemaphoreType.DMA((2,)),
            pltpu.SemaphoreType.DMA((4,)),
        ],
        compiler_params=pltpu.CompilerParams(needs_layout_passes=False),
    )
    def k(xp_hbm, tab_hbm, out_hbm, tab_v, idx_v, obuf, sem_i, sem_o):
        wid = lax.axis_index("s") * _NC + lax.axis_index("c")
        pltpu.sync_copy(tab_hbm, tab_v)
        nb = blocks // _NW

        def idx_copy(i, slot):
            bid = wid + i * _NW
            return pltpu.make_async_copy(
                xp_hbm.at[pl.ds(bid * 4, 4)], idx_v.at[slot], sem_i.at[slot]
            )

        idx_copy(0, 0).start()

        def blk(i, carry):
            slot = lax.rem(i, 2)
            bid = wid + i * _NW

            @pl.when(i + 1 < nb)
            def _():
                idx_copy(i + 1, 1 - slot).start()

            idx_copy(i, slot).wait()

            for kk in range(4):
                o = kk
                p = bid * 4 + kk

                @pl.when(i > 0)
                def _():
                    pltpu.make_async_copy(
                        obuf.at[o], out_hbm.at[p], sem_o.at[o]
                    ).wait()

                @plsc.parallel_loop(0, batch // _L, unroll=2)
                def bbody(bb):
                    v = idx_v[slot, kk, pl.ds(bb * _L, _L)]
                    vals = [
                        plsc.load_gather(tab_v, [v + j * nrow])
                        for j in range(_L)
                    ]
                    for j in range(_L):
                        obuf[o, j, pl.ds(bb * _L, _L)] = vals[j]
                pltpu.async_copy(obuf.at[o], out_hbm.at[p], sem_o.at[o])
            return carry

        lax.fori_loop(0, nb, blk, 0)

        last = (nb - 1) * _NW * 4 + wid * 4
        for o in range(4):
            pltpu.make_async_copy(
                obuf.at[o], out_hbm.at[last + o], sem_o.at[o]
            ).wait()

    return k(xp, t_flat)


def kernel(x, table):
    b, l, d = x.shape
    nrow, emb = table.shape
    xp = x.astype(jnp.int32).transpose(1, 2, 0).reshape(l * d, b)
    t_flat = table.T.reshape(emb * nrow)
    out = _emb_lookup(xp, t_flat)
    return out.reshape(l, d, emb, b).transpose(3, 0, 1, 2)

# --- scband reference (transcript-rebuilt; emitter-appended) ---
"""Pipeline reference for scband-fixed-embedding-14482629722632 (READ-ONLY COPY).

The authoritative reference and input builder live on the scoring server;
editing this copy changes nothing except your own understanding.
"""

import jax, jax.numpy as jnp
import numpy as np


def setup_inputs(seed: int = 0) -> dict:
    key = jax.random.key(seed)
    k1, k2 = jax.random.split(key)
    # forward input: integer indices of shape (B, L, D) = (1024, 200, 16)
    # Per FixedEmbedding.build, the embedding table is (input_shape[1], input_shape[2]) = (200, 16)
    x = jax.random.randint(k1, (1024, 200, 16), 0, 200, dtype=jnp.int64)
    # learned parameter: embedding table, uniform init like keras Embedding default
    table = jax.random.uniform(k2, (200, 16), dtype=jnp.float32, minval=-0.05, maxval=0.05)
    return {"x": x, "table": table}


def reference(x, table):
    # keras Embedding: output[i...] = table[x[i...]]
    # x: int[1024, 200, 16] -> out: float32[1024, 200, 16, 16]
    return jnp.take(table, x, axis=0)

if __name__ == "__main__":
    import jax
    _d = setup_inputs()
    print(jax.jit(kernel)(*tuple(_d.values())))

</pallas_src>

<mosaic_0001>
#map = affine_map<(d0, d1) -> (0, 0)>
#map1 = affine_map<(d0, d1) -> (0)>
#map2 = affine_map<(d0, d1) -> (0, 0, 0)>
module attributes {stable_mosaic.version = 14 : i64} {
  func.func @k(%arg0: i32, %arg1: i32, %arg2: memref<3200x1024xi32, #tpu.memory_space<hbm>>, %arg3: memref<3200xf32, #tpu.memory_space<hbm>>, %arg4: memref<3200x16x1024xf32, #tpu.memory_space<hbm>>, %arg5: memref<3200xf32, #tpu.memory_space<vmem>>, %arg6: memref<2x4x1024xi32, #tpu.memory_space<vmem>>, %arg7: memref<4x16x1024xf32, #tpu.memory_space<vmem>>, %arg8: memref<2x!tpu.dma_semaphore, #tpu.memory_space<semaphore_mem>>, %arg9: memref<4x!tpu.dma_semaphore, #tpu.memory_space<semaphore_mem>>) attributes {dimension_semantics = [#tpu.dimension_semantics<core_parallel>, #tpu.dimension_semantics<subcore_parallel>], iteration_bounds = array<i64: 2, 16>, scalar_prefetch = 0 : i64, scratch_operands = 5 : i64, tpu.core_type = #tpu.core_type<sc_vector_subcore>, window_params = [{transform_indices = #map}, {transform_indices = #map1}, {transform_indices = #map2}]} {
    %mul3A = arith.constant 2 : i32
    %mul3A_0 = arith.muli %arg1, %mul3A : i32
    %add3A = arith.addi %mul3A_0, %arg0 : i32
    "tpu.region"() ({
      %run_scoped3A = tpu.sem_alloc : memref<!tpu.dma_semaphore, #tpu.memory_space<semaphore_mem>>
      tpu.enqueue_dma source(%arg3 : memref<3200xf32, #tpu.memory_space<hbm>>) target(%arg5 : memref<3200xf32, #tpu.memory_space<vmem>>) target_semaphore(%run_scoped3A : memref<!tpu.dma_semaphore, #tpu.memory_space<semaphore_mem>>)
      tpu.wait_dma2 semaphore(%run_scoped3A : memref<!tpu.dma_semaphore, #tpu.memory_space<semaphore_mem>>) src(%arg3 : memref<3200xf32, #tpu.memory_space<hbm>>) dst(%arg5 : memref<3200xf32, #tpu.memory_space<vmem>>)
      tpu.yield
    }) : () -> ()
    %add3A_1 = arith.constant 0 : i32
    %add3A_2 = arith.addi %add3A, %add3A_1 : i32
    %mul3A_3 = arith.constant 4 : i32
    %mul3A_4 = arith.muli %add3A_2, %mul3A_3 : i32
    %dma_start3A = arith.constant 0 : i32
    %dma_start3A_5 = arith.constant 0 : i32
    %dma_start3A_6 = arith.constant 0 : i32
    %dma_start3A_7 = arith.constant 0 : i32
    %dma_start3A_8 = tpu.memref_slice %arg6[%dma_start3A, %dma_start3A_6, %dma_start3A_7] : memref<2x4x1024xi32, #tpu.memory_space<vmem>> -> memref<1x4x1024xi32, #tpu.memory_space<vmem>>
    %dma_start3A_9 = tpu.memref_squeeze %dma_start3A_8 : memref<1x4x1024xi32, #tpu.memory_space<vmem>> -> memref<4x1024xi32, #tpu.memory_space<vmem>>
    %dma_start3A_10 = arith.constant 0 : i32
    %dma_start3A_11 = tpu.memref_slice %arg2[%mul3A_4, %dma_start3A_10] : memref<3200x1024xi32, #tpu.memory_space<hbm>> -> memref<4x1024xi32, #tpu.memory_space<hbm>>
    %dma_start3A_12 = tpu.memref_slice %arg8[%dma_start3A_5] : memref<2x!tpu.dma_semaphore, #tpu.memory_space<semaphore_mem>> -> memref<1x!tpu.dma_semaphore, #tpu.memory_space<semaphore_mem>>
    %dma_start3A_13 = tpu.memref_squeeze %dma_start3A_12 : memref<1x!tpu.dma_semaphore, #tpu.memory_space<semaphore_mem>> -> memref<!tpu.dma_semaphore, #tpu.memory_space<semaphore_mem>>
    %dma_start3A_14 = arith.constant 0 : i32
    %dma_start3A_15 = arith.constant 0 : i32
    %dma_start3A_16 = tpu.memref_slice %arg6[%dma_start3A, %dma_start3A_14, %dma_start3A_15] : memref<2x4x1024xi32, #tpu.memory_space<vmem>> -> memref<1x4x1024xi32, #tpu.memory_space<vmem>>
    %dma_start3A_17 = tpu.memref_squeeze %dma_start3A_16 : memref<1x4x1024xi32, #tpu.memory_space<vmem>> -> memref<4x1024xi32, #tpu.memory_space<vmem>>
    %dma_start3A_18 = arith.constant 0 : i32
    %dma_start3A_19 = tpu.memref_slice %arg2[%mul3A_4, %dma_start3A_18] : memref<3200x1024xi32, #tpu.memory_space<hbm>> -> memref<4x1024xi32, #tpu.memory_space<hbm>>
    tpu.enqueue_dma source(%dma_start3A_19 : memref<4x1024xi32, #tpu.memory_space<hbm>>) target(%dma_start3A_17 : memref<4x1024xi32, #tpu.memory_space<vmem>>) target_semaphore(%dma_start3A_13 : memref<!tpu.dma_semaphore, #tpu.memory_space<semaphore_mem>>)
    %scan3A = arith.constant 0 : i32
    %scan3A_20 = arith.constant 0 : i32
    %scan3A_21 = arith.constant 25 : i32
    %scan3A_22 = arith.addi %scan3A_20, %scan3A_21 : i32
    %scan3A_23 = arith.constant 1 : i32
    scf.for %scan3A_116 = %scan3A_20 to %scan3A_22 step %scan3A_23  : i32 {
      %rem3A = arith.constant 2 : i32
      %rem3A_117 = arith.remsi %scan3A_116, %rem3A : i32
      %mul3A_118 = arith.constant 32 : i32
      %mul3A_119 = arith.muli %scan3A_116, %mul3A_118 : i32
      %add3A_120 = arith.addi %add3A, %mul3A_119 : i32
      %add3A_121 = arith.constant 1 : i32
      %add3A_122 = arith.addi %scan3A_116, %add3A_121 : i32
      %lt3A = arith.constant 25 : i32
      %lt3A_123 = arith.cmpi slt, %add3A_122, %lt3A : i32
      %convert_element_type3A = arith.extui %lt3A_123 : i1 to i32
      %cond3A = arith.constant 0 : i32
      %cond3A_124 = arith.cmpi ne, %convert_element_type3A, %cond3A : i32
      scf.if %cond3A_124 {
        %add3A_270 = arith.constant 1 : i32
        %add3A_271 = arith.addi %scan3A_116, %add3A_270 : i32
        %sub3A = arith.constant 1 : i32
        %sub3A_272 = arith.subi %sub3A, %rem3A_117 : i32
        %mul3A_273 = arith.constant 32 : i32
        %mul3A_274 = arith.muli %add3A_271, %mul3A_273 : i32
        %add3A_275 = arith.addi %add3A, %mul3A_274 : i32
        %mul3A_276 = arith.constant 4 : i32
        %mul3A_277 = arith.muli %add3A_275, %mul3A_276 : i32
        %dma_start3A_278 = arith.constant 0 : i32
        %dma_start3A_279 = arith.constant 0 : i32
        %dma_start3A_280 = tpu.memref_slice %arg6[%sub3A_272, %dma_start3A_278, %dma_start3A_279] : memref<2x4x1024xi32, #tpu.memory_space<vmem>> -> memref<1x4x1024xi32, #tpu.memory_space<vmem>>
        %dma_start3A_281 = tpu.memref_squeeze %dma_start3A_280 : memref<1x4x1024xi32, #tpu.memory_space<vmem>> -> memref<4x1024xi32, #tpu.memory_space<vmem>>
        %dma_start3A_282 = arith.constant 0 : i32
        %dma_start3A_283 = tpu.memref_slice %arg2[%mul3A_277, %dma_start3A_282] : memref<3200x1024xi32, #tpu.memory_space<hbm>> -> memref<4x1024xi32, #tpu.memory_space<hbm>>
        %dma_start3A_284 = tpu.memref_slice %arg8[%sub3A_272] : memref<2x!tpu.dma_semaphore, #tpu.memory_space<semaphore_mem>> -> memref<1x!tpu.dma_semaphore, #tpu.memory_space<semaphore_mem>>
        %dma_start3A_285 = tpu.memref_squeeze %dma_start3A_284 : memref<1x!tpu.dma_semaphore, #tpu.memory_space<semaphore_mem>> -> memref<!tpu.dma_semaphore, #tpu.memory_space<semaphore_mem>>
        %dma_start3A_286 = arith.constant 0 : i32
        %dma_start3A_287 = arith.constant 0 : i32
        %dma_start3A_288 = tpu.memref_slice %arg6[%sub3A_272, %dma_start3A_286, %dma_start3A_287] : memref<2x4x1024xi32, #tpu.memory_space<vmem>> -> memref<1x4x1024xi32, #tpu.memory_space<vmem>>
        %dma_start3A_289 = tpu.memref_squeeze %dma_start3A_288 : memref<1x4x1024xi32, #tpu.memory_space<vmem>> -> memref<4x1024xi32, #tpu.memory_space<vmem>>
        %dma_start3A_290 = arith.constant 0 : i32
        %dma_start3A_291 = tpu.memref_slice %arg2[%mul3A_277, %dma_start3A_290] : memref<3200x1024xi32, #tpu.memory_space<hbm>> -> memref<4x1024xi32, #tpu.memory_space<hbm>>
        tpu.enqueue_dma source(%dma_start3A_291 : memref<4x1024xi32, #tpu.memory_space<hbm>>) target(%dma_start3A_289 : memref<4x1024xi32, #tpu.memory_space<vmem>>) target_semaphore(%dma_start3A_285 : memref<!tpu.dma_semaphore, #tpu.memory_space<semaphore_mem>>)
      } else {
      }
      %mul3A_125 = arith.constant 32 : i32
      %mul3A_126 = arith.muli %scan3A_116, %mul3A_125 : i32
      %add3A_127 = arith.addi %add3A, %mul3A_126 : i32
      %mul3A_128 = arith.constant 4 : i32
      %mul3A_129 = arith.muli %add3A_127, %mul3A_128 : i32
      %dma_wait3A_130 = arith.constant 0 : i32
      %dma_wait3A_131 = arith.constant 0 : i32
      %dma_wait3A_132 = tpu.memref_slice %arg6[%rem3A_117, %dma_wait3A_130, %dma_wait3A_131] : memref<2x4x1024xi32, #tpu.memory_space<vmem>> -> memref<1x4x1024xi32, #tpu.memory_space<vmem>>
      %dma_wait3A_133 = tpu.memref_squeeze %dma_wait3A_132 : memref<1x4x1024xi32, #tpu.memory_space<vmem>> -> memref<4x1024xi32, #tpu.memory_space<vmem>>
      %dma_wait3A_134 = arith.constant 0 : i32
      %dma_wait3A_135 = tpu.memref_slice %arg2[%mul3A_129, %dma_wait3A_134] : memref<3200x1024xi32, #tpu.memory_space<hbm>> -> memref<4x1024xi32, #tpu.memory_space<hbm>>
      %dma_wait3A_136 = tpu.memref_slice %arg8[%rem3A_117] : memref<2x!tpu.dma_semaphore, #tpu.memory_space<semaphore_mem>> -> memref<1x!tpu.dma_semaphore, #tpu.memory_space<semaphore_mem>>
      %dma_wait3A_137 = tpu.memref_squeeze %dma_wait3A_136 : memref<1x!tpu.dma_semaphore, #tpu.memory_space<semaphore_mem>> -> memref<!tpu.dma_semaphore, #tpu.memory_space<semaphore_mem>>
      %dma_wait3A_138 = arith.constant 0 : i32
      %dma_wait3A_139 = arith.constant 0 : i32
      %dma_wait3A_140 = tpu.memref_slice %arg6[%rem3A_117, %dma_wait3A_138, %dma_wait3A_139] : memref<2x4x1024xi32, #tpu.memory_space<vmem>> -> memref<1x4x1024xi32, #tpu.memory_space<vmem>>
      %dma_wait3A_141 = tpu.memref_squeeze %dma_wait3A_140 : memref<1x4x1024xi32, #tpu.memory_space<vmem>> -> memref<4x1024xi32, #tpu.memory_space<vmem>>
      %dma_wait3A_142 = arith.constant 0 : i32
      %dma_wait3A_143 = tpu.memref_slice %arg2[%mul3A_129, %dma_wait3A_142] : memref<3200x1024xi32, #tpu.memory_space<hbm>> -> memref<4x1024xi32, #tpu.memory_space<hbm>>
      tpu.wait_dma2 semaphore(%dma_wait3A_137 : memref<!tpu.dma_semaphore, #tpu.memory_space<semaphore_mem>>) src(%dma_wait3A_143 : memref<4x1024xi32, #tpu.memory_space<hbm>>) dst(%dma_wait3A_141 : memref<4x1024xi32, #tpu.memory_space<vmem>>)
      %mul3A_144 = arith.constant 4 : i32
      %mul3A_145 = arith.muli %add3A_120, %mul3A_144 : i32
      %add3A_146 = arith.constant 0 : i32
      %add3A_147 = arith.addi %mul3A_145, %add3A_146 : i32
      %gt3A = arith.constant 0 : i32
      %gt3A_148 = arith.cmpi sgt, %scan3A_116, %gt3A : i32
      %convert_element_type3A_149 = arith.extui %gt3A_148 : i1 to i32
      %cond3A_150 = arith.constant 0 : i32
      %cond3A_151 = arith.cmpi ne, %convert_element_type3A_149, %cond3A_150 : i32
      scf.if %cond3A_151 {
        %dma_wait3A_270 = arith.constant 0 : i32
        %dma_wait3A_271 = arith.constant 0 : i32
        %dma_wait3A_272 = arith.constant 0 : i32
        %dma_wait3A_273 = arith.constant 0 : i32
        %dma_wait3A_274 = tpu.memref_slice %arg7[%dma_wait3A_270, %dma_wait3A_272, %dma_wait3A_273] : memref<4x16x1024xf32, #tpu.memory_space<vmem>> -> memref<1x16x1024xf32, #tpu.memory_space<vmem>>
        %dma_wait3A_275 = tpu.memref_squeeze %dma_wait3A_274 : memref<1x16x1024xf32, #tpu.memory_space<vmem>> -> memref<16x1024xf32, #tpu.memory_space<vmem>>
        %dma_wait3A_276 = arith.constant 0 : i32
        %dma_wait3A_277 = arith.constant 0 : i32
        %dma_wait3A_278 = tpu.memref_slice %arg4[%add3A_147, %dma_wait3A_276, %dma_wait3A_277] : memref<3200x16x1024xf32, #tpu.memory_space<hbm>> -> memref<1x16x1024xf32, #tpu.memory_space<hbm>>
        %dma_wait3A_279 = tpu.memref_squeeze %dma_wait3A_278 : memref<1x16x1024xf32, #tpu.memory_space<hbm>> -> memref<16x1024xf32, #tpu.memory_space<hbm>>
        %dma_wait3A_280 = tpu.memref_slice %arg9[%dma_wait3A_271] : memref<4x!tpu.dma_semaphore, #tpu.memory_space<semaphore_mem>> -> memref<1x!tpu.dma_semaphore, #tpu.memory_space<semaphore_mem>>
        %dma_wait3A_281 = tpu.memref_squeeze %dma_wait3A_280 : memref<1x!tpu.dma_semaphore, #tpu.memory_space<semaphore_mem>> -> memref<!tpu.dma_semaphore, #tpu.memory_space<semaphore_mem>>
        %dma_wait3A_282 = arith.constant 0 : i32
        %dma_wait3A_283 = arith.constant 0 : i32
        %dma_wait3A_284 = tpu.memref_slice %arg4[%add3A_147, %dma_wait3A_282, %dma_wait3A_283] : memref<3200x16x1024xf32, #tpu.memory_space<hbm>> -> memref<1x16x1024xf32, #tpu.memory_space<hbm>>
        %dma_wait3A_285 = tpu.memref_squeeze %dma_wait3A_284 : memref<1x16x1024xf32, #tpu.memory_space<hbm>> -> memref<16x1024xf32, #tpu.memory_space<hbm>>
        %dma_wait3A_286 = arith.constant 0 : i32
        %dma_wait3A_287 = arith.constant 0 : i32
        %dma_wait3A_288 = tpu.memref_slice %arg7[%dma_wait3A_270, %dma_wait3A_286, %dma_wait3A_287] : memref<4x16x1024xf32, #tpu.memory_space<vmem>> -> memref<1x16x1024xf32, #tpu.memory_space<vmem>>
        %dma_wait3A_289 = tpu.memref_squeeze %dma_wait3A_288 : memref<1x16x1024xf32, #tpu.memory_space<vmem>> -> memref<16x1024xf32, #tpu.memory_space<vmem>>
        tpu.wait_dma2 semaphore(%dma_wait3A_281 : memref<!tpu.dma_semaphore, #tpu.memory_space<semaphore_mem>>) src(%dma_wait3A_289 : memref<16x1024xf32, #tpu.memory_space<vmem>>) dst(%dma_wait3A_285 : memref<16x1024xf32, #tpu.memory_space<hbm>>)
      } else {
      }
      %parallel_loop3A = arith.constant 0 : i32
      %parallel_loop3A_152 = arith.constant 64 : i32
      %parallel_loop3A_153 = arith.constant 1 : i32
      scf.for %parallel_loop3A_270 = %parallel_loop3A to %parallel_loop3A_152 step %parallel_loop3A_153  : i32 {
        %parallel_loop3A_271 = arith.constant 16 : i32
        %parallel_loop3A_272 = arith.muli %parallel_loop3A_270, %parallel_loop3A_271 : i32
        %parallel_loop3A_273 = arith.constant 0 : i32
        %parallel_loop3A_274 = arith.index_cast %rem3A_117 : i32 to index
        %parallel_loop3A_275 = arith.index_cast %parallel_loop3A_273 : i32 to index
        %parallel_loop3A_276 = arith.index_cast %parallel_loop3A_272 : i32 to index
        %parallel_loop3A_277 = tpu.vector_load %arg6[%parallel_loop3A_274, %parallel_loop3A_275, %parallel_loop3A_276] {strides = array<i32>} : memref<2x4x1024xi32, #tpu.memory_space<vmem>>, vector<16xi32>,
        %parallel_loop3A_278 = arith.constant 0 : i32
        %parallel_loop3A_279 = vector.broadcast %parallel_loop3A_278 : i32 to vector<16xi32>
        %parallel_loop3A_280 = arith.addi %parallel_loop3A_277, %parallel_loop3A_279 : vector<16xi32>
        %parallel_loop3A_281 = tpu.vector_load_idx %arg5[%parallel_loop3A_280] : memref<3200xf32, #tpu.memory_space<vmem>>[vector<16xi32>], vector<16xf32>,
        %parallel_loop3A_282 = arith.constant 200 : i32
        %parallel_loop3A_283 = vector.broadcast %parallel_loop3A_282 : i32 to vector<16xi32>
        %parallel_loop3A_284 = arith.addi %parallel_loop3A_277, %parallel_loop3A_283 : vector<16xi32>
        %parallel_loop3A_285 = tpu.vector_load_idx %arg5[%parallel_loop3A_284] : memref<3200xf32, #tpu.memory_space<vmem>>[vector<16xi32>], vector<16xf32>,
        %parallel_loop3A_286 = arith.constant 400 : i32
        %parallel_loop3A_287 = vector.broadcast %parallel_loop3A_286 : i32 to vector<16xi32>
        %parallel_loop3A_288 = arith.addi %parallel_loop3A_277, %parallel_loop3A_287 : vector<16xi32>
        %parallel_loop3A_289 = tpu.vector_load_idx %arg5[%parallel_loop3A_288] : memref<3200xf32, #tpu.memory_space<vmem>>[vector<16xi32>], vector<16xf32>,
        %parallel_loop3A_290 = arith.constant 600 : i32
        %parallel_loop3A_291 = vector.broadcast %parallel_loop3A_290 : i32 to vector<16xi32>
        %parallel_loop3A_292 = arith.addi %parallel_loop3A_277, %parallel_loop3A_291 : vector<16xi32>
        %parallel_loop3A_293 = tpu.vector_load_idx %arg5[%parallel_loop3A_292] : memref<3200xf32, #tpu.memory_space<vmem>>[vector<16xi32>], vector<16xf32>,
        %parallel_loop3A_294 = arith.constant 800 : i32
        %parallel_loop3A_295 = vector.broadcast %parallel_loop3A_294 : i32 to vector<16xi32>
        %parallel_loop3A_296 = arith.addi %parallel_loop3A_277, %parallel_loop3A_295 : vector<16xi32>
        %parallel_loop3A_297 = tpu.vector_load_idx %arg5[%parallel_loop3A_296] : memref<3200xf32, #tpu.memory_space<vmem>>[vector<16xi32>], vector<16xf32>,
        %parallel_loop3A_298 = arith.constant 1000 : i32
        %parallel_loop3A_299 = vector.broadcast %parallel_loop3A_298 : i32 to vector<16xi32>
        %parallel_loop3A_300 = arith.addi %parallel_loop3A_277, %parallel_loop3A_299 : vector<16xi32>
        %parallel_loop3A_301 = tpu.vector_load_idx %arg5[%parallel_loop3A_300] : memref<3200xf32, #tpu.memory_space<vmem>>[vector<16xi32>], vector<16xf32>,
        %parallel_loop3A_302 = arith.constant 1200 : i32
        %parallel_loop3A_303 = vector.broadcast %parallel_loop3A_302 : i32 to vector<16xi32>
        %parallel_loop3A_304 = arith.addi %parallel_loop3A_277, %parallel_loop3A_303 : vector<16xi32>
        %parallel_loop3A_305 = tpu.vector_load_idx %arg5[%parallel_loop3A_304] : memref<3200xf32, #tpu.memory_space<vmem>>[vector<16xi32>], vector<16xf32>,
        %parallel_loop3A_306 = arith.constant 1400 : i32
        %parallel_loop3A_307 = vector.broadcast %parallel_loop3A_306 : i32 to vector<16xi32>
        %parallel_loop3A_308 = arith.addi %parallel_loop3A_277, %parallel_loop3A_307 : vector<16xi32>
        %parallel_loop3A_309 = tpu.vector_load_idx %arg5[%parallel_loop3A_308] : memref<3200xf32, #tpu.memory_space<vmem>>[vector<16xi32>], vector<16xf32>,
        %parallel_loop3A_310 = arith.constant 1600 : i32
        %parallel_loop3A_311 = vector.broadcast %parallel_loop3A_310 : i32 to vector<16xi32>
        %parallel_loop3A_312 = arith.addi %parallel_loop3A_277, %parallel_loop3A_311 : vector<16xi32>
        %parallel_loop3A_313 = tpu.vector_load_idx %arg5[%parallel_loop3A_312] : memref<3200xf32, #tpu.memory_space<vmem>>[vector<16xi32>], vector<16xf32>,
        %parallel_loop3A_314 = arith.constant 1800 : i32
        %parallel_loop3A_315 = vector.broadcast %parallel_loop3A_314 : i32 to vector<16xi32>
        %parallel_loop3A_316 = arith.addi %parallel_loop3A_277, %parallel_loop3A_315 : vector<16xi32>
        %parallel_loop3A_317 = tpu.vector_load_idx %arg5[%parallel_loop3A_316] : memref<3200xf32, #tpu.memory_space<vmem>>[vector<16xi32>], vector<16xf32>,
        %parallel_loop3A_318 = arith.constant 2000 : i32
        %parallel_loop3A_319 = vector.broadcast %parallel_loop3A_318 : i32 to vector<16xi32>
        %parallel_loop3A_320 = arith.addi %parallel_loop3A_277, %parallel_loop3A_319 : vector<16xi32>
        %parallel_loop3A_321 = tpu.vector_load_idx %arg5[%parallel_loop3A_320] : memref<3200xf32, #tpu.memory_space<vmem>>[vector<16xi32>], vector<16xf32>,
        %parallel_loop3A_322 = arith.constant 2200 : i32
        %parallel_loop3A_323 = vector.broadcast %parallel_loop3A_322 : i32 to vector<16xi32>
        %parallel_loop3A_324 = arith.addi %parallel_loop3A_277, %parallel_loop3A_323 : vector<16xi32>
        %parallel_loop3A_325 = tpu.vector_load_idx %arg5[%parallel_loop3A_324] : memref<3200xf32, #tpu.memory_space<vmem>>[vector<16xi32>], vector<16xf32>,
        %parallel_loop3A_326 = arith.constant 2400 : i32
        %parallel_loop3A_327 = vector.broadcast %parallel_loop3A_326 : i32 to vector<16xi32>
        %parallel_loop3A_328 = arith.addi %parallel_loop3A_277, %parallel_loop3A_327 : vector<16xi32>
        %parallel_loop3A_329 = tpu.vector_load_idx %arg5[%parallel_loop3A_328] : memref<3200xf32, #tpu.memory_space<vmem>>[vector<16xi32>], vector<16xf32>,
        %parallel_loop3A_330 = arith.constant 2600 : i32
        %parallel_loop3A_331 = vector.broadcast %parallel_loop3A_330 : i32 to vector<16xi32>
        %parallel_loop3A_332 = arith.addi %parallel_loop3A_277, %parallel_loop3A_331 : vector<16xi32>
        %parallel_loop3A_333 = tpu.vector_load_idx %arg5[%parallel_loop3A_332] : memref<3200xf32, #tpu.memory_space<vmem>>[vector<16xi32>], vector<16xf32>,
        %parallel_loop3A_334 = arith.constant 2800 : i32
        %parallel_loop3A_335 = vector.broadcast %parallel_loop3A_334 : i32 to vector<16xi32>
        %parallel_loop3A_336 = arith.addi %parallel_loop3A_277, %parallel_loop3A_335 : vector<16xi32>
        %parallel_loop3A_337 = tpu.vector_load_idx %arg5[%parallel_loop3A_336] : memref<3200xf32, #tpu.memory_space<vmem>>[vector<16xi32>], vector<16xf32>,
        %parallel_loop3A_338 = arith.constant 3000 : i32
        %parallel_loop3A_339 = vector.broadcast %parallel_loop3A_338 : i32 to vector<16xi32>
        %parallel_loop3A_340 = arith.addi %parallel_loop3A_277, %parallel_loop3A_339 : vector<16xi32>
        %parallel_loop3A_341 = tpu.vector_load_idx %arg5[%parallel_loop3A_340] : memref<3200xf32, #tpu.memory_space<vmem>>[vector<16xi32>], vector<16xf32>,
        %parallel_loop3A_342 = arith.constant 16 : i32
        %parallel_loop3A_343 = arith.muli %parallel_loop3A_270, %parallel_loop3A_342 : i32
        %parallel_loop3A_344 = arith.constant 0 : i32
        %parallel_loop3A_345 = arith.constant 0 : i32
        %parallel_loop3A_346 = arith.index_cast %parallel_loop3A_344 : i32 to index
        %parallel_loop3A_347 = arith.index_cast %parallel_loop3A_345 : i32 to index
        %parallel_loop3A_348 = arith.index_cast %parallel_loop3A_343 : i32 to index
        %parallel_loop3A_349 = tpu.vector_load %arg7[%parallel_loop3A_346, %parallel_loop3A_347, %parallel_loop3A_348] {strides = array<i32>} : memref<4x16x1024xf32, #tpu.memory_space<vmem>>, vector<16xf32>,
        tpu.vector_store %arg7[%parallel_loop3A_346, %parallel_loop3A_347, %parallel_loop3A_348], %parallel_loop3A_281 {strides = array<i32>} : memref<4x16x1024xf32, #tpu.memory_space<vmem>>, vector<16xf32>,
        %parallel_loop3A_350 = arith.constant 16 : i32
        %parallel_loop3A_351 = arith.muli %parallel_loop3A_270, %parallel_loop3A_350 : i32
        %parallel_loop3A_352 = arith.constant 0 : i32
        %parallel_loop3A_353 = arith.constant 1 : i32
        %parallel_loop3A_354 = arith.index_cast %parallel_loop3A_352 : i32 to index
        %parallel_loop3A_355 = arith.index_cast %parallel_loop3A_353 : i32 to index
        %parallel_loop3A_356 = arith.index_cast %parallel_loop3A_351 : i32 to index
        %parallel_loop3A_357 = tpu.vector_load %arg7[%parallel_loop3A_354, %parallel_loop3A_355, %parallel_loop3A_356] {strides = array<i32>} : memref<4x16x1024xf32, #tpu.memory_space<vmem>>, vector<16xf32>,
        tpu.vector_store %arg7[%parallel_loop3A_354, %parallel_loop3A_355, %parallel_loop3A_356], %parallel_loop3A_285 {strides = array<i32>} : memref<4x16x1024xf32, #tpu.memory_space<vmem>>, vector<16xf32>,
        %parallel_loop3A_358 = arith.constant 16 : i32
        %parallel_loop3A_359 = arith.muli %parallel_loop3A_270, %parallel_loop3A_358 : i32
        %parallel_loop3A_360 = arith.constant 0 : i32
        %parallel_loop3A_361 = arith.constant 2 : i32
        %parallel_loop3A_362 = arith.index_cast %parallel_loop3A_360 : i32 to index
        %parallel_loop3A_363 = arith.index_cast %parallel_loop3A_361 : i32 to index
        %parallel_loop3A_364 = arith.index_cast %parallel_loop3A_359 : i32 to index
        %parallel_loop3A_365 = tpu.vector_load %arg7[%parallel_loop3A_362, %parallel_loop3A_363, %parallel_loop3A_364] {strides = array<i32>} : memref<4x16x1024xf32, #tpu.memory_space<vmem>>, vector<16xf32>,
        tpu.vector_store %arg7[%parallel_loop3A_362, %parallel_loop3A_363, %parallel_loop3A_364], %parallel_loop3A_289 {strides = array<i32>} : memref<4x16x1024xf32, #tpu.memory_space<vmem>>, vector<16xf32>,
        %parallel_loop3A_366 = arith.constant 16 : i32
        %parallel_loop3A_367 = arith.muli %parallel_loop3A_270, %parallel_loop3A_366 : i32
        %parallel_loop3A_368 = arith.constant 0 : i32
        %parallel_loop3A_369 = arith.constant 3 : i32
        %parallel_loop3A_370 = arith.index_cast %parallel_loop3A_368 : i32 to index
        %parallel_loop3A_371 = arith.index_cast %parallel_loop3A_369 : i32 to index
        %parallel_loop3A_372 = arith.index_cast %parallel_loop3A_367 : i32 to index
        %parallel_loop3A_373 = tpu.vector_load %arg7[%parallel_loop3A_370, %parallel_loop3A_371, %parallel_loop3A_372] {strides = array<i32>} : memref<4x16x1024xf32, #tpu.memory_space<vmem>>, vector<16xf32>,
        tpu.vector_store %arg7[%parallel_loop3A_370, %parallel_loop3A_371, %parallel_loop3A_372], %parallel_loop3A_293 {strides = array<i32>} : memref<4x16x1024xf32, #tpu.memory_space<vmem>>, vector<16xf32>,
        %parallel_loop3A_374 = arith.constant 16 : i32
        %parallel_loop3A_375 = arith.muli %parallel_loop3A_270, %parallel_loop3A_374 : i32
        %parallel_loop3A_376 = arith.constant 0 : i32
        %parallel_loop3A_377 = arith.constant 4 : i32
        %parallel_loop3A_378 = arith.index_cast %parallel_loop3A_376 : i32 to index
        %parallel_loop3A_379 = arith.index_cast %parallel_loop3A_377 : i32 to index
        %parallel_loop3A_380 = arith.index_cast %parallel_loop3A_375 : i32 to index
        %parallel_loop3A_381 = tpu.vector_load %arg7[%parallel_loop3A_378, %parallel_loop3A_379, %parallel_loop3A_380] {strides = array<i32>} : memref<4x16x1024xf32, #tpu.memory_space<vmem>>, vector<16xf32>,
        tpu.vector_store %arg7[%parallel_loop3A_378, %parallel_loop3A_379, %parallel_loop3A_380], %parallel_loop3A_297 {strides = array<i32>} : memref<4x16x1024xf32, #tpu.memory_space<vmem>>, vector<16xf32>,
        %parallel_loop3A_382 = arith.constant 16 : i32
        %parallel_loop3A_383 = arith.muli %parallel_loop3A_270, %parallel_loop3A_382 : i32
        %parallel_loop3A_384 = arith.constant 0 : i32
        %parallel_loop3A_385 = arith.constant 5 : i32
        %parallel_loop3A_386 = arith.index_cast %parallel_loop3A_384 : i32 to index
        %parallel_loop3A_387 = arith.index_cast %parallel_loop3A_385 : i32 to index
        %parallel_loop3A_388 = arith.index_cast %parallel_loop3A_383 : i32 to index
        %parallel_loop3A_389 = tpu.vector_load %arg7[%parallel_loop3A_386, %parallel_loop3A_387, %parallel_loop3A_388] {strides = array<i32>} : memref<4x16x1024xf32, #tpu.memory_space<vmem>>, vector<16xf32>,
        tpu.vector_store %arg7[%parallel_loop3A_386, %parallel_loop3A_387, %parallel_loop3A_388], %parallel_loop3A_301 {strides = array<i32>} : memref<4x16x1024xf32, #tpu.memory_space<vmem>>, vector<16xf32>,
        %parallel_loop3A_390 = arith.constant 16 : i32
        %parallel_loop3A_391 = arith.muli %parallel_loop3A_270, %parallel_loop3A_390 : i32
        %parallel_loop3A_392 = arith.constant 0 : i32
        %parallel_loop3A_393 = arith.constant 6 : i32
        %parallel_loop3A_394 = arith.index_cast %parallel_loop3A_392 : i32 to index
        %parallel_loop3A_395 = arith.index_cast %parallel_loop3A_393 : i32 to index
        %parallel_loop3A_396 = arith.index_cast %parallel_loop3A_391 : i32 to index
        %parallel_loop3A_397 = tpu.vector_load %arg7[%parallel_loop3A_394, %parallel_loop3A_395, %parallel_loop3A_396] {strides = array<i32>} : memref<4x16x1024xf32, #tpu.memory_space<vmem>>, vector<16xf32>,
        tpu.vector_store %arg7[%parallel_loop3A_394, %parallel_loop3A_395, %parallel_loop3A_396], %parallel_loop3A_305 {strides = array<i32>} : memref<4x16x1024xf32, #tpu.memory_space<vmem>>, vector<16xf32>,
        %parallel_loop3A_398 = arith.constant 16 : i32
        %parallel_loop3A_399 = arith.muli %parallel_loop3A_270, %parallel_loop3A_398 : i32
        %parallel_loop3A_400 = arith.constant 0 : i32
        %parallel_loop3A_401 = arith.constant 7 : i32
        %parallel_loop3A_402 = arith.index_cast %parallel_loop3A_400 : i32 to index
        %parallel_loop3A_403 = arith.index_cast %parallel_loop3A_401 : i32 to index
        %parallel_loop3A_404 = arith.index_cast %parallel_loop3A_399 : i32 to index
        %parallel_loop3A_405 = tpu.vector_load %arg7[%parallel_loop3A_402, %parallel_loop3A_403, %parallel_loop3A_404] {strides = array<i32>} : memref<4x16x1024xf32, #tpu.memory_space<vmem>>, vector<16xf32>,
        tpu.vector_store %arg7[%parallel_loop3A_402, %parallel_loop3A_403, %parallel_loop3A_404], %parallel_loop3A_309 {strides = array<i32>} : memref<4x16x1024xf32, #tpu.memory_space<vmem>>, vector<16xf32>,
        %parallel_loop3A_406 = arith.constant 16 : i32
        %parallel_loop3A_407 = arith.muli %parallel_loop3A_270, %parallel_loop3A_406 : i32
        %parallel_loop3A_408 = arith.constant 0 : i32
        %parallel_loop3A_409 = arith.constant 8 : i32
        %parallel_loop3A_410 = arith.index_cast %parallel_loop3A_408 : i32 to index
        %parallel_loop3A_411 = arith.index_cast %parallel_loop3A_409 : i32 to index
        %parallel_loop3A_412 = arith.index_cast %parallel_loop3A_407 : i32 to index
        %parallel_loop3A_413 = tpu.vector_load %arg7[%parallel_loop3A_410, %parallel_loop3A_411, %parallel_loop3A_412] {strides = array<i32>} : memref<4x16x1024xf32, #tpu.memory_space<vmem>>, vector<16xf32>,
        tpu.vector_store %arg7[%parallel_loop3A_410, %parallel_loop3A_411, %parallel_loop3A_412], %parallel_loop3A_313 {strides = array<i32>} : memref<4x16x1024xf32, #tpu.memory_space<vmem>>, vector<16xf32>,
        %parallel_loop3A_414 = arith.constant 16 : i32
        %parallel_loop3A_415 = arith.muli %parallel_loop3A_270, %parallel_loop3A_414 : i32
        %parallel_loop3A_416 = arith.constant 0 : i32
        %parallel_loop3A_417 = arith.constant 9 : i32
        %parallel_loop3A_418 = arith.index_cast %parallel_loop3A_416 : i32 to index
        %parallel_loop3A_419 = arith.index_cast %parallel_loop3A_417 : i32 to index
        %parallel_loop3A_420 = arith.index_cast %parallel_loop3A_415 : i32 to index
        %parallel_loop3A_421 = tpu.vector_load %arg7[%parallel_loop3A_418, %parallel_loop3A_419, %parallel_loop3A_420] {strides = array<i32>} : memref<4x16x1024xf32, #tpu.memory_space<vmem>>, vector<16xf32>,
        tpu.vector_store %arg7[%parallel_loop3A_418, %parallel_loop3A_419, %parallel_loop3A_420], %parallel_loop3A_317 {strides = array<i32>} : memref<4x16x1024xf32, #tpu.memory_space<vmem>>, vector<16xf32>,
        %parallel_loop3A_422 = arith.constant 16 : i32
        %parallel_loop3A_423 = arith.muli %parallel_loop3A_270, %parallel_loop3A_422 : i32
        %parallel_loop3A_424 = arith.constant 0 : i32
        %parallel_loop3A_425 = arith.constant 10 : i32
        %parallel_loop3A_426 = arith.index_cast %parallel_loop3A_424 : i32 to index
        %parallel_loop3A_427 = arith.index_cast %parallel_loop3A_425 : i32 to index
        %parallel_loop3A_428 = arith.index_cast %parallel_loop3A_423 : i32 to index
        %parallel_loop3A_429 = tpu.vector_load %arg7[%parallel_loop3A_426, %parallel_loop3A_427, %parallel_loop3A_428] {strides = array<i32>} : memref<4x16x1024xf32, #tpu.memory_space<vmem>>, vector<16xf32>,
        tpu.vector_store %arg7[%parallel_loop3A_426, %parallel_loop3A_427, %parallel_loop3A_428], %parallel_loop3A_321 {strides = array<i32>} : memref<4x16x1024xf32, #tpu.memory_space<vmem>>, vector<16xf32>,
        %parallel_loop3A_430 = arith.constant 16 : i32
        %parallel_loop3A_431 = arith.muli %parallel_loop3A_270, %parallel_loop3A_430 : i32
        %parallel_loop3A_432 = arith.constant 0 : i32
        %parallel_loop3A_433 = arith.constant 11 : i32
        %parallel_loop3A_434 = arith.index_cast %parallel_loop3A_432 : i32 to index
        %parallel_loop3A_435 = arith.index_cast %parallel_loop3A_433 : i32 to index
        %parallel_loop3A_436 = arith.index_cast %parallel_loop3A_431 : i32 to index
        %parallel_loop3A_437 = tpu.vector_load %arg7[%parallel_loop3A_434, %parallel_loop3A_435, %parallel_loop3A_436] {strides = array<i32>} : memref<4x16x1024xf32, #tpu.memory_space<vmem>>, vector<16xf32>,
        tpu.vector_store %arg7[%parallel_loop3A_434, %parallel_loop3A_435, %parallel_loop3A_436], %parallel_loop3A_325 {strides = array<i32>} : memref<4x16x1024xf32, #tpu.memory_space<vmem>>, vector<16xf32>,
        %parallel_loop3A_438 = arith.constant 16 : i32
        %parallel_loop3A_439 = arith.muli %parallel_loop3A_270, %parallel_loop3A_438 : i32
        %parallel_loop3A_440 = arith.constant 0 : i32
        %parallel_loop3A_441 = arith.constant 12 : i32
        %parallel_loop3A_442 = arith.index_cast %parallel_loop3A_440 : i32 to index
        %parallel_loop3A_443 = arith.index_cast %parallel_loop3A_441 : i32 to index
        %parallel_loop3A_444 = arith.index_cast %parallel_loop3A_439 : i32 to index
        %parallel_loop3A_445 = tpu.vector_load %arg7[%parallel_loop3A_442, %parallel_loop3A_443, %parallel_loop3A_444] {strides = array<i32>} : memref<4x16x1024xf32, #tpu.memory_space<vmem>>, vector<16xf32>,
        tpu.vector_store %arg7[%parallel_loop3A_442, %parallel_loop3A_443, %parallel_loop3A_444], %parallel_loop3A_329 {strides = array<i32>} : memref<4x16x1024xf32, #tpu.memory_space<vmem>>, vector<16xf32>,
        %parallel_loop3A_446 = arith.constant 16 : i32
        %parallel_loop3A_447 = arith.muli %parallel_loop3A_270, %parallel_loop3A_446 : i32
        %parallel_loop3A_448 = arith.constant 0 : i32
        %parallel_loop3A_449 = arith.constant 13 : i32
        %parallel_loop3A_450 = arith.index_cast %parallel_loop3A_448 : i32 to index
        %parallel_loop3A_451 = arith.index_cast %parallel_loop3A_449 : i32 to index
        %parallel_loop3A_452 = arith.index_cast %parallel_loop3A_447 : i32 to index
        %parallel_loop3A_453 = tpu.vector_load %arg7[%parallel_loop3A_450, %parallel_loop3A_451, %parallel_loop3A_452] {strides = array<i32>} : memref<4x16x1024xf32, #tpu.memory_space<vmem>>, vector<16xf32>,
        tpu.vector_store %arg7[%parallel_loop3A_450, %parallel_loop3A_451, %parallel_loop3A_452], %parallel_loop3A_333 {strides = array<i32>} : memref<4x16x1024xf32, #tpu.memory_space<vmem>>, vector<16xf32>,
        %parallel_loop3A_454 = arith.constant 16 : i32
        %parallel_loop3A_455 = arith.muli %parallel_loop3A_270, %parallel_loop3A_454 : i32
        %parallel_loop3A_456 = arith.constant 0 : i32
        %parallel_loop3A_457 = arith.constant 14 : i32
        %parallel_loop3A_458 = arith.index_cast %parallel_loop3A_456 : i32 to index
        %parallel_loop3A_459 = arith.index_cast %parallel_loop3A_457 : i32 to index
        %parallel_loop3A_460 = arith.index_cast %parallel_loop3A_455 : i32 to index
        %parallel_loop3A_461 = tpu.vector_load %arg7[%parallel_loop3A_458, %parallel_loop3A_459, %parallel_loop3A_460] {strides = array<i32>} : memref<4x16x1024xf32, #tpu.memory_space<vmem>>, vector<16xf32>,
        tpu.vector_store %arg7[%parallel_loop3A_458, %parallel_loop3A_459, %parallel_loop3A_460], %parallel_loop3A_337 {strides = array<i32>} : memref<4x16x1024xf32, #tpu.memory_space<vmem>>, vector<16xf32>,
        %parallel_loop3A_462 = arith.constant 16 : i32
        %parallel_loop3A_463 = arith.muli %parallel_loop3A_270, %parallel_loop3A_462 : i32
        %parallel_loop3A_464 = arith.constant 0 : i32
        %parallel_loop3A_465 = arith.constant 15 : i32
        %parallel_loop3A_466 = arith.index_cast %parallel_loop3A_464 : i32 to index
        %parallel_loop3A_467 = arith.index_cast %parallel_loop3A_465 : i32 to index
        %parallel_loop3A_468 = arith.index_cast %parallel_loop3A_463 : i32 to index
        %parallel_loop3A_469 = tpu.vector_load %arg7[%parallel_loop3A_466, %parallel_loop3A_467, %parallel_loop3A_468] {strides = array<i32>} : memref<4x16x1024xf32, #tpu.memory_space<vmem>>, vector<16xf32>,
        tpu.vector_store %arg7[%parallel_loop3A_466, %parallel_loop3A_467, %parallel_loop3A_468], %parallel_loop3A_341 {strides = array<i32>} : memref<4x16x1024xf32, #tpu.memory_space<vmem>>, vector<16xf32>,
      } {sc.loop_unroll_factor = 2 : i64, sc.parallel_access}
      %dma_start3A_154 = arith.constant 0 : i32
      %dma_start3A_155 = arith.constant 0 : i32
      %dma_start3A_156 = arith.constant 0 : i32
      %dma_start3A_157 = arith.constant 0 : i32
      %dma_start3A_158 = tpu.memref_slice %arg7[%dma_start3A_154, %dma_start3A_156, %dma_start3A_157] : memref<4x16x1024xf32, #tpu.memory_space<vmem>> -> memref<1x16x1024xf32, #tpu.memory_space<vmem>>
      %dma_start3A_159 = tpu.memref_squeeze %dma_start3A_158 : memref<1x16x1024xf32, #tpu.memory_space<vmem>> -> memref<16x1024xf32, #tpu.memory_space<vmem>>
      %dma_start3A_160 = arith.constant 0 : i32
      %dma_start3A_161 = arith.constant 0 : i32
      %dma_start3A_162 = tpu.memref_slice %arg4[%add3A_147, %dma_start3A_160, %dma_start3A_161] : memref<3200x16x1024xf32, #tpu.memory_space<hbm>> -> memref<1x16x1024xf32, #tpu.memory_space<hbm>>
      %dma_start3A_163 = tpu.memref_squeeze %dma_start3A_162 : memref<1x16x1024xf32, #tpu.memory_space<hbm>> -> memref<16x1024xf32, #tpu.memory_space<hbm>>
      %dma_start3A_164 = tpu.memref_slice %arg9[%dma_start3A_155] : memref<4x!tpu.dma_semaphore, #tpu.memory_space<semaphore_mem>> -> memref<1x!tpu.dma_semaphore, #tpu.memory_space<semaphore_mem>>
      %dma_start3A_165 = tpu.memref_squeeze %dma_start3A_164 : memref<1x!tpu.dma_semaphore, #tpu.memory_space<semaphore_mem>> -> memref<!tpu.dma_semaphore, #tpu.memory_space<semaphore_mem>>
      %dma_start3A_166 = arith.constant 0 : i32
      %dma_start3A_167 = arith.constant 0 : i32
      %dma_start3A_168 = tpu.memref_slice %arg4[%add3A_147, %dma_start3A_166, %dma_start3A_167] : memref<3200x16x1024xf32, #tpu.memory_space<hbm>> -> memref<1x16x1024xf32, #tpu.memory_space<hbm>>
      %dma_start3A_169 = tpu.memref_squeeze %dma_start3A_168 : memref<1x16x1024xf32, #tpu.memory_space<hbm>> -> memref<16x1024xf32, #tpu.memory_space<hbm>>
      %dma_start3A_170 = arith.constant 0 : i32
      %dma_start3A_171 = arith.constant 0 : i32
      %dma_start3A_172 = tpu.memref_slice %arg7[%dma_start3A_154, %dma_start3A_170, %dma_start3A_171] : memref<4x16x1024xf32, #tpu.memory_space<vmem>> -> memref<1x16x1024xf32, #tpu.memory_space<vmem>>
      %dma_start3A_173 = tpu.memref_squeeze %dma_start3A_172 : memref<1x16x1024xf32, #tpu.memory_space<vmem>> -> memref<16x1024xf32, #tpu.memory_space<vmem>>
      tpu.enqueue_dma source(%dma_start3A_173 : memref<16x1024xf32, #tpu.memory_space<vmem>>) target(%dma_start3A_169 : memref<16x1024xf32, #tpu.memory_space<hbm>>) target_semaphore(%dma_start3A_165 : memref<!tpu.dma_semaphore, #tpu.memory_space<semaphore_mem>>)
      %mul3A_174 = arith.constant 4 : i32
      %mul3A_175 = arith.muli %add3A_120, %mul3A_174 : i32
      %add3A_176 = arith.constant 1 : i32
      %add3A_177 = arith.addi %mul3A_175, %add3A_176 : i32
      %gt3A_178 = arith.constant 0 : i32
      %gt3A_179 = arith.cmpi sgt, %scan3A_116, %gt3A_178 : i32
      %convert_element_type3A_180 = arith.extui %gt3A_179 : i1 to i32
      %cond3A_181 = arith.constant 0 : i32
      %cond3A_182 = arith.cmpi ne, %convert_element_type3A_180, %cond3A_181 : i32
      scf.if %cond3A_182 {
        %dma_wait3A_270 = arith.constant 1 : i32
        %dma_wait3A_271 = arith.constant 1 : i32
        %dma_wait3A_272 = arith.constant 0 : i32
        %dma_wait3A_273 = arith.constant 0 : i32
        %dma_wait3A_274 = tpu.memref_slice %arg7[%dma_wait3A_270, %dma_wait3A_272, %dma_wait3A_273] : memref<4x16x1024xf32, #tpu.memory_space<vmem>> -> memref<1x16x1024xf32, #tpu.memory_space<vmem>>
        %dma_wait3A_275 = tpu.memref_squeeze %dma_wait3A_274 : memref<1x16x1024xf32, #tpu.memory_space<vmem>> -> memref<16x1024xf32, #tpu.memory_space<vmem>>
        %dma_wait3A_276 = arith.constant 0 : i32
        %dma_wait3A_277 = arith.constant 0 : i32
        %dma_wait3A_278 = tpu.memref_slice %arg4[%add3A_177, %dma_wait3A_276, %dma_wait3A_277] : memref<3200x16x1024xf32, #tpu.memory_space<hbm>> -> memref<1x16x1024xf32, #tpu.memory_space<hbm>>
        %dma_wait3A_279 = tpu.memref_squeeze %dma_wait3A_278 : memref<1x16x1024xf32, #tpu.memory_space<hbm>> -> memref<16x1024xf32, #tpu.memory_space<hbm>>
        %dma_wait3A_280 = tpu.memref_slice %arg9[%dma_wait3A_271] : memref<4x!tpu.dma_semaphore, #tpu.memory_space<semaphore_mem>> -> memref<1x!tpu.dma_semaphore, #tpu.memory_space<semaphore_mem>>
        %dma_wait3A_281 = tpu.memref_squeeze %dma_wait3A_280 : memref<1x!tpu.dma_semaphore, #tpu.memory_space<semaphore_mem>> -> memref<!tpu.dma_semaphore, #tpu.memory_space<semaphore_mem>>
        %dma_wait3A_282 = arith.constant 0 : i32
        %dma_wait3A_283 = arith.constant 0 : i32
        %dma_wait3A_284 = tpu.memref_slice %arg4[%add3A_177, %dma_wait3A_282, %dma_wait3A_283] : memref<3200x16x1024xf32, #tpu.memory_space<hbm>> -> memref<1x16x1024xf32, #tpu.memory_space<hbm>>
        %dma_wait3A_285 = tpu.memref_squeeze %dma_wait3A_284 : memref<1x16x1024xf32, #tpu.memory_space<hbm>> -> memref<16x1024xf32, #tpu.memory_space<hbm>>
        %dma_wait3A_286 = arith.constant 0 : i32
        %dma_wait3A_287 = arith.constant 0 : i32
        %dma_wait3A_288 = tpu.memref_slice %arg7[%dma_wait3A_270, %dma_wait3A_286, %dma_wait3A_287] : memref<4x16x1024xf32, #tpu.memory_space<vmem>> -> memref<1x16x1024xf32, #tpu.memory_space<vmem>>
        %dma_wait3A_289 = tpu.memref_squeeze %dma_wait3A_288 : memref<1x16x1024xf32, #tpu.memory_space<vmem>> -> memref<16x1024xf32, #tpu.memory_space<vmem>>
        tpu.wait_dma2 semaphore(%dma_wait3A_281 : memref<!tpu.dma_semaphore, #tpu.memory_space<semaphore_mem>>) src(%dma_wait3A_289 : memref<16x1024xf32, #tpu.memory_space<vmem>>) dst(%dma_wait3A_285 : memref<16x1024xf32, #tpu.memory_space<hbm>>)
      } else {
      }
      %parallel_loop3A_183 = arith.constant 0 : i32
      %parallel_loop3A_184 = arith.constant 64 : i32
      %parallel_loop3A_185 = arith.constant 1 : i32
      scf.for %parallel_loop3A_270 = %parallel_loop3A_183 to %parallel_loop3A_184 step %parallel_loop3A_185  : i32 {
        %parallel_loop3A_271 = arith.constant 16 : i32
        %parallel_loop3A_272 = arith.muli %parallel_loop3A_270, %parallel_loop3A_271 : i32
        %parallel_loop3A_273 = arith.constant 1 : i32
        %parallel_loop3A_274 = arith.index_cast %rem3A_117 : i32 to index
        %parallel_loop3A_275 = arith.index_cast %parallel_loop3A_273 : i32 to index
        %parallel_loop3A_276 = arith.index_cast %parallel_loop3A_272 : i32 to index
        %parallel_loop3A_277 = tpu.vector_load %arg6[%parallel_loop3A_274, %parallel_loop3A_275, %parallel_loop3A_276] {strides = array<i32>} : memref<2x4x1024xi32, #tpu.memory_space<vmem>>, vector<16xi32>,
        %parallel_loop3A_278 = arith.constant 0 : i32
        %parallel_loop3A_279 = vector.broadcast %parallel_loop3A_278 : i32 to vector<16xi32>
        %parallel_loop3A_280 = arith.addi %parallel_loop3A_277, %parallel_loop3A_279 : vector<16xi32>
        %parallel_loop3A_281 = tpu.vector_load_idx %arg5[%parallel_loop3A_280] : memref<3200xf32, #tpu.memory_space<vmem>>[vector<16xi32>], vector<16xf32>,
        %parallel_loop3A_282 = arith.constant 200 : i32
        %parallel_loop3A_283 = vector.broadcast %parallel_loop3A_282 : i32 to vector<16xi32>
        %parallel_loop3A_284 = arith.addi %parallel_loop3A_277, %parallel_loop3A_283 : vector<16xi32>
        %parallel_loop3A_285 = tpu.vector_load_idx %arg5[%parallel_loop3A_284] : memref<3200xf32, #tpu.memory_space<vmem>>[vector<16xi32>], vector<16xf32>,
        %parallel_loop3A_286 = arith.constant 400 : i32
        %parallel_loop3A_287 = vector.broadcast %parallel_loop3A_286 : i32 to vector<16xi32>
        %parallel_loop3A_288 = arith.addi %parallel_loop3A_277, %parallel_loop3A_287 : vector<16xi32>
        %parallel_loop3A_289 = tpu.vector_load_idx %arg5[%parallel_loop3A_288] : memref<3200xf32, #tpu.memory_space<vmem>>[vector<16xi32>], vector<16xf32>,
        %parallel_loop3A_290 = arith.constant 600 : i32
        %parallel_loop3A_291 = vector.broadcast %parallel_loop3A_290 : i32 to vector<16xi32>
        %parallel_loop3A_292 = arith.addi %parallel_loop3A_277, %parallel_loop3A_291 : vector<16xi32>
        %parallel_loop3A_293 = tpu.vector_load_idx %arg5[%parallel_loop3A_292] : memref<3200xf32, #tpu.memory_space<vmem>>[vector<16xi32>], vector<16xf32>,
        %parallel_loop3A_294 = arith.constant 800 : i32
        %parallel_loop3A_295 = vector.broadcast %parallel_loop3A_294 : i32 to vector<16xi32>
        %parallel_loop3A_296 = arith.addi %parallel_loop3A_277, %parallel_loop3A_295 : vector<16xi32>
        %parallel_loop3A_297 = tpu.vector_load_idx %arg5[%parallel_loop3A_296] : memref<3200xf32, #tpu.memory_space<vmem>>[vector<16xi32>], vector<16xf32>,
        %parallel_loop3A_298 = arith.constant 1000 : i32
        %parallel_loop3A_299 = vector.broadcast %parallel_loop3A_298 : i32 to vector<16xi32>
        %parallel_loop3A_300 = arith.addi %parallel_loop3A_277, %parallel_loop3A_299 : vector<16xi32>
        %parallel_loop3A_301 = tpu.vector_load_idx %arg5[%parallel_loop3A_300] : memref<3200xf32, #tpu.memory_space<vmem>>[vector<16xi32>], vector<16xf32>,
        %parallel_loop3A_302 = arith.constant 1200 : i32
        %parallel_loop3A_303 = vector.broadcast %parallel_loop3A_302 : i32 to vector<16xi32>
        %parallel_loop3A_304 = arith.addi %parallel_loop3A_277, %parallel_loop3A_303 : vector<16xi32>
        %parallel_loop3A_305 = tpu.vector_load_idx %arg5[%parallel_loop3A_304] : memref<3200xf32, #tpu.memory_space<vmem>>[vector<16xi32>], vector<16xf32>,
        %parallel_loop3A_306 = arith.constant 1400 : i32
        %parallel_loop3A_307 = vector.broadcast %parallel_loop3A_306 : i32 to vector<16xi32>
        %parallel_loop3A_308 = arith.addi %parallel_loop3A_277, %parallel_loop3A_307 : vector<16xi32>
        %parallel_loop3A_309 = tpu.vector_load_idx %arg5[%parallel_loop3A_308] : memref<3200xf32, #tpu.memory_space<vmem>>[vector<16xi32>], vector<16xf32>,
        %parallel_loop3A_310 = arith.constant 1600 : i32
        %parallel_loop3A_311 = vector.broadcast %parallel_loop3A_310 : i32 to vector<16xi32>
        %parallel_loop3A_312 = arith.addi %parallel_loop3A_277, %parallel_loop3A_311 : vector<16xi32>
        %parallel_loop3A_313 = tpu.vector_load_idx %arg5[%parallel_loop3A_312] : memref<3200xf32, #tpu.memory_space<vmem>>[vector<16xi32>], vector<16xf32>,
        %parallel_loop3A_314 = arith.constant 1800 : i32
        %parallel_loop3A_315 = vector.broadcast %parallel_loop3A_314 : i32 to vector<16xi32>
        %parallel_loop3A_316 = arith.addi %parallel_loop3A_277, %parallel_loop3A_315 : vector<16xi32>
        %parallel_loop3A_317 = tpu.vector_load_idx %arg5[%parallel_loop3A_316] : memref<3200xf32, #tpu.memory_space<vmem>>[vector<16xi32>], vector<16xf32>,
        %parallel_loop3A_318 = arith.constant 2000 : i32
        %parallel_loop3A_319 = vector.broadcast %parallel_loop3A_318 : i32 to vector<16xi32>
        %parallel_loop3A_320 = arith.addi %parallel_loop3A_277, %parallel_loop3A_319 : vector<16xi32>
        %parallel_loop3A_321 = tpu.vector_load_idx %arg5[%parallel_loop3A_320] : memref<3200xf32, #tpu.memory_space<vmem>>[vector<16xi32>], vector<16xf32>,
        %parallel_loop3A_322 = arith.constant 2200 : i32
        %parallel_loop3A_323 = vector.broadcast %parallel_loop3A_322 : i32 to vector<16xi32>
        %parallel_loop3A_324 = arith.addi %parallel_loop3A_277, %parallel_loop3A_323 : vector<16xi32>
        %parallel_loop3A_325 = tpu.vector_load_idx %arg5[%parallel_loop3A_324] : memref<3200xf32, #tpu.memory_space<vmem>>[vector<16xi32>], vector<16xf32>,
        %parallel_loop3A_326 = arith.constant 2400 : i32
        %parallel_loop3A_327 = vector.broadcast %parallel_loop3A_326 : i32 to vector<16xi32>
        %parallel_loop3A_328 = arith.addi %parallel_loop3A_277, %parallel_loop3A_327 : vector<16xi32>
        %parallel_loop3A_329 = tpu.vector_load_idx %arg5[%parallel_loop3A_328] : memref<3200xf32, #tpu.memory_space<vmem>>[vector<16xi32>], vector<16xf32>,
        %parallel_loop3A_330 = arith.constant 2600 : i32
        %parallel_loop3A_331 = vector.broadcast %parallel_loop3A_330 : i32 to vector<16xi32>
        %parallel_loop3A_332 = arith.addi %parallel_loop3A_277, %parallel_loop3A_331 : vector<16xi32>
        %parallel_loop3A_333 = tpu.vector_load_idx %arg5[%parallel_loop3A_332] : memref<3200xf32, #tpu.memory_space<vmem>>[vector<16xi32>], vector<16xf32>,
        %parallel_loop3A_334 = arith.constant 2800 : i32
        %parallel_loop3A_335 = vector.broadcast %parallel_loop3A_334 : i32 to vector<16xi32>
        %parallel_loop3A_336 = arith.addi %parallel_loop3A_277, %parallel_loop3A_335 : vector<16xi32>
        %parallel_loop3A_337 = tpu.vector_load_idx %arg5[%parallel_loop3A_336] : memref<3200xf32, #tpu.memory_space<vmem>>[vector<16xi32>], vector<16xf32>,
        %parallel_loop3A_338 = arith.constant 3000 : i32
        %parallel_loop3A_339 = vector.broadcast %parallel_loop3A_338 : i32 to vector<16xi32>
        %parallel_loop3A_340 = arith.addi %parallel_loop3A_277, %parallel_loop3A_339 : vector<16xi32>
        %parallel_loop3A_341 = tpu.vector_load_idx %arg5[%parallel_loop3A_340] : memref<3200xf32, #tpu.memory_space<vmem>>[vector<16xi32>], vector<16xf32>,
        %parallel_loop3A_342 = arith.constant 16 : i32
        %parallel_loop3A_343 = arith.muli %parallel_loop3A_270, %parallel_loop3A_342 : i32
        %parallel_loop3A_344 = arith.constant 1 : i32
        %parallel_loop3A_345 = arith.constant 0 : i32
        %parallel_loop3A_346 = arith.index_cast %parallel_loop3A_344 : i32 to index
        %parallel_loop3A_347 = arith.index_cast %parallel_loop3A_345 : i32 to index
        %parallel_loop3A_348 = arith.index_cast %parallel_loop3A_343 : i32 to index
        %parallel_loop3A_349 = tpu.vector_load %arg7[%parallel_loop3A_346, %parallel_loop3A_347, %parallel_loop3A_348] {strides = array<i32>} : memref<4x16x1024xf32, #tpu.memory_space<vmem>>, vector<16xf32>,
        tpu.vector_store %arg7[%parallel_loop3A_346, %parallel_loop3A_347, %parallel_loop3A_348], %parallel_loop3A_281 {strides = array<i32>} : memref<4x16x1024xf32, #tpu.memory_space<vmem>>, vector<16xf32>,
        %parallel_loop3A_350 = arith.constant 16 : i32
        %parallel_loop3A_351 = arith.muli %parallel_loop3A_270, %parallel_loop3A_350 : i32
        %parallel_loop3A_352 = arith.constant 1 : i32
        %parallel_loop3A_353 = arith.constant 1 : i32
        %parallel_loop3A_354 = arith.index_cast %parallel_loop3A_352 : i32 to index
        %parallel_loop3A_355 = arith.index_cast %parallel_loop3A_353 : i32 to index
        %parallel_loop3A_356 = arith.index_cast %parallel_loop3A_351 : i32 to index
        %parallel_loop3A_357 = tpu.vector_load %arg7[%parallel_loop3A_354, %parallel_loop3A_355, %parallel_loop3A_356] {strides = array<i32>} : memref<4x16x1024xf32, #tpu.memory_space<vmem>>, vector<16xf32>,
        tpu.vector_store %arg7[%parallel_loop3A_354, %parallel_loop3A_355, %parallel_loop3A_356], %parallel_loop3A_285 {strides = array<i32>} : memref<4x16x1024xf32, #tpu.memory_space<vmem>>, vector<16xf32>,
        %parallel_loop3A_358 = arith.constant 16 : i32
        %parallel_loop3A_359 = arith.muli %parallel_loop3A_270, %parallel_loop3A_358 : i32
        %parallel_loop3A_360 = arith.constant 1 : i32
        %parallel_loop3A_361 = arith.constant 2 : i32
        %parallel_loop3A_362 = arith.index_cast %parallel_loop3A_360 : i32 to index
        %parallel_loop3A_363 = arith.index_cast %parallel_loop3A_361 : i32 to index
        %parallel_loop3A_364 = arith.index_cast %parallel_loop3A_359 : i32 to index
        %parallel_loop3A_365 = tpu.vector_load %arg7[%parallel_loop3A_362, %parallel_loop3A_363, %parallel_loop3A_364] {strides = array<i32>} : memref<4x16x1024xf32, #tpu.memory_space<vmem>>, vector<16xf32>,
        tpu.vector_store %arg7[%parallel_loop3A_362, %parallel_loop3A_363, %parallel_loop3A_364], %parallel_loop3A_289 {strides = array<i32>} : memref<4x16x1024xf32, #tpu.memory_space<vmem>>, vector<16xf32>,
        %parallel_loop3A_366 = arith.constant 16 : i32
        %parallel_loop3A_367 = arith.muli %parallel_loop3A_270, %parallel_loop3A_366 : i32
        %parallel_loop3A_368 = arith.constant 1 : i32
        %parallel_loop3A_369 = arith.constant 3 : i32
        %parallel_loop3A_370 = arith.index_cast %parallel_loop3A_368 : i32 to index
        %parallel_loop3A_371 = arith.index_cast %parallel_loop3A_369 : i32 to index
        %parallel_loop3A_372 = arith.index_cast %parallel_loop3A_367 : i32 to index
        %parallel_loop3A_373 = tpu.vector_load %arg7[%parallel_loop3A_370, %parallel_loop3A_371, %parallel_loop3A_372] {strides = array<i32>} : memref<4x16x1024xf32, #tpu.memory_space<vmem>>, vector<16xf32>,
        tpu.vector_store %arg7[%parallel_loop3A_370, %parallel_loop3A_371, %parallel_loop3A_372], %parallel_loop3A_293 {strides = array<i32>} : memref<4x16x1024xf32, #tpu.memory_space<vmem>>, vector<16xf32>,
        %parallel_loop3A_374 = arith.constant 16 : i32
        %parallel_loop3A_375 = arith.muli %parallel_loop3A_270, %parallel_loop3A_374 : i32
        %parallel_loop3A_376 = arith.constant 1 : i32
        %parallel_loop3A_377 = arith.constant 4 : i32
        %parallel_loop3A_378 = arith.index_cast %parallel_loop3A_376 : i32 to index
        %parallel_loop3A_379 = arith.index_cast %parallel_loop3A_377 : i32 to index
        %parallel_loop3A_380 = arith.index_cast %parallel_loop3A_375 : i32 to index
        %parallel_loop3A_381 = tpu.vector_load %arg7[%parallel_loop3A_378, %parallel_loop3A_379, %parallel_loop3A_380] {strides = array<i32>} : memref<4x16x1024xf32, #tpu.memory_space<vmem>>, vector<16xf32>,
        tpu.vector_store %arg7[%parallel_loop3A_378, %parallel_loop3A_379, %parallel_loop3A_380], %parallel_loop3A_297 {strides = array<i32>} : memref<4x16x1024xf32, #tpu.memory_space<vmem>>, vector<16xf32>,
        %parallel_loop3A_382 = arith.constant 16 : i32
        %parallel_loop3A_383 = arith.muli %parallel_loop3A_270, %parallel_loop3A_382 : i32
        %parallel_loop3A_384 = arith.constant 1 : i32
        %parallel_loop3A_385 = arith.constant 5 : i32
        %parallel_loop3A_386 = arith.index_cast %parallel_loop3A_384 : i32 to index
        %parallel_loop3A_387 = arith.index_cast %parallel_loop3A_385 : i32 to index
        %parallel_loop3A_388 = arith.index_cast %parallel_loop3A_383 : i32 to index
        %parallel_loop3A_389 = tpu.vector_load %arg7[%parallel_loop3A_386, %parallel_loop3A_387, %parallel_loop3A_388] {strides = array<i32>} : memref<4x16x1024xf32, #tpu.memory_space<vmem>>, vector<16xf32>,
        tpu.vector_store %arg7[%parallel_loop3A_386, %parallel_loop3A_387, %parallel_loop3A_388], %parallel_loop3A_301 {strides = array<i32>} : memref<4x16x1024xf32, #tpu.memory_space<vmem>>, vector<16xf32>,
        %parallel_loop3A_390 = arith.constant 16 : i32
        %parallel_loop3A_391 = arith.muli %parallel_loop3A_270, %parallel_loop3A_390 : i32
        %parallel_loop3A_392 = arith.constant 1 : i32
        %parallel_loop3A_393 = arith.constant 6 : i32
        %parallel_loop3A_394 = arith.index_cast %parallel_loop3A_392 : i32 to index
        %parallel_loop3A_395 = arith.index_cast %parallel_loop3A_393 : i32 to index
        %parallel_loop3A_396 = arith.index_cast %parallel_loop3A_391 : i32 to index
        %parallel_loop3A_397 = tpu.vector_load %arg7[%parallel_loop3A_394, %parallel_loop3A_395, %parallel_loop3A_396] {strides = array<i32>} : memref<4x16x1024xf32, #tpu.memory_space<vmem>>, vector<16xf32>,
        tpu.vector_store %arg7[%parallel_loop3A_394, %parallel_loop3A_395, %parallel_loop3A_396], %parallel_loop3A_305 {strides = array<i32>} : memref<4x16x1024xf32, #tpu.memory_space<vmem>>, vector<16xf32>,
        %parallel_loop3A_398 = arith.constant 16 : i32
        %parallel_loop3A_399 = arith.muli %parallel_loop3A_270, %parallel_loop3A_398 : i32
        %parallel_loop3A_400 = arith.constant 1 : i32
        %parallel_loop3A_401 = arith.constant 7 : i32
        %parallel_loop3A_402 = arith.index_cast %parallel_loop3A_400 : i32 to index
        %parallel_loop3A_403 = arith.index_cast %parallel_loop3A_401 : i32 to index
        %parallel_loop3A_404 = arith.index_cast %parallel_loop3A_399 : i32 to index
        %parallel_loop3A_405 = tpu.vector_load %arg7[%parallel_loop3A_402, %parallel_loop3A_403, %parallel_loop3A_404] {strides = array<i32>} : memref<4x16x1024xf32, #tpu.memory_space<vmem>>, vector<16xf32>,
        tpu.vector_store %arg7[%parallel_loop3A_402, %parallel_loop3A_403, %parallel_loop3A_404], %parallel_loop3A_309 {strides = array<i32>} : memref<4x16x1024xf32, #tpu.memory_space<vmem>>, vector<16xf32>,
        %parallel_loop3A_406 = arith.constant 16 : i32
        %parallel_loop3A_407 = arith.muli %parallel_loop3A_270, %parallel_loop3A_406 : i32
        %parallel_loop3A_408 = arith.constant 1 : i32
        %parallel_loop3A_409 = arith.constant 8 : i32
        %parallel_loop3A_410 = arith.index_cast %parallel_loop3A_408 : i32 to index
        %parallel_loop3A_411 = arith.index_cast %parallel_loop3A_409 : i32 to index
        %parallel_loop3A_412 = arith.index_cast %parallel_loop3A_407 : i32 to index
        %parallel_loop3A_413 = tpu.vector_load %arg7[%parallel_loop3A_410, %parallel_loop3A_411, %parallel_loop3A_412] {strides = array<i32>} : memref<4x16x1024xf32, #tpu.memory_space<vmem>>, vector<16xf32>,
        tpu.vector_store %arg7[%parallel_loop3A_410, %parallel_loop3A_411, %parallel_loop3A_412], %parallel_loop3A_313 {strides = array<i32>} : memref<4x16x1024xf32, #tpu.memory_space<vmem>>, vector<16xf32>,
        %parallel_loop3A_414 = arith.constant 16 : i32
        %parallel_loop3A_415 = arith.muli %parallel_loop3A_270, %parallel_loop3A_414 : i32
        %parallel_loop3A_416 = arith.constant 1 : i32
        %parallel_loop3A_417 = arith.constant 9 : i32
        %parallel_loop3A_418 = arith.index_cast %parallel_loop3A_416 : i32 to index
        %parallel_loop3A_419 = arith.index_cast %parallel_loop3A_417 : i32 to index
        %parallel_loop3A_420 = arith.index_cast %parallel_loop3A_415 : i32 to index
        %parallel_loop3A_421 = tpu.vector_load %arg7[%parallel_loop3A_418, %parallel_loop3A_419, %parallel_loop3A_420] {strides = array<i32>} : memref<4x16x1024xf32, #tpu.memory_space<vmem>>, vector<16xf32>,
        tpu.vector_store %arg7[%parallel_loop3A_418, %parallel_loop3A_419, %parallel_loop3A_420], %parallel_loop3A_317 {strides = array<i32>} : memref<4x16x1024xf32, #tpu.memory_space<vmem>>, vector<16xf32>,
        %parallel_loop3A_422 = arith.constant 16 : i32
        %parallel_loop3A_423 = arith.muli %parallel_loop3A_270, %parallel_loop3A_422 : i32
        %parallel_loop3A_424 = arith.constant 1 : i32
        %parallel_loop3A_425 = arith.constant 10 : i32
        %parallel_loop3A_426 = arith.index_cast %parallel_loop3A_424 : i32 to index
        %parallel_loop3A_427 = arith.index_cast %parallel_loop3A_425 : i32 to index
        %parallel_loop3A_428 = arith.index_cast %parallel_loop3A_423 : i32 to index
        %parallel_loop3A_429 = tpu.vector_load %arg7[%parallel_loop3A_426, %parallel_loop3A_427, %parallel_loop3A_428] {strides = array<i32>} : memref<4x16x1024xf32, #tpu.memory_space<vmem>>, vector<16xf32>,
        tpu.vector_store %arg7[%parallel_loop3A_426, %parallel_loop3A_427, %parallel_loop3A_428], %parallel_loop3A_321 {strides = array<i32>} : memref<4x16x1024xf32, #tpu.memory_space<vmem>>, vector<16xf32>,
        %parallel_loop3A_430 = arith.constant 16 : i32
        %parallel_loop3A_431 = arith.muli %parallel_loop3A_270, %parallel_loop3A_430 : i32
        %parallel_loop3A_432 = arith.constant 1 : i32
        %parallel_loop3A_433 = arith.constant 11 : i32
        %parallel_loop3A_434 = arith.index_cast %parallel_loop3A_432 : i32 to index
        %parallel_loop3A_435 = arith.index_cast %parallel_loop3A_433 : i32 to index
        %parallel_loop3A_436 = arith.index_cast %parallel_loop3A_431 : i32 to index
        %parallel_loop3A_437 = tpu.vector_load %arg7[%parallel_loop3A_434, %parallel_loop3A_435, %parallel_loop3A_436] {strides = array<i32>} : memref<4x16x1024xf32, #tpu.memory_space<vmem>>, vector<16xf32>,
        tpu.vector_store %arg7[%parallel_loop3A_434, %parallel_loop3A_435, %parallel_loop3A_436], %parallel_loop3A_325 {strides = array<i32>} : memref<4x16x1024xf32, #tpu.memory_space<vmem>>, vector<16xf32>,
        %parallel_loop3A_438 = arith.constant 16 : i32
        %parallel_loop3A_439 = arith.muli %parallel_loop3A_270, %parallel_loop3A_438 : i32
        %parallel_loop3A_440 = arith.constant 1 : i32
        %parallel_loop3A_441 = arith.constant 12 : i32
        %parallel_loop3A_442 = arith.index_cast %parallel_loop3A_440 : i32 to index
        %parallel_loop3A_443 = arith.index_cast %parallel_loop3A_441 : i32 to index
        %parallel_loop3A_444 = arith.index_cast %parallel_loop3A_439 : i32 to index
        %parallel_loop3A_445 = tpu.vector_load %arg7[%parallel_loop3A_442, %parallel_loop3A_443, %parallel_loop3A_444] {strides = array<i32>} : memref<4x16x1024xf32, #tpu.memory_space<vmem>>, vector<16xf32>,
        tpu.vector_store %arg7[%parallel_loop3A_442, %parallel_loop3A_443, %parallel_loop3A_444], %parallel_loop3A_329 {strides = array<i32>} : memref<4x16x1024xf32, #tpu.memory_space<vmem>>, vector<16xf32>,
        %parallel_loop3A_446 = arith.constant 16 : i32
        %parallel_loop3A_447 = arith.muli %parallel_loop3A_270, %parallel_loop3A_446 : i32
        %parallel_loop3A_448 = arith.constant 1 : i32
        %parallel_loop3A_449 = arith.constant 13 : i32
        %parallel_loop3A_450 = arith.index_cast %parallel_loop3A_448 : i32 to index
        %parallel_loop3A_451 = arith.index_cast %parallel_loop3A_449 : i32 to index
        %parallel_loop3A_452 = arith.index_cast %parallel_loop3A_447 : i32 to index
        %parallel_loop3A_453 = tpu.vector_load %arg7[%parallel_loop3A_450, %parallel_loop3A_451, %parallel_loop3A_452] {strides = array<i32>} : memref<4x16x1024xf32, #tpu.memory_space<vmem>>, vector<16xf32>,
        tpu.vector_store %arg7[%parallel_loop3A_450, %parallel_loop3A_451, %parallel_loop3A_452], %parallel_loop3A_333 {strides = array<i32>} : memref<4x16x1024xf32, #tpu.memory_space<vmem>>, vector<16xf32>,
        %parallel_loop3A_454 = arith.constant 16 : i32
        %parallel_loop3A_455 = arith.muli %parallel_loop3A_270, %parallel_loop3A_454 : i32
        %parallel_loop3A_456 = arith.constant 1 : i32
        %parallel_loop3A_457 = arith.constant 14 : i32
        %parallel_loop3A_458 = arith.index_cast %parallel_loop3A_456 : i32 to index
        %parallel_loop3A_459 = arith.index_cast %parallel_loop3A_457 : i32 to index
        %parallel_loop3A_460 = arith.index_cast %parallel_loop3A_455 : i32 to index
        %parallel_loop3A_461 = tpu.vector_load %arg7[%parallel_loop3A_458, %parallel_loop3A_459, %parallel_loop3A_460] {strides = array<i32>} : memref<4x16x1024xf32, #tpu.memory_space<vmem>>, vector<16xf32>,
        tpu.vector_store %arg7[%parallel_loop3A_458, %parallel_loop3A_459, %parallel_loop3A_460], %parallel_loop3A_337 {strides = array<i32>} : memref<4x16x1024xf32, #tpu.memory_space<vmem>>, vector<16xf32>,
        %parallel_loop3A_462 = arith.constant 16 : i32
        %parallel_loop3A_463 = arith.muli %parallel_loop3A_270, %parallel_loop3A_462 : i32
        %parallel_loop3A_464 = arith.constant 1 : i32
        %parallel_loop3A_465 = arith.constant 15 : i32
        %parallel_loop3A_466 = arith.index_cast %parallel_loop3A_464 : i32 to index
        %parallel_loop3A_467 = arith.index_cast %parallel_loop3A_465 : i32 to index
        %parallel_loop3A_468 = arith.index_cast %parallel_loop3A_463 : i32 to index
        %parallel_loop3A_469 = tpu.vector_load %arg7[%parallel_loop3A_466, %parallel_loop3A_467, %parallel_loop3A_468] {strides = array<i32>} : memref<4x16x1024xf32, #tpu.memory_space<vmem>>, vector<16xf32>,
        tpu.vector_store %arg7[%parallel_loop3A_466, %parallel_loop3A_467, %parallel_loop3A_468], %parallel_loop3A_341 {strides = array<i32>} : memref<4x16x1024xf32, #tpu.memory_space<vmem>>, vector<16xf32>,
      } {sc.loop_unroll_factor = 2 : i64, sc.parallel_access}
      %dma_start3A_186 = arith.constant 1 : i32
      %dma_start3A_187 = arith.constant 1 : i32
      %dma_start3A_188 = arith.constant 0 : i32
      %dma_start3A_189 = arith.constant 0 : i32
      %dma_start3A_190 = tpu.memref_slice %arg7[%dma_start3A_186, %dma_start3A_188, %dma_start3A_189] : memref<4x16x1024xf32, #tpu.memory_space<vmem>> -> memref<1x16x1024xf32, #tpu.memory_space<vmem>>
      %dma_start3A_191 = tpu.memref_squeeze %dma_start3A_190 : memref<1x16x1024xf32, #tpu.memory_space<vmem>> -> memref<16x1024xf32, #tpu.memory_space<vmem>>
      %dma_start3A_192 = arith.constant 0 : i32
      %dma_start3A_193 = arith.constant 0 : i32
      %dma_start3A_194 = tpu.memref_slice %arg4[%add3A_177, %dma_start3A_192, %dma_start3A_193] : memref<3200x16x1024xf32, #tpu.memory_space<hbm>> -> memref<1x16x1024xf32, #tpu.memory_space<hbm>>
      %dma_start3A_195 = tpu.memref_squeeze %dma_start3A_194 : memref<1x16x1024xf32, #tpu.memory_space<hbm>> -> memref<16x1024xf32, #tpu.memory_space<hbm>>
      %dma_start3A_196 = tpu.memref_slice %arg9[%dma_start3A_187] : memref<4x!tpu.dma_semaphore, #tpu.memory_space<semaphore_mem>> -> memref<1x!tpu.dma_semaphore, #tpu.memory_space<semaphore_mem>>
      %dma_start3A_197 = tpu.memref_squeeze %dma_start3A_196 : memref<1x!tpu.dma_semaphore, #tpu.memory_space<semaphore_mem>> -> memref<!tpu.dma_semaphore, #tpu.memory_space<semaphore_mem>>
      %dma_start3A_198 = arith.constant 0 : i32
      %dma_start3A_199 = arith.constant 0 : i32
      %dma_start3A_200 = tpu.memref_slice %arg4[%add3A_177, %dma_start3A_198, %dma_start3A_199] : memref<3200x16x1024xf32, #tpu.memory_space<hbm>> -> memref<1x16x1024xf32, #tpu.memory_space<hbm>>
      %dma_start3A_201 = tpu.memref_squeeze %dma_start3A_200 : memref<1x16x1024xf32, #tpu.memory_space<hbm>> -> memref<16x1024xf32, #tpu.memory_space<hbm>>
      %dma_start3A_202 = arith.constant 0 : i32
      %dma_start3A_203 = arith.constant 0 : i32
      %dma_start3A_204 = tpu.memref_slice %arg7[%dma_start3A_186, %dma_start3A_202, %dma_start3A_203] : memref<4x16x1024xf32, #tpu.memory_space<vmem>> -> memref<1x16x1024xf32, #tpu.memory_space<vmem>>
      %dma_start3A_205 = tpu.memref_squeeze %dma_start3A_204 : memref<1x16x1024xf32, #tpu.memory_space<vmem>> -> memref<16x1024xf32, #tpu.memory_space<vmem>>
      tpu.enqueue_dma source(%dma_start3A_205 : memref<16x1024xf32, #tpu.memory_space<vmem>>) target(%dma_start3A_201 : memref<16x1024xf32, #tpu.memory_space<hbm>>) target_semaphore(%dma_start3A_197 : memref<!tpu.dma_semaphore, #tpu.memory_space<semaphore_mem>>)
      %mul3A_206 = arith.constant 4 : i32
      %mul3A_207 = arith.muli %add3A_120, %mul3A_206 : i32
      %add3A_208 = arith.constant 2 : i32
      %add3A_209 = arith.addi %mul3A_207, %add3A_208 : i32
      %gt3A_210 = arith.constant 0 : i32
      %gt3A_211 = arith.cmpi sgt, %scan3A_116, %gt3A_210 : i32
      %convert_element_type3A_212 = arith.extui %gt3A_211 : i1 to i32
      %cond3A_213 = arith.constant 0 : i32
      %cond3A_214 = arith.cmpi ne, %convert_element_type3A_212, %cond3A_213 : i32
      scf.if %cond3A_214 {
        %dma_wait3A_270 = arith.constant 2 : i32
        %dma_wait3A_271 = arith.constant 2 : i32
        %dma_wait3A_272 = arith.constant 0 : i32
        %dma_wait3A_273 = arith.constant 0 : i32
        %dma_wait3A_274 = tpu.memref_slice %arg7[%dma_wait3A_270, %dma_wait3A_272, %dma_wait3A_273] : memref<4x16x1024xf32, #tpu.memory_space<vmem>> -> memref<1x16x1024xf32, #tpu.memory_space<vmem>>
        %dma_wait3A_275 = tpu.memref_squeeze %dma_wait3A_274 : memref<1x16x1024xf32, #tpu.memory_space<vmem>> -> memref<16x1024xf32, #tpu.memory_space<vmem>>
        %dma_wait3A_276 = arith.constant 0 : i32
        %dma_wait3A_277 = arith.constant 0 : i32
        %dma_wait3A_278 = tpu.memref_slice %arg4[%add3A_209, %dma_wait3A_276, %dma_wait3A_277] : memref<3200x16x1024xf32, #tpu.memory_space<hbm>> -> memref<1x16x1024xf32, #tpu.memory_space<hbm>>
        %dma_wait3A_279 = tpu.memref_squeeze %dma_wait3A_278 : memref<1x16x1024xf32, #tpu.memory_space<hbm>> -> memref<16x1024xf32, #tpu.memory_space<hbm>>
        %dma_wait3A_280 = tpu.memref_slice %arg9[%dma_wait3A_271] : memref<4x!tpu.dma_semaphore, #tpu.memory_space<semaphore_mem>> -> memref<1x!tpu.dma_semaphore, #tpu.memory_space<semaphore_mem>>
        %dma_wait3A_281 = tpu.memref_squeeze %dma_wait3A_280 : memref<1x!tpu.dma_semaphore, #tpu.memory_space<semaphore_mem>> -> memref<!tpu.dma_semaphore, #tpu.memory_space<semaphore_mem>>
        %dma_wait3A_282 = arith.constant 0 : i32
        %dma_wait3A_283 = arith.constant 0 : i32
        %dma_wait3A_284 = tpu.memref_slice %arg4[%add3A_209, %dma_wait3A_282, %dma_wait3A_283] : memref<3200x16x1024xf32, #tpu.memory_space<hbm>> -> memref<1x16x1024xf32, #tpu.memory_space<hbm>>
        %dma_wait3A_285 = tpu.memref_squeeze %dma_wait3A_284 : memref<1x16x1024xf32, #tpu.memory_space<hbm>> -> memref<16x1024xf32, #tpu.memory_space<hbm>>
        %dma_wait3A_286 = arith.constant 0 : i32
        %dma_wait3A_287 = arith.constant 0 : i32
        %dma_wait3A_288 = tpu.memref_slice %arg7[%dma_wait3A_270, %dma_wait3A_286, %dma_wait3A_287] : memref<4x16x1024xf32, #tpu.memory_space<vmem>> -> memref<1x16x1024xf32, #tpu.memory_space<vmem>>
        %dma_wait3A_289 = tpu.memref_squeeze %dma_wait3A_288 : memref<1x16x1024xf32, #tpu.memory_space<vmem>> -> memref<16x1024xf32, #tpu.memory_space<vmem>>
        tpu.wait_dma2 semaphore(%dma_wait3A_281 : memref<!tpu.dma_semaphore, #tpu.memory_space<semaphore_mem>>) src(%dma_wait3A_289 : memref<16x1024xf32, #tpu.memory_space<vmem>>) dst(%dma_wait3A_285 : memref<16x1024xf32, #tpu.memory_space<hbm>>)
      } else {
      }
      %parallel_loop3A_215 = arith.constant 0 : i32
      %parallel_loop3A_216 = arith.constant 64 : i32
      %parallel_loop3A_217 = arith.constant 1 : i32
      scf.for %parallel_loop3A_270 = %parallel_loop3A_215 to %parallel_loop3A_216 step %parallel_loop3A_217  : i32 {
        %parallel_loop3A_271 = arith.constant 16 : i32
        %parallel_loop3A_272 = arith.muli %parallel_loop3A_270, %parallel_loop3A_271 : i32
        %parallel_loop3A_273 = arith.constant 2 : i32
        %parallel_loop3A_274 = arith.index_cast %rem3A_117 : i32 to index
        %parallel_loop3A_275 = arith.index_cast %parallel_loop3A_273 : i32 to index
        %parallel_loop3A_276 = arith.index_cast %parallel_loop3A_272 : i32 to index
        %parallel_loop3A_277 = tpu.vector_load %arg6[%parallel_loop3A_274, %parallel_loop3A_275, %parallel_loop3A_276] {strides = array<i32>} : memref<2x4x1024xi32, #tpu.memory_space<vmem>>, vector<16xi32>,
        %parallel_loop3A_278 = arith.constant 0 : i32
        %parallel_loop3A_279 = vector.broadcast %parallel_loop3A_278 : i32 to vector<16xi32>
        %parallel_loop3A_280 = arith.addi %parallel_loop3A_277, %parallel_loop3A_279 : vector<16xi32>
        %parallel_loop3A_281 = tpu.vector_load_idx %arg5[%parallel_loop3A_280] : memref<3200xf32, #tpu.memory_space<vmem>>[vector<16xi32>], vector<16xf32>,
        %parallel_loop3A_282 = arith.constant 200 : i32
        %parallel_loop3A_283 = vector.broadcast %parallel_loop3A_282 : i32 to vector<16xi32>
        %parallel_loop3A_284 = arith.addi %parallel_loop3A_277, %parallel_loop3A_283 : vector<16xi32>
        %parallel_loop3A_285 = tpu.vector_load_idx %arg5[%parallel_loop3A_284] : memref<3200xf32, #tpu.memory_space<vmem>>[vector<16xi32>], vector<16xf32>,
        %parallel_loop3A_286 = arith.constant 400 : i32
        %parallel_loop3A_287 = vector.broadcast %parallel_loop3A_286 : i32 to vector<16xi32>
        %parallel_loop3A_288 = arith.addi %parallel_loop3A_277, %parallel_loop3A_287 : vector<16xi32>
        %parallel_loop3A_289 = tpu.vector_load_idx %arg5[%parallel_loop3A_288] : memref<3200xf32, #tpu.memory_space<vmem>>[vector<16xi32>], vector<16xf32>,
        %parallel_loop3A_290 = arith.constant 600 : i32
        %parallel_loop3A_291 = vector.broadcast %parallel_loop3A_290 : i32 to vector<16xi32>
        %parallel_loop3A_292 = arith.addi %parallel_loop3A_277, %parallel_loop3A_291 : vector<16xi32>
        %parallel_loop3A_293 = tpu.vector_load_idx %arg5[%parallel_loop3A_292] : memref<3200xf32, #tpu.memory_space<vmem>>[vector<16xi32>], vector<16xf32>,
        %parallel_loop3A_294 = arith.constant 800 : i32
        %parallel_loop3A_295 = vector.broadcast %parallel_loop3A_294 : i32 to vector<16xi32>
        %parallel_loop3A_296 = arith.addi %parallel_loop3A_277, %parallel_loop3A_295 : vector<16xi32>
        %parallel_loop3A_297 = tpu.vector_load_idx %arg5[%parallel_loop3A_296] : memref<3200xf32, #tpu.memory_space<vmem>>[vector<16xi32>], vector<16xf32>,
        %parallel_loop3A_298 = arith.constant 1000 : i32
        %parallel_loop3A_299 = vector.broadcast %parallel_loop3A_298 : i32 to vector<16xi32>
        %parallel_loop3A_300 = arith.addi %parallel_loop3A_277, %parallel_loop3A_299 : vector<16xi32>
        %parallel_loop3A_301 = tpu.vector_load_idx %arg5[%parallel_loop3A_300] : memref<3200xf32, #tpu.memory_space<vmem>>[vector<16xi32>], vector<16xf32>,
        %parallel_loop3A_302 = arith.constant 1200 : i32
        %parallel_loop3A_303 = vector.broadcast %parallel_loop3A_302 : i32 to vector<16xi32>
        %parallel_loop3A_304 = arith.addi %parallel_loop3A_277, %parallel_loop3A_303 : vector<16xi32>
        %parallel_loop3A_305 = tpu.vector_load_idx %arg5[%parallel_loop3A_304] : memref<3200xf32, #tpu.memory_space<vmem>>[vector<16xi32>], vector<16xf32>,
        %parallel_loop3A_306 = arith.constant 1400 : i32
        %parallel_loop3A_307 = vector.broadcast %parallel_loop3A_306 : i32 to vector<16xi32>
        %parallel_loop3A_308 = arith.addi %parallel_loop3A_277, %parallel_loop3A_307 : vector<16xi32>
        %parallel_loop3A_309 = tpu.vector_load_idx %arg5[%parallel_loop3A_308] : memref<3200xf32, #tpu.memory_space<vmem>>[vector<16xi32>], vector<16xf32>,
        %parallel_loop3A_310 = arith.constant 1600 : i32
        %parallel_loop3A_311 = vector.broadcast %parallel_loop3A_310 : i32 to vector<16xi32>
        %parallel_loop3A_312 = arith.addi %parallel_loop3A_277, %parallel_loop3A_311 : vector<16xi32>
        %parallel_loop3A_313 = tpu.vector_load_idx %arg5[%parallel_loop3A_312] : memref<3200xf32, #tpu.memory_space<vmem>>[vector<16xi32>], vector<16xf32>,
        %parallel_loop3A_314 = arith.constant 1800 : i32
        %parallel_loop3A_315 = vector.broadcast %parallel_loop3A_314 : i32 to vector<16xi32>
        %parallel_loop3A_316 = arith.addi %parallel_loop3A_277, %parallel_loop3A_315 : vector<16xi32>
        %parallel_loop3A_317 = tpu.vector_load_idx %arg5[%parallel_loop3A_316] : memref<3200xf32, #tpu.memory_space<vmem>>[vector<16xi32>], vector<16xf32>,
        %parallel_loop3A_318 = arith.constant 2000 : i32
        %parallel_loop3A_319 = vector.broadcast %parallel_loop3A_318 : i32 to vector<16xi32>
        %parallel_loop3A_320 = arith.addi %parallel_loop3A_277, %parallel_loop3A_319 : vector<16xi32>
        %parallel_loop3A_321 = tpu.vector_load_idx %arg5[%parallel_loop3A_320] : memref<3200xf32, #tpu.memory_space<vmem>>[vector<16xi32>], vector<16xf32>,
        %parallel_loop3A_322 = arith.constant 2200 : i32
        %parallel_loop3A_323 = vector.broadcast %parallel_loop3A_322 : i32 to vector<16xi32>
        %parallel_loop3A_324 = arith.addi %parallel_loop3A_277, %parallel_loop3A_323 : vector<16xi32>
        %parallel_loop3A_325 = tpu.vector_load_idx %arg5[%parallel_loop3A_324] : memref<3200xf32, #tpu.memory_space<vmem>>[vector<16xi32>], vector<16xf32>,
        %parallel_loop3A_326 = arith.constant 2400 : i32
        %parallel_loop3A_327 = vector.broadcast %parallel_loop3A_326 : i32 to vector<16xi32>
        %parallel_loop3A_328 = arith.addi %parallel_loop3A_277, %parallel_loop3A_327 : vector<16xi32>
        %parallel_loop3A_329 = tpu.vector_load_idx %arg5[%parallel_loop3A_328] : memref<3200xf32, #tpu.memory_space<vmem>>[vector<16xi32>], vector<16xf32>,
        %parallel_loop3A_330 = arith.constant 2600 : i32
        %parallel_loop3A_331 = vector.broadcast %parallel_loop3A_330 : i32 to vector<16xi32>
        %parallel_loop3A_332 = arith.addi %parallel_loop3A_277, %parallel_loop3A_331 : vector<16xi32>
        %parallel_loop3A_333 = tpu.vector_load_idx %arg5[%parallel_loop3A_332] : memref<3200xf32, #tpu.memory_space<vmem>>[vector<16xi32>], vector<16xf32>,
        %parallel_loop3A_334 = arith.constant 2800 : i32
        %parallel_loop3A_335 = vector.broadcast %parallel_loop3A_334 : i32 to vector<16xi32>
        %parallel_loop3A_336 = arith.addi %parallel_loop3A_277, %parallel_loop3A_335 : vector<16xi32>
        %parallel_loop3A_337 = tpu.vector_load_idx %arg5[%parallel_loop3A_336] : memref<3200xf32, #tpu.memory_space<vmem>>[vector<16xi32>], vector<16xf32>,
        %parallel_loop3A_338 = arith.constant 3000 : i32
        %parallel_loop3A_339 = vector.broadcast %parallel_loop3A_338 : i32 to vector<16xi32>
        %parallel_loop3A_340 = arith.addi %parallel_loop3A_277, %parallel_loop3A_339 : vector<16xi32>
        %parallel_loop3A_341 = tpu.vector_load_idx %arg5[%parallel_loop3A_340] : memref<3200xf32, #tpu.memory_space<vmem>>[vector<16xi32>], vector<16xf32>,
        %parallel_loop3A_342 = arith.constant 16 : i32
        %parallel_loop3A_343 = arith.muli %parallel_loop3A_270, %parallel_loop3A_342 : i32
        %parallel_loop3A_344 = arith.constant 2 : i32
        %parallel_loop3A_345 = arith.constant 0 : i32
        %parallel_loop3A_346 = arith.index_cast %parallel_loop3A_344 : i32 to index
        %parallel_loop3A_347 = arith.index_cast %parallel_loop3A_345 : i32 to index
        %parallel_loop3A_348 = arith.index_cast %parallel_loop3A_343 : i32 to index
        %parallel_loop3A_349 = tpu.vector_load %arg7[%parallel_loop3A_346, %parallel_loop3A_347, %parallel_loop3A_348] {strides = array<i32>} : memref<4x16x1024xf32, #tpu.memory_space<vmem>>, vector<16xf32>,
        tpu.vector_store %arg7[%parallel_loop3A_346, %parallel_loop3A_347, %parallel_loop3A_348], %parallel_loop3A_281 {strides = array<i32>} : memref<4x16x1024xf32, #tpu.memory_space<vmem>>, vector<16xf32>,
        %parallel_loop3A_350 = arith.constant 16 : i32
        %parallel_loop3A_351 = arith.muli %parallel_loop3A_270, %parallel_loop3A_350 : i32
        %parallel_loop3A_352 = arith.constant 2 : i32
        %parallel_loop3A_353 = arith.constant 1 : i32
        %parallel_loop3A_354 = arith.index_cast %parallel_loop3A_352 : i32 to index
        %parallel_loop3A_355 = arith.index_cast %parallel_loop3A_353 : i32 to index
        %parallel_loop3A_356 = arith.index_cast %parallel_loop3A_351 : i32 to index
        %parallel_loop3A_357 = tpu.vector_load %arg7[%parallel_loop3A_354, %parallel_loop3A_355, %parallel_loop3A_356] {strides = array<i32>} : memref<4x16x1024xf32, #tpu.memory_space<vmem>>, vector<16xf32>,
        tpu.vector_store %arg7[%parallel_loop3A_354, %parallel_loop3A_355, %parallel_loop3A_356], %parallel_loop3A_285 {strides = array<i32>} : memref<4x16x1024xf32, #tpu.memory_space<vmem>>, vector<16xf32>,
        %parallel_loop3A_358 = arith.constant 16 : i32
        %parallel_loop3A_359 = arith.muli %parallel_loop3A_270, %parallel_loop3A_358 : i32
        %parallel_loop3A_360 = arith.constant 2 : i32
        %parallel_loop3A_361 = arith.constant 2 : i32
        %parallel_loop3A_362 = arith.index_cast %parallel_loop3A_360 : i32 to index
        %parallel_loop3A_363 = arith.index_cast %parallel_loop3A_361 : i32 to index
        %parallel_loop3A_364 = arith.index_cast %parallel_loop3A_359 : i32 to index
        %parallel_loop3A_365 = tpu.vector_load %arg7[%parallel_loop3A_362, %parallel_loop3A_363, %parallel_loop3A_364] {strides = array<i32>} : memref<4x16x1024xf32, #tpu.memory_space<vmem>>, vector<16xf32>,
        tpu.vector_store %arg7[%parallel_loop3A_362, %parallel_loop3A_363, %parallel_loop3A_364], %parallel_loop3A_289 {strides = array<i32>} : memref<4x16x1024xf32, #tpu.memory_space<vmem>>, vector<16xf32>,
        %parallel_loop3A_366 = arith.constant 16 : i32
        %parallel_loop3A_367 = arith.muli %parallel_loop3A_270, %parallel_loop3A_366 : i32
        %parallel_loop3A_368 = arith.constant 2 : i32
        %parallel_loop3A_369 = arith.constant 3 : i32
        %parallel_loop3A_370 = arith.index_cast %parallel_loop3A_368 : i32 to index
        %parallel_loop3A_371 = arith.index_cast %parallel_loop3A_369 : i32 to index
        %parallel_loop3A_372 = arith.index_cast %parallel_loop3A_367 : i32 to index
        %parallel_loop3A_373 = tpu.vector_load %arg7[%parallel_loop3A_370, %parallel_loop3A_371, %parallel_loop3A_372] {strides = array<i32>} : memref<4x16x1024xf32, #tpu.memory_space<vmem>>, vector<16xf32>,
        tpu.vector_store %arg7[%parallel_loop3A_370, %parallel_loop3A_371, %parallel_loop3A_372], %parallel_loop3A_293 {strides = array<i32>} : memref<4x16x1024xf32, #tpu.memory_space<vmem>>, vector<16xf32>,
        %parallel_loop3A_374 = arith.constant 16 : i32
        %parallel_loop3A_375 = arith.muli %parallel_loop3A_270, %parallel_loop3A_374 : i32
        %parallel_loop3A_376 = arith.constant 2 : i32
        %parallel_loop3A_377 = arith.constant 4 : i32
        %parallel_loop3A_378 = arith.index_cast %parallel_loop3A_376 : i32 to index
        %parallel_loop3A_379 = arith.index_cast %parallel_loop3A_377 : i32 to index
        %parallel_loop3A_380 = arith.index_cast %parallel_loop3A_375 : i32 to index
        %parallel_loop3A_381 = tpu.vector_load %arg7[%parallel_loop3A_378, %parallel_loop3A_379, %parallel_loop3A_380] {strides = array<i32>} : memref<4x16x1024xf32, #tpu.memory_space<vmem>>, vector<16xf32>,
        tpu.vector_store %arg7[%parallel_loop3A_378, %parallel_loop3A_379, %parallel_loop3A_380], %parallel_loop3A_297 {strides = array<i32>} : memref<4x16x1024xf32, #tpu.memory_space<vmem>>, vector<16xf32>,
        %parallel_loop3A_382 = arith.constant 16 : i32
        %parallel_loop3A_383 = arith.muli %parallel_loop3A_270, %parallel_loop3A_382 : i32
        %parallel_loop3A_384 = arith.constant 2 : i32
        %parallel_loop3A_385 = arith.constant 5 : i32
        %parallel_loop3A_386 = arith.index_cast %parallel_loop3A_384 : i32 to index
        %parallel_loop3A_387 = arith.index_cast %parallel_loop3A_385 : i32 to index
        %parallel_loop3A_388 = arith.index_cast %parallel_loop3A_383 : i32 to index
        %parallel_loop3A_389 = tpu.vector_load %arg7[%parallel_loop3A_386, %parallel_loop3A_387, %parallel_loop3A_388] {strides = array<i32>} : memref<4x16x1024xf32, #tpu.memory_space<vmem>>, vector<16xf32>,
        tpu.vector_store %arg7[%parallel_loop3A_386, %parallel_loop3A_387, %parallel_loop3A_388], %parallel_loop3A_301 {strides = array<i32>} : memref<4x16x1024xf32, #tpu.memory_space<vmem>>, vector<16xf32>,
        %parallel_loop3A_390 = arith.constant 16 : i32
        %parallel_loop3A_391 = arith.muli %parallel_loop3A_270, %parallel_loop3A_390 : i32
        %parallel_loop3A_392 = arith.constant 2 : i32
        %parallel_loop3A_393 = arith.constant 6 : i32
        %parallel_loop3A_394 = arith.index_cast %parallel_loop3A_392 : i32 to index
        %parallel_loop3A_395 = arith.index_cast %parallel_loop3A_393 : i32 to index
        %parallel_loop3A_396 = arith.index_cast %parallel_loop3A_391 : i32 to index
        %parallel_loop3A_397 = tpu.vector_load %arg7[%parallel_loop3A_394, %parallel_loop3A_395, %parallel_loop3A_396] {strides = array<i32>} : memref<4x16x1024xf32, #tpu.memory_space<vmem>>, vector<16xf32>,
        tpu.vector_store %arg7[%parallel_loop3A_394, %parallel_loop3A_395, %parallel_loop3A_396], %parallel_loop3A_305 {strides = array<i32>} : memref<4x16x1024xf32, #tpu.memory_space<vmem>>, vector<16xf32>,
        %parallel_loop3A_398 = arith.constant 16 : i32
        %parallel_loop3A_399 = arith.muli %parallel_loop3A_270, %parallel_loop3A_398 : i32
        %parallel_loop3A_400 = arith.constant 2 : i32
        %parallel_loop3A_401 = arith.constant 7 : i32
        %parallel_loop3A_402 = arith.index_cast %parallel_loop3A_400 : i32 to index
        %parallel_loop3A_403 = arith.index_cast %parallel_loop3A_401 : i32 to index
        %parallel_loop3A_404 = arith.index_cast %parallel_loop3A_399 : i32 to index
        %parallel_loop3A_405 = tpu.vector_load %arg7[%parallel_loop3A_402, %parallel_loop3A_403, %parallel_loop3A_404] {strides = array<i32>} : memref<4x16x1024xf32, #tpu.memory_space<vmem>>, vector<16xf32>,
        tpu.vector_store %arg7[%parallel_loop3A_402, %parallel_loop3A_403, %parallel_loop3A_404], %parallel_loop3A_309 {strides = array<i32>} : memref<4x16x1024xf32, #tpu.memory_space<vmem>>, vector<16xf32>,
        %parallel_loop3A_406 = arith.constant 16 : i32
        %parallel_loop3A_407 = arith.muli %parallel_loop3A_270, %parallel_loop3A_406 : i32
        %parallel_loop3A_408 = arith.constant 2 : i32
        %parallel_loop3A_409 = arith.constant 8 : i32
        %parallel_loop3A_410 = arith.index_cast %parallel_loop3A_408 : i32 to index
        %parallel_loop3A_411 = arith.index_cast %parallel_loop3A_409 : i32 to index
        %parallel_loop3A_412 = arith.index_cast %parallel_loop3A_407 : i32 to index
        %parallel_loop3A_413 = tpu.vector_load %arg7[%parallel_loop3A_410, %parallel_loop3A_411, %parallel_loop3A_412] {strides = array<i32>} : memref<4x16x1024xf32, #tpu.memory_space<vmem>>, vector<16xf32>,
        tpu.vector_store %arg7[%parallel_loop3A_410, %parallel_loop3A_411, %parallel_loop3A_412], %parallel_loop3A_313 {strides = array<i32>} : memref<4x16x1024xf32, #tpu.memory_space<vmem>>, vector<16xf32>,
        %parallel_loop3A_414 = arith.constant 16 : i32
        %parallel_loop3A_415 = arith.muli %parallel_loop3A_270, %parallel_loop3A_414 : i32
        %parallel_loop3A_416 = arith.constant 2 : i32
        %parallel_loop3A_417 = arith.constant 9 : i32
        %parallel_loop3A_418 = arith.index_cast %parallel_loop3A_416 : i32 to index
        %parallel_loop3A_419 = arith.index_cast %parallel_loop3A_417 : i32 to index
        %parallel_loop3A_420 = arith.index_cast %parallel_loop3A_415 : i32 to index
        %parallel_loop3A_421 = tpu.vector_load %arg7[%parallel_loop3A_418, %parallel_loop3A_419, %parallel_loop3A_420] {strides = array<i32>} : memref<4x16x1024xf32, #tpu.memory_space<vmem>>, vector<16xf32>,
        tpu.vector_store %arg7[%parallel_loop3A_418, %parallel_loop3A_419, %parallel_loop3A_420], %parallel_loop3A_317 {strides = array<i32>} : memref<4x16x1024xf32, #tpu.memory_space<vmem>>, vector<16xf32>,
        %parallel_loop3A_422 = arith.constant 16 : i32
        %parallel_loop3A_423 = arith.muli %parallel_loop3A_270, %parallel_loop3A_422 : i32
        %parallel_loop3A_424 = arith.constant 2 : i32
        %parallel_loop3A_425 = arith.constant 10 : i32
        %parallel_loop3A_426 = arith.index_cast %parallel_loop3A_424 : i32 to index
        %parallel_loop3A_427 = arith.index_cast %parallel_loop3A_425 : i32 to index
        %parallel_loop3A_428 = arith.index_cast %parallel_loop3A_423 : i32 to index
        %parallel_loop3A_429 = tpu.vector_load %arg7[%parallel_loop3A_426, %parallel_loop3A_427, %parallel_loop3A_428] {strides = array<i32>} : memref<4x16x1024xf32, #tpu.memory_space<vmem>>, vector<16xf32>,
        tpu.vector_store %arg7[%parallel_loop3A_426, %parallel_loop3A_427, %parallel_loop3A_428], %parallel_loop3A_321 {strides = array<i32>} : memref<4x16x1024xf32, #tpu.memory_space<vmem>>, vector<16xf32>,
        %parallel_loop3A_430 = arith.constant 16 : i32
        %parallel_loop3A_431 = arith.muli %parallel_loop3A_270, %parallel_loop3A_430 : i32
        %parallel_loop3A_432 = arith.constant 2 : i32
        %parallel_loop3A_433 = arith.constant 11 : i32
        %parallel_loop3A_434 = arith.index_cast %parallel_loop3A_432 : i32 to index
        %parallel_loop3A_435 = arith.index_cast %parallel_loop3A_433 : i32 to index
        %parallel_loop3A_436 = arith.index_cast %parallel_loop3A_431 : i32 to index
        %parallel_loop3A_437 = tpu.vector_load %arg7[%parallel_loop3A_434, %parallel_loop3A_435, %parallel_loop3A_436] {strides = array<i32>} : memref<4x16x1024xf32, #tpu.memory_space<vmem>>, vector<16xf32>,
        tpu.vector_store %arg7[%parallel_loop3A_434, %parallel_loop3A_435, %parallel_loop3A_436], %parallel_loop3A_325 {strides = array<i32>} : memref<4x16x1024xf32, #tpu.memory_space<vmem>>, vector<16xf32>,
        %parallel_loop3A_438 = arith.constant 16 : i32
        %parallel_loop3A_439 = arith.muli %parallel_loop3A_270, %parallel_loop3A_438 : i32
        %parallel_loop3A_440 = arith.constant 2 : i32
        %parallel_loop3A_441 = arith.constant 12 : i32
        %parallel_loop3A_442 = arith.index_cast %parallel_loop3A_440 : i32 to index
        %parallel_loop3A_443 = arith.index_cast %parallel_loop3A_441 : i32 to index
        %parallel_loop3A_444 = arith.index_cast %parallel_loop3A_439 : i32 to index
        %parallel_loop3A_445 = tpu.vector_load %arg7[%parallel_loop3A_442, %parallel_loop3A_443, %parallel_loop3A_444] {strides = array<i32>} : memref<4x16x1024xf32, #tpu.memory_space<vmem>>, vector<16xf32>,
        tpu.vector_store %arg7[%parallel_loop3A_442, %parallel_loop3A_443, %parallel_loop3A_444], %parallel_loop3A_329 {strides = array<i32>} : memref<4x16x1024xf32, #tpu.memory_space<vmem>>, vector<16xf32>,
        %parallel_loop3A_446 = arith.constant 16 : i32
        %parallel_loop3A_447 = arith.muli %parallel_loop3A_270, %parallel_loop3A_446 : i32
        %parallel_loop3A_448 = arith.constant 2 : i32
        %parallel_loop3A_449 = arith.constant 13 : i32
        %parallel_loop3A_450 = arith.index_cast %parallel_loop3A_448 : i32 to index
        %parallel_loop3A_451 = arith.index_cast %parallel_loop3A_449 : i32 to index
        %parallel_loop3A_452 = arith.index_cast %parallel_loop3A_447 : i32 to index
        %parallel_loop3A_453 = tpu.vector_load %arg7[%parallel_loop3A_450, %parallel_loop3A_451, %parallel_loop3A_452] {strides = array<i32>} : memref<4x16x1024xf32, #tpu.memory_space<vmem>>, vector<16xf32>,
        tpu.vector_store %arg7[%parallel_loop3A_450, %parallel_loop3A_451, %parallel_loop3A_452], %parallel_loop3A_333 {strides = array<i32>} : memref<4x16x1024xf32, #tpu.memory_space<vmem>>, vector<16xf32>,
        %parallel_loop3A_454 = arith.constant 16 : i32
        %parallel_loop3A_455 = arith.muli %parallel_loop3A_270, %parallel_loop3A_454 : i32
        %parallel_loop3A_456 = arith.constant 2 : i32
        %parallel_loop3A_457 = arith.constant 14 : i32
        %parallel_loop3A_458 = arith.index_cast %parallel_loop3A_456 : i32 to index
        %parallel_loop3A_459 = arith.index_cast %parallel_loop3A_457 : i32 to index
        %parallel_loop3A_460 = arith.index_cast %parallel_loop3A_455 : i32 to index
        %parallel_loop3A_461 = tpu.vector_load %arg7[%parallel_loop3A_458, %parallel_loop3A_459, %parallel_loop3A_460] {strides = array<i32>} : memref<4x16x1024xf32, #tpu.memory_space<vmem>>, vector<16xf32>,
        tpu.vector_store %arg7[%parallel_loop3A_458, %parallel_loop3A_459, %parallel_loop3A_460], %parallel_loop3A_337 {strides = array<i32>} : memref<4x16x1024xf32, #tpu.memory_space<vmem>>, vector<16xf32>,
        %parallel_loop3A_462 = arith.constant 16 : i32
        %parallel_loop3A_463 = arith.muli %parallel_loop3A_270, %parallel_loop3A_462 : i32
        %parallel_loop3A_464 = arith.constant 2 : i32
        %parallel_loop3A_465 = arith.constant 15 : i32
        %parallel_loop3A_466 = arith.index_cast %parallel_loop3A_464 : i32 to index
        %parallel_loop3A_467 = arith.index_cast %parallel_loop3A_465 : i32 to index
        %parallel_loop3A_468 = arith.index_cast %parallel_loop3A_463 : i32 to index
        %parallel_loop3A_469 = tpu.vector_load %arg7[%parallel_loop3A_466, %parallel_loop3A_467, %parallel_loop3A_468] {strides = array<i32>} : memref<4x16x1024xf32, #tpu.memory_space<vmem>>, vector<16xf32>,
        tpu.vector_store %arg7[%parallel_loop3A_466, %parallel_loop3A_467, %parallel_loop3A_468], %parallel_loop3A_341 {strides = array<i32>} : memref<4x16x1024xf32, #tpu.memory_space<vmem>>, vector<16xf32>,
      } {sc.loop_unroll_factor = 2 : i64, sc.parallel_access}
      %dma_start3A_218 = arith.constant 2 : i32
      %dma_start3A_219 = arith.constant 2 : i32
      %dma_start3A_220 = arith.constant 0 : i32
      %dma_start3A_221 = arith.constant 0 : i32
      %dma_start3A_222 = tpu.memref_slice %arg7[%dma_start3A_218, %dma_start3A_220, %dma_start3A_221] : memref<4x16x1024xf32, #tpu.memory_space<vmem>> -> memref<1x16x1024xf32, #tpu.memory_space<vmem>>
      %dma_start3A_223 = tpu.memref_squeeze %dma_start3A_222 : memref<1x16x1024xf32, #tpu.memory_space<vmem>> -> memref<16x1024xf32, #tpu.memory_space<vmem>>
      %dma_start3A_224 = arith.constant 0 : i32
      %dma_start3A_225 = arith.constant 0 : i32
      %dma_start3A_226 = tpu.memref_slice %arg4[%add3A_209, %dma_start3A_224, %dma_start3A_225] : memref<3200x16x1024xf32, #tpu.memory_space<hbm>> -> memref<1x16x1024xf32, #tpu.memory_space<hbm>>
      %dma_start3A_227 = tpu.memref_squeeze %dma_start3A_226 : memref<1x16x1024xf32, #tpu.memory_space<hbm>> -> memref<16x1024xf32, #tpu.memory_space<hbm>>
      %dma_start3A_228 = tpu.memref_slice %arg9[%dma_start3A_219] : memref<4x!tpu.dma_semaphore, #tpu.memory_space<semaphore_mem>> -> memref<1x!tpu.dma_semaphore, #tpu.memory_space<semaphore_mem>>
      %dma_start3A_229 = tpu.memref_squeeze %dma_start3A_228 : memref<1x!tpu.dma_semaphore, #tpu.memory_space<semaphore_mem>> -> memref<!tpu.dma_semaphore, #tpu.memory_space<semaphore_mem>>
      %dma_start3A_230 = arith.constant 0 : i32
      %dma_start3A_231 = arith.constant 0 : i32
      %dma_start3A_232 = tpu.memref_slice %arg4[%add3A_209, %dma_start3A_230, %dma_start3A_231] : memref<3200x16x1024xf32, #tpu.memory_space<hbm>> -> memref<1x16x1024xf32, #tpu.memory_space<hbm>>
      %dma_start3A_233 = tpu.memref_squeeze %dma_start3A_232 : memref<1x16x1024xf32, #tpu.memory_space<hbm>> -> memref<16x1024xf32, #tpu.memory_space<hbm>>
      %dma_start3A_234 = arith.constant 0 : i32
      %dma_start3A_235 = arith.constant 0 : i32
      %dma_start3A_236 = tpu.memref_slice %arg7[%dma_start3A_218, %dma_start3A_234, %dma_start3A_235] : memref<4x16x1024xf32, #tpu.memory_space<vmem>> -> memref<1x16x1024xf32, #tpu.memory_space<vmem>>
      %dma_start3A_237 = tpu.memref_squeeze %dma_start3A_236 : memref<1x16x1024xf32, #tpu.memory_space<vmem>> -> memref<16x1024xf32, #tpu.memory_space<vmem>>
      tpu.enqueue_dma source(%dma_start3A_237 : memref<16x1024xf32, #tpu.memory_space<vmem>>) target(%dma_start3A_233 : memref<16x1024xf32, #tpu.memory_space<hbm>>) target_semaphore(%dma_start3A_229 : memref<!tpu.dma_semaphore, #tpu.memory_space<semaphore_mem>>)
      %mul3A_238 = arith.constant 4 : i32
      %mul3A_239 = arith.muli %add3A_120, %mul3A_238 : i32
      %add3A_240 = arith.constant 3 : i32
      %add3A_241 = arith.addi %mul3A_239, %add3A_240 : i32
      %gt3A_242 = arith.constant 0 : i32
      %gt3A_243 = arith.cmpi sgt, %scan3A_116, %gt3A_242 : i32
      %convert_element_type3A_244 = arith.extui %gt3A_243 : i1 to i32
      %cond3A_245 = arith.constant 0 : i32
      %cond3A_246 = arith.cmpi ne, %convert_element_type3A_244, %cond3A_245 : i32
      scf.if %cond3A_246 {
        %dma_wait3A_270 = arith.constant 3 : i32
        %dma_wait3A_271 = arith.constant 3 : i32
        %dma_wait3A_272 = arith.constant 0 : i32
        %dma_wait3A_273 = arith.constant 0 : i32
        %dma_wait3A_274 = tpu.memref_slice %arg7[%dma_wait3A_270, %dma_wait3A_272, %dma_wait3A_273] : memref<4x16x1024xf32, #tpu.memory_space<vmem>> -> memref<1x16x1024xf32, #tpu.memory_space<vmem>>
        %dma_wait3A_275 = tpu.memref_squeeze %dma_wait3A_274 : memref<1x16x1024xf32, #tpu.memory_space<vmem>> -> memref<16x1024xf32, #tpu.memory_space<vmem>>
        %dma_wait3A_276 = arith.constant 0 : i32
        %dma_wait3A_277 = arith.constant 0 : i32
        %dma_wait3A_278 = tpu.memref_slice %arg4[%add3A_241, %dma_wait3A_276, %dma_wait3A_277] : memref<3200x16x1024xf32, #tpu.memory_space<hbm>> -> memref<1x16x1024xf32, #tpu.memory_space<hbm>>
        %dma_wait3A_279 = tpu.memref_squeeze %dma_wait3A_278 : memref<1x16x1024xf32, #tpu.memory_space<hbm>> -> memref<16x1024xf32, #tpu.memory_space<hbm>>
        %dma_wait3A_280 = tpu.memref_slice %arg9[%dma_wait3A_271] : memref<4x!tpu.dma_semaphore, #tpu.memory_space<semaphore_mem>> -> memref<1x!tpu.dma_semaphore, #tpu.memory_space<semaphore_mem>>
        %dma_wait3A_281 = tpu.memref_squeeze %dma_wait3A_280 : memref<1x!tpu.dma_semaphore, #tpu.memory_space<semaphore_mem>> -> memref<!tpu.dma_semaphore, #tpu.memory_space<semaphore_mem>>
        %dma_wait3A_282 = arith.constant 0 : i32
        %dma_wait3A_283 = arith.constant 0 : i32
        %dma_wait3A_284 = tpu.memref_slice %arg4[%add3A_241, %dma_wait3A_282, %dma_wait3A_283] : memref<3200x16x1024xf32, #tpu.memory_space<hbm>> -> memref<1x16x1024xf32, #tpu.memory_space<hbm>>
        %dma_wait3A_285 = tpu.memref_squeeze %dma_wait3A_284 : memref<1x16x1024xf32, #tpu.memory_space<hbm>> -> memref<16x1024xf32, #tpu.memory_space<hbm>>
        %dma_wait3A_286 = arith.constant 0 : i32
        %dma_wait3A_287 = arith.constant 0 : i32
        %dma_wait3A_288 = tpu.memref_slice %arg7[%dma_wait3A_270, %dma_wait3A_286, %dma_wait3A_287] : memref<4x16x1024xf32, #tpu.memory_space<vmem>> -> memref<1x16x1024xf32, #tpu.memory_space<vmem>>
        %dma_wait3A_289 = tpu.memref_squeeze %dma_wait3A_288 : memref<1x16x1024xf32, #tpu.memory_space<vmem>> -> memref<16x1024xf32, #tpu.memory_space<vmem>>
        tpu.wait_dma2 semaphore(%dma_wait3A_281 : memref<!tpu.dma_semaphore, #tpu.memory_space<semaphore_mem>>) src(%dma_wait3A_289 : memref<16x1024xf32, #tpu.memory_space<vmem>>) dst(%dma_wait3A_285 : memref<16x1024xf32, #tpu.memory_space<hbm>>)
      } else {
      }
      %parallel_loop3A_247 = arith.constant 0 : i32
      %parallel_loop3A_248 = arith.constant 64 : i32
      %parallel_loop3A_249 = arith.constant 1 : i32
      scf.for %parallel_loop3A_270 = %parallel_loop3A_247 to %parallel_loop3A_248 step %parallel_loop3A_249  : i32 {
        %parallel_loop3A_271 = arith.constant 16 : i32
        %parallel_loop3A_272 = arith.muli %parallel_loop3A_270, %parallel_loop3A_271 : i32
        %parallel_loop3A_273 = arith.constant 3 : i32
        %parallel_loop3A_274 = arith.index_cast %rem3A_117 : i32 to index
        %parallel_loop3A_275 = arith.index_cast %parallel_loop3A_273 : i32 to index
        %parallel_loop3A_276 = arith.index_cast %parallel_loop3A_272 : i32 to index
        %parallel_loop3A_277 = tpu.vector_load %arg6[%parallel_loop3A_274, %parallel_loop3A_275, %parallel_loop3A_276] {strides = array<i32>} : memref<2x4x1024xi32, #tpu.memory_space<vmem>>, vector<16xi32>,
        %parallel_loop3A_278 = arith.constant 0 : i32
        %parallel_loop3A_279 = vector.broadcast %parallel_loop3A_278 : i32 to vector<16xi32>
        %parallel_loop3A_280 = arith.addi %parallel_loop3A_277, %parallel_loop3A_279 : vector<16xi32>
        %parallel_loop3A_281 = tpu.vector_load_idx %arg5[%parallel_loop3A_280] : memref<3200xf32, #tpu.memory_space<vmem>>[vector<16xi32>], vector<16xf32>,
        %parallel_loop3A_282 = arith.constant 200 : i32
        %parallel_loop3A_283 = vector.broadcast %parallel_loop3A_282 : i32 to vector<16xi32>
        %parallel_loop3A_284 = arith.addi %parallel_loop3A_277, %parallel_loop3A_283 : vector<16xi32>
        %parallel_loop3A_285 = tpu.vector_load_idx %arg5[%parallel_loop3A_284] : memref<3200xf32, #tpu.memory_space<vmem>>[vector<16xi32>], vector<16xf32>,
        %parallel_loop3A_286 = arith.constant 400 : i32
        %parallel_loop3A_287 = vector.broadcast %parallel_loop3A_286 : i32 to vector<16xi32>
        %parallel_loop3A_288 = arith.addi %parallel_loop3A_277, %parallel_loop3A_287 : vector<16xi32>
        %parallel_loop3A_289 = tpu.vector_load_idx %arg5[%parallel_loop3A_288] : memref<3200xf32, #tpu.memory_space<vmem>>[vector<16xi32>], vector<16xf32>,
        %parallel_loop3A_290 = arith.constant 600 : i32
        %parallel_loop3A_291 = vector.broadcast %parallel_loop3A_290 : i32 to vector<16xi32>
        %parallel_loop3A_292 = arith.addi %parallel_loop3A_277, %parallel_loop3A_291 : vector<16xi32>
        %parallel_loop3A_293 = tpu.vector_load_idx %arg5[%parallel_loop3A_292] : memref<3200xf32, #tpu.memory_space<vmem>>[vector<16xi32>], vector<16xf32>,
        %parallel_loop3A_294 = arith.constant 800 : i32
        %parallel_loop3A_295 = vector.broadcast %parallel_loop3A_294 : i32 to vector<16xi32>
        %parallel_loop3A_296 = arith.addi %parallel_loop3A_277, %parallel_loop3A_295 : vector<16xi32>
        %parallel_loop3A_297 = tpu.vector_load_idx %arg5[%parallel_loop3A_296] : memref<3200xf32, #tpu.memory_space<vmem>>[vector<16xi32>], vector<16xf32>,
        %parallel_loop3A_298 = arith.constant 1000 : i32
        %parallel_loop3A_299 = vector.broadcast %parallel_loop3A_298 : i32 to vector<16xi32>
        %parallel_loop3A_300 = arith.addi %parallel_loop3A_277, %parallel_loop3A_299 : vector<16xi32>
        %parallel_loop3A_301 = tpu.vector_load_idx %arg5[%parallel_loop3A_300] : memref<3200xf32, #tpu.memory_space<vmem>>[vector<16xi32>], vector<16xf32>,
        %parallel_loop3A_302 = arith.constant 1200 : i32
        %parallel_loop3A_303 = vector.broadcast %parallel_loop3A_302 : i32 to vector<16xi32>
        %parallel_loop3A_304 = arith.addi %parallel_loop3A_277, %parallel_loop3A_303 : vector<16xi32>
        %parallel_loop3A_305 = tpu.vector_load_idx %arg5[%parallel_loop3A_304] : memref<3200xf32, #tpu.memory_space<vmem>>[vector<16xi32>], vector<16xf32>,
        %parallel_loop3A_306 = arith.constant 1400 : i32
        %parallel_loop3A_307 = vector.broadcast %parallel_loop3A_306 : i32 to vector<16xi32>
        %parallel_loop3A_308 = arith.addi %parallel_loop3A_277, %parallel_loop3A_307 : vector<16xi32>
        %parallel_loop3A_309 = tpu.vector_load_idx %arg5[%parallel_loop3A_308] : memref<3200xf32, #tpu.memory_space<vmem>>[vector<16xi32>], vector<16xf32>,
        %parallel_loop3A_310 = arith.constant 1600 : i32
        %parallel_loop3A_311 = vector.broadcast %parallel_loop3A_310 : i32 to vector<16xi32>
        %parallel_loop3A_312 = arith.addi %parallel_loop3A_277, %parallel_loop3A_311 : vector<16xi32>
        %parallel_loop3A_313 = tpu.vector_load_idx %arg5[%parallel_loop3A_312] : memref<3200xf32, #tpu.memory_space<vmem>>[vector<16xi32>], vector<16xf32>,
        %parallel_loop3A_314 = arith.constant 1800 : i32
        %parallel_loop3A_315 = vector.broadcast %parallel_loop3A_314 : i32 to vector<16xi32>
        %parallel_loop3A_316 = arith.addi %parallel_loop3A_277, %parallel_loop3A_315 : vector<16xi32>
        %parallel_loop3A_317 = tpu.vector_load_idx %arg5[%parallel_loop3A_316] : memref<3200xf32, #tpu.memory_space<vmem>>[vector<16xi32>], vector<16xf32>,
        %parallel_loop3A_318 = arith.constant 2000 : i32
        %parallel_loop3A_319 = vector.broadcast %parallel_loop3A_318 : i32 to vector<16xi32>
        %parallel_loop3A_320 = arith.addi %parallel_loop3A_277, %parallel_loop3A_319 : vector<16xi32>
        %parallel_loop3A_321 = tpu.vector_load_idx %arg5[%parallel_loop3A_320] : memref<3200xf32, #tpu.memory_space<vmem>>[vector<16xi32>], vector<16xf32>,
        %parallel_loop3A_322 = arith.constant 2200 : i32
        %parallel_loop3A_323 = vector.broadcast %parallel_loop3A_322 : i32 to vector<16xi32>
        %parallel_loop3A_324 = arith.addi %parallel_loop3A_277, %parallel_loop3A_323 : vector<16xi32>
        %parallel_loop3A_325 = tpu.vector_load_idx %arg5[%parallel_loop3A_324] : memref<3200xf32, #tpu.memory_space<vmem>>[vector<16xi32>], vector<16xf32>,
        %parallel_loop3A_326 = arith.constant 2400 : i32
        %parallel_loop3A_327 = vector.broadcast %parallel_loop3A_326 : i32 to vector<16xi32>
        %parallel_loop3A_328 = arith.addi %parallel_loop3A_277, %parallel_loop3A_327 : vector<16xi32>
        %parallel_loop3A_329 = tpu.vector_load_idx %arg5[%parallel_loop3A_328] : memref<3200xf32, #tpu.memory_space<vmem>>[vector<16xi32>], vector<16xf32>,
        %parallel_loop3A_330 = arith.constant 2600 : i32
        %parallel_loop3A_331 = vector.broadcast %parallel_loop3A_330 : i32 to vector<16xi32>
        %parallel_loop3A_332 = arith.addi %parallel_loop3A_277, %parallel_loop3A_331 : vector<16xi32>
        %parallel_loop3A_333 = tpu.vector_load_idx %arg5[%parallel_loop3A_332] : memref<3200xf32, #tpu.memory_space<vmem>>[vector<16xi32>], vector<16xf32>,
        %parallel_loop3A_334 = arith.constant 2800 : i32
        %parallel_loop3A_335 = vector.broadcast %parallel_loop3A_334 : i32 to vector<16xi32>
        %parallel_loop3A_336 = arith.addi %parallel_loop3A_277, %parallel_loop3A_335 : vector<16xi32>
        %parallel_loop3A_337 = tpu.vector_load_idx %arg5[%parallel_loop3A_336] : memref<3200xf32, #tpu.memory_space<vmem>>[vector<16xi32>], vector<16xf32>,
        %parallel_loop3A_338 = arith.constant 3000 : i32
        %parallel_loop3A_339 = vector.broadcast %parallel_loop3A_338 : i32 to vector<16xi32>
        %parallel_loop3A_340 = arith.addi %parallel_loop3A_277, %parallel_loop3A_339 : vector<16xi32>
        %parallel_loop3A_341 = tpu.vector_load_idx %arg5[%parallel_loop3A_340] : memref<3200xf32, #tpu.memory_space<vmem>>[vector<16xi32>], vector<16xf32>,
        %parallel_loop3A_342 = arith.constant 16 : i32
        %parallel_loop3A_343 = arith.muli %parallel_loop3A_270, %parallel_loop3A_342 : i32
        %parallel_loop3A_344 = arith.constant 3 : i32
        %parallel_loop3A_345 = arith.constant 0 : i32
        %parallel_loop3A_346 = arith.index_cast %parallel_loop3A_344 : i32 to index
        %parallel_loop3A_347 = arith.index_cast %parallel_loop3A_345 : i32 to index
        %parallel_loop3A_348 = arith.index_cast %parallel_loop3A_343 : i32 to index
        %parallel_loop3A_349 = tpu.vector_load %arg7[%parallel_loop3A_346, %parallel_loop3A_347, %parallel_loop3A_348] {strides = array<i32>} : memref<4x16x1024xf32, #tpu.memory_space<vmem>>, vector<16xf32>,
        tpu.vector_store %arg7[%parallel_loop3A_346, %parallel_loop3A_347, %parallel_loop3A_348], %parallel_loop3A_281 {strides = array<i32>} : memref<4x16x1024xf32, #tpu.memory_space<vmem>>, vector<16xf32>,
        %parallel_loop3A_350 = arith.constant 16 : i32
        %parallel_loop3A_351 = arith.muli %parallel_loop3A_270, %parallel_loop3A_350 : i32
        %parallel_loop3A_352 = arith.constant 3 : i32
        %parallel_loop3A_353 = arith.constant 1 : i32
        %parallel_loop3A_354 = arith.index_cast %parallel_loop3A_352 : i32 to index
        %parallel_loop3A_355 = arith.index_cast %parallel_loop3A_353 : i32 to index
        %parallel_loop3A_356 = arith.index_cast %parallel_loop3A_351 : i32 to index
        %parallel_loop3A_357 = tpu.vector_load %arg7[%parallel_loop3A_354, %parallel_loop3A_355, %parallel_loop3A_356] {strides = array<i32>} : memref<4x16x1024xf32, #tpu.memory_space<vmem>>, vector<16xf32>,
        tpu.vector_store %arg7[%parallel_loop3A_354, %parallel_loop3A_355, %parallel_loop3A_356], %parallel_loop3A_285 {strides = array<i32>} : memref<4x16x1024xf32, #tpu.memory_space<vmem>>, vector<16xf32>,
        %parallel_loop3A_358 = arith.constant 16 : i32
        %parallel_loop3A_359 = arith.muli %parallel_loop3A_270, %parallel_loop3A_358 : i32
        %parallel_loop3A_360 = arith.constant 3 : i32
        %parallel_loop3A_361 = arith.constant 2 : i32
        %parallel_loop3A_362 = arith.index_cast %parallel_loop3A_360 : i32 to index
        %parallel_loop3A_363 = arith.index_cast %parallel_loop3A_361 : i32 to index
        %parallel_loop3A_364 = arith.index_cast %parallel_loop3A_359 : i32 to index
        %parallel_loop3A_365 = tpu.vector_load %arg7[%parallel_loop3A_362, %parallel_loop3A_363, %parallel_loop3A_364] {strides = array<i32>} : memref<4x16x1024xf32, #tpu.memory_space<vmem>>, vector<16xf32>,
        tpu.vector_store %arg7[%parallel_loop3A_362, %parallel_loop3A_363, %parallel_loop3A_364], %parallel_loop3A_289 {strides = array<i32>} : memref<4x16x1024xf32, #tpu.memory_space<vmem>>, vector<16xf32>,
        %parallel_loop3A_366 = arith.constant 16 : i32
        %parallel_loop3A_367 = arith.muli %parallel_loop3A_270, %parallel_loop3A_366 : i32
        %parallel_loop3A_368 = arith.constant 3 : i32
        %parallel_loop3A_369 = arith.constant 3 : i32
        %parallel_loop3A_370 = arith.index_cast %parallel_loop3A_368 : i32 to index
        %parallel_loop3A_371 = arith.index_cast %parallel_loop3A_369 : i32 to index
        %parallel_loop3A_372 = arith.index_cast %parallel_loop3A_367 : i32 to index
        %parallel_loop3A_373 = tpu.vector_load %arg7[%parallel_loop3A_370, %parallel_loop3A_371, %parallel_loop3A_372] {strides = array<i32>} : memref<4x16x1024xf32, #tpu.memory_space<vmem>>, vector<16xf32>,
        tpu.vector_store %arg7[%parallel_loop3A_370, %parallel_loop3A_371, %parallel_loop3A_372], %parallel_loop3A_293 {strides = array<i32>} : memref<4x16x1024xf32, #tpu.memory_space<vmem>>, vector<16xf32>,
        %parallel_loop3A_374 = arith.constant 16 : i32
        %parallel_loop3A_375 = arith.muli %parallel_loop3A_270, %parallel_loop3A_374 : i32
        %parallel_loop3A_376 = arith.constant 3 : i32
        %parallel_loop3A_377 = arith.constant 4 : i32
        %parallel_loop3A_378 = arith.index_cast %parallel_loop3A_376 : i32 to index
        %parallel_loop3A_379 = arith.index_cast %parallel_loop3A_377 : i32 to index
        %parallel_loop3A_380 = arith.index_cast %parallel_loop3A_375 : i32 to index
        %parallel_loop3A_381 = tpu.vector_load %arg7[%parallel_loop3A_378, %parallel_loop3A_379, %parallel_loop3A_380] {strides = array<i32>} : memref<4x16x1024xf32, #tpu.memory_space<vmem>>, vector<16xf32>,
        tpu.vector_store %arg7[%parallel_loop3A_378, %parallel_loop3A_379, %parallel_loop3A_380], %parallel_loop3A_297 {strides = array<i32>} : memref<4x16x1024xf32, #tpu.memory_space<vmem>>, vector<16xf32>,
        %parallel_loop3A_382 = arith.constant 16 : i32
        %parallel_loop3A_383 = arith.muli %parallel_loop3A_270, %parallel_loop3A_382 : i32
        %parallel_loop3A_384 = arith.constant 3 : i32
        %parallel_loop3A_385 = arith.constant 5 : i32
        %parallel_loop3A_386 = arith.index_cast %parallel_loop3A_384 : i32 to index
        %parallel_loop3A_387 = arith.index_cast %parallel_loop3A_385 : i32 to index
        %parallel_loop3A_388 = arith.index_cast %parallel_loop3A_383 : i32 to index
        %parallel_loop3A_389 = tpu.vector_load %arg7[%parallel_loop3A_386, %parallel_loop3A_387, %parallel_loop3A_388] {strides = array<i32>} : memref<4x16x1024xf32, #tpu.memory_space<vmem>>, vector<16xf32>,
        tpu.vector_store %arg7[%parallel_loop3A_386, %parallel_loop3A_387, %parallel_loop3A_388], %parallel_loop3A_301 {strides = array<i32>} : memref<4x16x1024xf32, #tpu.memory_space<vmem>>, vector<16xf32>,
        %parallel_loop3A_390 = arith.constant 16 : i32
        %parallel_loop3A_391 = arith.muli %parallel_loop3A_270, %parallel_loop3A_390 : i32
        %parallel_loop3A_392 = arith.constant 3 : i32
        %parallel_loop3A_393 = arith.constant 6 : i32
        %parallel_loop3A_394 = arith.index_cast %parallel_loop3A_392 : i32 to index
        %parallel_loop3A_395 = arith.index_cast %parallel_loop3A_393 : i32 to index
        %parallel_loop3A_396 = arith.index_cast %parallel_loop3A_391 : i32 to index
        %parallel_loop3A_397 = tpu.vector_load %arg7[%parallel_loop3A_394, %parallel_loop3A_395, %parallel_loop3A_396] {strides = array<i32>} : memref<4x16x1024xf32, #tpu.memory_space<vmem>>, vector<16xf32>,
        tpu.vector_store %arg7[%parallel_loop3A_394, %parallel_loop3A_395, %parallel_loop3A_396], %parallel_loop3A_305 {strides = array<i32>} : memref<4x16x1024xf32, #tpu.memory_space<vmem>>, vector<16xf32>,
        %parallel_loop3A_398 = arith.constant 16 : i32
        %parallel_loop3A_399 = arith.muli %parallel_loop3A_270, %parallel_loop3A_398 : i32
        %parallel_loop3A_400 = arith.constant 3 : i32
        %parallel_loop3A_401 = arith.constant 7 : i32
        %parallel_loop3A_402 = arith.index_cast %parallel_loop3A_400 : i32 to index
        %parallel_loop3A_403 = arith.index_cast %parallel_loop3A_401 : i32 to index
        %parallel_loop3A_404 = arith.index_cast %parallel_loop3A_399 : i32 to index
        %parallel_loop3A_405 = tpu.vector_load %arg7[%parallel_loop3A_402, %parallel_loop3A_403, %parallel_loop3A_404] {strides = array<i32>} : memref<4x16x1024xf32, #tpu.memory_space<vmem>>, vector<16xf32>,
        tpu.vector_store %arg7[%parallel_loop3A_402, %parallel_loop3A_403, %parallel_loop3A_404], %parallel_loop3A_309 {strides = array<i32>} : memref<4x16x1024xf32, #tpu.memory_space<vmem>>, vector<16xf32>,
        %parallel_loop3A_406 = arith.constant 16 : i32
        %parallel_loop3A_407 = arith.muli %parallel_loop3A_270, %parallel_loop3A_406 : i32
        %parallel_loop3A_408 = arith.constant 3 : i32
        %parallel_loop3A_409 = arith.constant 8 : i32
        %parallel_loop3A_410 = arith.index_cast %parallel_loop3A_408 : i32 to index
        %parallel_loop3A_411 = arith.index_cast %parallel_loop3A_409 : i32 to index
        %parallel_loop3A_412 = arith.index_cast %parallel_loop3A_407 : i32 to index
        %parallel_loop3A_413 = tpu.vector_load %arg7[%parallel_loop3A_410, %parallel_loop3A_411, %parallel_loop3A_412] {strides = array<i32>} : memref<4x16x1024xf32, #tpu.memory_space<vmem>>, vector<16xf32>,
        tpu.vector_store %arg7[%parallel_loop3A_410, %parallel_loop3A_411, %parallel_loop3A_412], %parallel_loop3A_313 {strides = array<i32>} : memref<4x16x1024xf32, #tpu.memory_space<vmem>>, vector<16xf32>,
        %parallel_loop3A_414 = arith.constant 16 : i32
        %parallel_loop3A_415 = arith.muli %parallel_loop3A_270, %parallel_loop3A_414 : i32
        %parallel_loop3A_416 = arith.constant 3 : i32
        %parallel_loop3A_417 = arith.constant 9 : i32
        %parallel_loop3A_418 = arith.index_cast %parallel_loop3A_416 : i32 to index
        %parallel_loop3A_419 = arith.index_cast %parallel_loop3A_417 : i32 to index
        %parallel_loop3A_420 = arith.index_cast %parallel_loop3A_415 : i32 to index
        %parallel_loop3A_421 = tpu.vector_load %arg7[%parallel_loop3A_418, %parallel_loop3A_419, %parallel_loop3A_420] {strides = array<i32>} : memref<4x16x1024xf32, #tpu.memory_space<vmem>>, vector<16xf32>,
        tpu.vector_store %arg7[%parallel_loop3A_418, %parallel_loop3A_419, %parallel_loop3A_420], %parallel_loop3A_317 {strides = array<i32>} : memref<4x16x1024xf32, #tpu.memory_space<vmem>>, vector<16xf32>,
        %parallel_loop3A_422 = arith.constant 16 : i32
        %parallel_loop3A_423 = arith.muli %parallel_loop3A_270, %parallel_loop3A_422 : i32
        %parallel_loop3A_424 = arith.constant 3 : i32
        %parallel_loop3A_425 = arith.constant 10 : i32
        %parallel_loop3A_426 = arith.index_cast %parallel_loop3A_424 : i32 to index
        %parallel_loop3A_427 = arith.index_cast %parallel_loop3A_425 : i32 to index
        %parallel_loop3A_428 = arith.index_cast %parallel_loop3A_423 : i32 to index
        %parallel_loop3A_429 = tpu.vector_load %arg7[%parallel_loop3A_426, %parallel_loop3A_427, %parallel_loop3A_428] {strides = array<i32>} : memref<4x16x1024xf32, #tpu.memory_space<vmem>>, vector<16xf32>,
        tpu.vector_store %arg7[%parallel_loop3A_426, %parallel_loop3A_427, %parallel_loop3A_428], %parallel_loop3A_321 {strides = array<i32>} : memref<4x16x1024xf32, #tpu.memory_space<vmem>>, vector<16xf32>,
        %parallel_loop3A_430 = arith.constant 16 : i32
        %parallel_loop3A_431 = arith.muli %parallel_loop3A_270, %parallel_loop3A_430 : i32
        %parallel_loop3A_432 = arith.constant 3 : i32
        %parallel_loop3A_433 = arith.constant 11 : i32
        %parallel_loop3A_434 = arith.index_cast %parallel_loop3A_432 : i32 to index
        %parallel_loop3A_435 = arith.index_cast %parallel_loop3A_433 : i32 to index
        %parallel_loop3A_436 = arith.index_cast %parallel_loop3A_431 : i32 to index
        %parallel_loop3A_437 = tpu.vector_load %arg7[%parallel_loop3A_434, %parallel_loop3A_435, %parallel_loop3A_436] {strides = array<i32>} : memref<4x16x1024xf32, #tpu.memory_space<vmem>>, vector<16xf32>,
        tpu.vector_store %arg7[%parallel_loop3A_434, %parallel_loop3A_435, %parallel_loop3A_436], %parallel_loop3A_325 {strides = array<i32>} : memref<4x16x1024xf32, #tpu.memory_space<vmem>>, vector<16xf32>,
        %parallel_loop3A_438 = arith.constant 16 : i32
        %parallel_loop3A_439 = arith.muli %parallel_loop3A_270, %parallel_loop3A_438 : i32
        %parallel_loop3A_440 = arith.constant 3 : i32
        %parallel_loop3A_441 = arith.constant 12 : i32
        %parallel_loop3A_442 = arith.index_cast %parallel_loop3A_440 : i32 to index
        %parallel_loop3A_443 = arith.index_cast %parallel_loop3A_441 : i32 to index
        %parallel_loop3A_444 = arith.index_cast %parallel_loop3A_439 : i32 to index
        %parallel_loop3A_445 = tpu.vector_load %arg7[%parallel_loop3A_442, %parallel_loop3A_443, %parallel_loop3A_444] {strides = array<i32>} : memref<4x16x1024xf32, #tpu.memory_space<vmem>>, vector<16xf32>,
        tpu.vector_store %arg7[%parallel_loop3A_442, %parallel_loop3A_443, %parallel_loop3A_444], %parallel_loop3A_329 {strides = array<i32>} : memref<4x16x1024xf32, #tpu.memory_space<vmem>>, vector<16xf32>,
        %parallel_loop3A_446 = arith.constant 16 : i32
        %parallel_loop3A_447 = arith.muli %parallel_loop3A_270, %parallel_loop3A_446 : i32
        %parallel_loop3A_448 = arith.constant 3 : i32
        %parallel_loop3A_449 = arith.constant 13 : i32
        %parallel_loop3A_450 = arith.index_cast %parallel_loop3A_448 : i32 to index
        %parallel_loop3A_451 = arith.index_cast %parallel_loop3A_449 : i32 to index
        %parallel_loop3A_452 = arith.index_cast %parallel_loop3A_447 : i32 to index
        %parallel_loop3A_453 = tpu.vector_load %arg7[%parallel_loop3A_450, %parallel_loop3A_451, %parallel_loop3A_452] {strides = array<i32>} : memref<4x16x1024xf32, #tpu.memory_space<vmem>>, vector<16xf32>,
        tpu.vector_store %arg7[%parallel_loop3A_450, %parallel_loop3A_451, %parallel_loop3A_452], %parallel_loop3A_333 {strides = array<i32>} : memref<4x16x1024xf32, #tpu.memory_space<vmem>>, vector<16xf32>,
        %parallel_loop3A_454 = arith.constant 16 : i32
        %parallel_loop3A_455 = arith.muli %parallel_loop3A_270, %parallel_loop3A_454 : i32
        %parallel_loop3A_456 = arith.constant 3 : i32
        %parallel_loop3A_457 = arith.constant 14 : i32
        %parallel_loop3A_458 = arith.index_cast %parallel_loop3A_456 : i32 to index
        %parallel_loop3A_459 = arith.index_cast %parallel_loop3A_457 : i32 to index
        %parallel_loop3A_460 = arith.index_cast %parallel_loop3A_455 : i32 to index
        %parallel_loop3A_461 = tpu.vector_load %arg7[%parallel_loop3A_458, %parallel_loop3A_459, %parallel_loop3A_460] {strides = array<i32>} : memref<4x16x1024xf32, #tpu.memory_space<vmem>>, vector<16xf32>,
        tpu.vector_store %arg7[%parallel_loop3A_458, %parallel_loop3A_459, %parallel_loop3A_460], %parallel_loop3A_337 {strides = array<i32>} : memref<4x16x1024xf32, #tpu.memory_space<vmem>>, vector<16xf32>,
        %parallel_loop3A_462 = arith.constant 16 : i32
        %parallel_loop3A_463 = arith.muli %parallel_loop3A_270, %parallel_loop3A_462 : i32
        %parallel_loop3A_464 = arith.constant 3 : i32
        %parallel_loop3A_465 = arith.constant 15 : i32
        %parallel_loop3A_466 = arith.index_cast %parallel_loop3A_464 : i32 to index
        %parallel_loop3A_467 = arith.index_cast %parallel_loop3A_465 : i32 to index
        %parallel_loop3A_468 = arith.index_cast %parallel_loop3A_463 : i32 to index
        %parallel_loop3A_469 = tpu.vector_load %arg7[%parallel_loop3A_466, %parallel_loop3A_467, %parallel_loop3A_468] {strides = array<i32>} : memref<4x16x1024xf32, #tpu.memory_space<vmem>>, vector<16xf32>,
        tpu.vector_store %arg7[%parallel_loop3A_466, %parallel_loop3A_467, %parallel_loop3A_468], %parallel_loop3A_341 {strides = array<i32>} : memref<4x16x1024xf32, #tpu.memory_space<vmem>>, vector<16xf32>,
      } {sc.loop_unroll_factor = 2 : i64, sc.parallel_access}
      %dma_start3A_250 = arith.constant 3 : i32
      %dma_start3A_251 = arith.constant 3 : i32
      %dma_start3A_252 = arith.constant 0 : i32
      %dma_start3A_253 = arith.constant 0 : i32
      %dma_start3A_254 = tpu.memref_slice %arg7[%dma_start3A_250, %dma_start3A_252, %dma_start3A_253] : memref<4x16x1024xf32, #tpu.memory_space<vmem>> -> memref<1x16x1024xf32, #tpu.memory_space<vmem>>
      %dma_start3A_255 = tpu.memref_squeeze %dma_start3A_254 : memref<1x16x1024xf32, #tpu.memory_space<vmem>> -> memref<16x1024xf32, #tpu.memory_space<vmem>>
      %dma_start3A_256 = arith.constant 0 : i32
      %dma_start3A_257 = arith.constant 0 : i32
      %dma_start3A_258 = tpu.memref_slice %arg4[%add3A_241, %dma_start3A_256, %dma_start3A_257] : memref<3200x16x1024xf32, #tpu.memory_space<hbm>> -> memref<1x16x1024xf32, #tpu.memory_space<hbm>>
      %dma_start3A_259 = tpu.memref_squeeze %dma_start3A_258 : memref<1x16x1024xf32, #tpu.memory_space<hbm>> -> memref<16x1024xf32, #tpu.memory_space<hbm>>
      %dma_start3A_260 = tpu.memref_slice %arg9[%dma_start3A_251] : memref<4x!tpu.dma_semaphore, #tpu.memory_space<semaphore_mem>> -> memref<1x!tpu.dma_semaphore, #tpu.memory_space<semaphore_mem>>
      %dma_start3A_261 = tpu.memref_squeeze %dma_start3A_260 : memref<1x!tpu.dma_semaphore, #tpu.memory_space<semaphore_mem>> -> memref<!tpu.dma_semaphore, #tpu.memory_space<semaphore_mem>>
      %dma_start3A_262 = arith.constant 0 : i32
      %dma_start3A_263 = arith.constant 0 : i32
      %dma_start3A_264 = tpu.memref_slice %arg4[%add3A_241, %dma_start3A_262, %dma_start3A_263] : memref<3200x16x1024xf32, #tpu.memory_space<hbm>> -> memref<1x16x1024xf32, #tpu.memory_space<hbm>>
      %dma_start3A_265 = tpu.memref_squeeze %dma_start3A_264 : memref<1x16x1024xf32, #tpu.memory_space<hbm>> -> memref<16x1024xf32, #tpu.memory_space<hbm>>
      %dma_start3A_266 = arith.constant 0 : i32
      %dma_start3A_267 = arith.constant 0 : i32
      %dma_start3A_268 = tpu.memref_slice %arg7[%dma_start3A_250, %dma_start3A_266, %dma_start3A_267] : memref<4x16x1024xf32, #tpu.memory_space<vmem>> -> memref<1x16x1024xf32, #tpu.memory_space<vmem>>
      %dma_start3A_269 = tpu.memref_squeeze %dma_start3A_268 : memref<1x16x1024xf32, #tpu.memory_space<vmem>> -> memref<16x1024xf32, #tpu.memory_space<vmem>>
      tpu.enqueue_dma source(%dma_start3A_269 : memref<16x1024xf32, #tpu.memory_space<vmem>>) target(%dma_start3A_265 : memref<16x1024xf32, #tpu.memory_space<hbm>>) target_semaphore(%dma_start3A_261 : memref<!tpu.dma_semaphore, #tpu.memory_space<semaphore_mem>>)
    }
    %scan3A_24 = arith.constant 25 : i32
    %mul3A_25 = arith.constant 4 : i32
    %mul3A_26 = arith.muli %add3A, %mul3A_25 : i32
    %add3A_27 = arith.constant 3072 : i32
    %add3A_28 = arith.addi %add3A_27, %mul3A_26 : i32
    %add3A_29 = arith.constant 0 : i32
    %add3A_30 = arith.addi %add3A_28, %add3A_29 : i32
    %dma_wait3A = arith.constant 0 : i32
    %dma_wait3A_31 = arith.constant 0 : i32
    %dma_wait3A_32 = arith.constant 0 : i32
    %dma_wait3A_33 = arith.constant 0 : i32
    %dma_wait3A_34 = tpu.memref_slice %arg7[%dma_wait3A, %dma_wait3A_32, %dma_wait3A_33] : memref<4x16x1024xf32, #tpu.memory_space<vmem>> -> memref<1x16x1024xf32, #tpu.memory_space<vmem>>
    %dma_wait3A_35 = tpu.memref_squeeze %dma_wait3A_34 : memref<1x16x1024xf32, #tpu.memory_space<vmem>> -> memref<16x1024xf32, #tpu.memory_space<vmem>>
    %dma_wait3A_36 = arith.constant 0 : i32
    %dma_wait3A_37 = arith.constant 0 : i32
    %dma_wait3A_38 = tpu.memref_slice %arg4[%add3A_30, %dma_wait3A_36, %dma_wait3A_37] : memref<3200x16x1024xf32, #tpu.memory_space<hbm>> -> memref<1x16x1024xf32, #tpu.memory_space<hbm>>
    %dma_wait3A_39 = tpu.memref_squeeze %dma_wait3A_38 : memref<1x16x1024xf32, #tpu.memory_space<hbm>> -> memref<16x1024xf32, #tpu.memory_space<hbm>>
    %dma_wait3A_40 = tpu.memref_slice %arg9[%dma_wait3A_31] : memref<4x!tpu.dma_semaphore, #tpu.memory_space<semaphore_mem>> -> memref<1x!tpu.dma_semaphore, #tpu.memory_space<semaphore_mem>>
    %dma_wait3A_41 = tpu.memref_squeeze %dma_wait3A_40 : memref<1x!tpu.dma_semaphore, #tpu.memory_space<semaphore_mem>> -> memref<!tpu.dma_semaphore, #tpu.memory_space<semaphore_mem>>
    %dma_wait3A_42 = arith.constant 0 : i32
    %dma_wait3A_43 = arith.constant 0 : i32
    %dma_wait3A_44 = tpu.memref_slice %arg4[%add3A_30, %dma_wait3A_42, %dma_wait3A_43] : memref<3200x16x1024xf32, #tpu.memory_space<hbm>> -> memref<1x16x1024xf32, #tpu.memory_space<hbm>>
    %dma_wait3A_45 = tpu.memref_squeeze %dma_wait3A_44 : memref<1x16x1024xf32, #tpu.memory_space<hbm>> -> memref<16x1024xf32, #tpu.memory_space<hbm>>
    %dma_wait3A_46 = arith.constant 0 : i32
    %dma_wait3A_47 = arith.constant 0 : i32
    %dma_wait3A_48 = tpu.memref_slice %arg7[%dma_wait3A, %dma_wait3A_46, %dma_wait3A_47] : memref<4x16x1024xf32, #tpu.memory_space<vmem>> -> memref<1x16x1024xf32, #tpu.memory_space<vmem>>
    %dma_wait3A_49 = tpu.memref_squeeze %dma_wait3A_48 : memref<1x16x1024xf32, #tpu.memory_space<vmem>> -> memref<16x1024xf32, #tpu.memory_space<vmem>>
    tpu.wait_dma2 semaphore(%dma_wait3A_41 : memref<!tpu.dma_semaphore, #tpu.memory_space<semaphore_mem>>) src(%dma_wait3A_49 : memref<16x1024xf32, #tpu.memory_space<vmem>>) dst(%dma_wait3A_45 : memref<16x1024xf32, #tpu.memory_space<hbm>>)
    %add3A_50 = arith.constant 1 : i32
    %add3A_51 = arith.addi %add3A_28, %add3A_50 : i32
    %dma_wait3A_52 = arith.constant 1 : i32
    %dma_wait3A_53 = arith.constant 1 : i32
    %dma_wait3A_54 = arith.constant 0 : i32
    %dma_wait3A_55 = arith.constant 0 : i32
    %dma_wait3A_56 = tpu.memref_slice %arg7[%dma_wait3A_52, %dma_wait3A_54, %dma_wait3A_55] : memref<4x16x1024xf32, #tpu.memory_space<vmem>> -> memref<1x16x1024xf32, #tpu.memory_space<vmem>>
    %dma_wait3A_57 = tpu.memref_squeeze %dma_wait3A_56 : memref<1x16x1024xf32, #tpu.memory_space<vmem>> -> memref<16x1024xf32, #tpu.memory_space<vmem>>
    %dma_wait3A_58 = arith.constant 0 : i32
    %dma_wait3A_59 = arith.constant 0 : i32
    %dma_wait3A_60 = tpu.memref_slice %arg4[%add3A_51, %dma_wait3A_58, %dma_wait3A_59] : memref<3200x16x1024xf32, #tpu.memory_space<hbm>> -> memref<1x16x1024xf32, #tpu.memory_space<hbm>>
    %dma_wait3A_61 = tpu.memref_squeeze %dma_wait3A_60 : memref<1x16x1024xf32, #tpu.memory_space<hbm>> -> memref<16x1024xf32, #tpu.memory_space<hbm>>
    %dma_wait3A_62 = tpu.memref_slice %arg9[%dma_wait3A_53] : memref<4x!tpu.dma_semaphore, #tpu.memory_space<semaphore_mem>> -> memref<1x!tpu.dma_semaphore, #tpu.memory_space<semaphore_mem>>
    %dma_wait3A_63 = tpu.memref_squeeze %dma_wait3A_62 : memref<1x!tpu.dma_semaphore, #tpu.memory_space<semaphore_mem>> -> memref<!tpu.dma_semaphore, #tpu.memory_space<semaphore_mem>>
    %dma_wait3A_64 = arith.constant 0 : i32
    %dma_wait3A_65 = arith.constant 0 : i32
    %dma_wait3A_66 = tpu.memref_slice %arg4[%add3A_51, %dma_wait3A_64, %dma_wait3A_65] : memref<3200x16x1024xf32, #tpu.memory_space<hbm>> -> memref<1x16x1024xf32, #tpu.memory_space<hbm>>
    %dma_wait3A_67 = tpu.memref_squeeze %dma_wait3A_66 : memref<1x16x1024xf32, #tpu.memory_space<hbm>> -> memref<16x1024xf32, #tpu.memory_space<hbm>>
    %dma_wait3A_68 = arith.constant 0 : i32
    %dma_wait3A_69 = arith.constant 0 : i32
    %dma_wait3A_70 = tpu.memref_slice %arg7[%dma_wait3A_52, %dma_wait3A_68, %dma_wait3A_69] : memref<4x16x1024xf32, #tpu.memory_space<vmem>> -> memref<1x16x1024xf32, #tpu.memory_space<vmem>>
    %dma_wait3A_71 = tpu.memref_squeeze %dma_wait3A_70 : memref<1x16x1024xf32, #tpu.memory_space<vmem>> -> memref<16x1024xf32, #tpu.memory_space<vmem>>
    tpu.wait_dma2 semaphore(%dma_wait3A_63 : memref<!tpu.dma_semaphore, #tpu.memory_space<semaphore_mem>>) src(%dma_wait3A_71 : memref<16x1024xf32, #tpu.memory_space<vmem>>) dst(%dma_wait3A_67 : memref<16x1024xf32, #tpu.memory_space<hbm>>)
    %add3A_72 = arith.constant 2 : i32
    %add3A_73 = arith.addi %add3A_28, %add3A_72 : i32
    %dma_wait3A_74 = arith.constant 2 : i32
    %dma_wait3A_75 = arith.constant 2 : i32
    %dma_wait3A_76 = arith.constant 0 : i32
    %dma_wait3A_77 = arith.constant 0 : i32
    %dma_wait3A_78 = tpu.memref_slice %arg7[%dma_wait3A_74, %dma_wait3A_76, %dma_wait3A_77] : memref<4x16x1024xf32, #tpu.memory_space<vmem>> -> memref<1x16x1024xf32, #tpu.memory_space<vmem>>
    %dma_wait3A_79 = tpu.memref_squeeze %dma_wait3A_78 : memref<1x16x1024xf32, #tpu.memory_space<vmem>> -> memref<16x1024xf32, #tpu.memory_space<vmem>>
    %dma_wait3A_80 = arith.constant 0 : i32
    %dma_wait3A_81 = arith.constant 0 : i32
    %dma_wait3A_82 = tpu.memref_slice %arg4[%add3A_73, %dma_wait3A_80, %dma_wait3A_81] : memref<3200x16x1024xf32, #tpu.memory_space<hbm>> -> memref<1x16x1024xf32, #tpu.memory_space<hbm>>
    %dma_wait3A_83 = tpu.memref_squeeze %dma_wait3A_82 : memref<1x16x1024xf32, #tpu.memory_space<hbm>> -> memref<16x1024xf32, #tpu.memory_space<hbm>>
    %dma_wait3A_84 = tpu.memref_slice %arg9[%dma_wait3A_75] : memref<4x!tpu.dma_semaphore, #tpu.memory_space<semaphore_mem>> -> memref<1x!tpu.dma_semaphore, #tpu.memory_space<semaphore_mem>>
    %dma_wait3A_85 = tpu.memref_squeeze %dma_wait3A_84 : memref<1x!tpu.dma_semaphore, #tpu.memory_space<semaphore_mem>> -> memref<!tpu.dma_semaphore, #tpu.memory_space<semaphore_mem>>
    %dma_wait3A_86 = arith.constant 0 : i32
    %dma_wait3A_87 = arith.constant 0 : i32
    %dma_wait3A_88 = tpu.memref_slice %arg4[%add3A_73, %dma_wait3A_86, %dma_wait3A_87] : memref<3200x16x1024xf32, #tpu.memory_space<hbm>> -> memref<1x16x1024xf32, #tpu.memory_space<hbm>>
    %dma_wait3A_89 = tpu.memref_squeeze %dma_wait3A_88 : memref<1x16x1024xf32, #tpu.memory_space<hbm>> -> memref<16x1024xf32, #tpu.memory_space<hbm>>
    %dma_wait3A_90 = arith.constant 0 : i32
    %dma_wait3A_91 = arith.constant 0 : i32
    %dma_wait3A_92 = tpu.memref_slice %arg7[%dma_wait3A_74, %dma_wait3A_90, %dma_wait3A_91] : memref<4x16x1024xf32, #tpu.memory_space<vmem>> -> memref<1x16x1024xf32, #tpu.memory_space<vmem>>
    %dma_wait3A_93 = tpu.memref_squeeze %dma_wait3A_92 : memref<1x16x1024xf32, #tpu.memory_space<vmem>> -> memref<16x1024xf32, #tpu.memory_space<vmem>>
    tpu.wait_dma2 semaphore(%dma_wait3A_85 : memref<!tpu.dma_semaphore, #tpu.memory_space<semaphore_mem>>) src(%dma_wait3A_93 : memref<16x1024xf32, #tpu.memory_space<vmem>>) dst(%dma_wait3A_89 : memref<16x1024xf32, #tpu.memory_space<hbm>>)
    %add3A_94 = arith.constant 3 : i32
    %add3A_95 = arith.addi %add3A_28, %add3A_94 : i32
    %dma_wait3A_96 = arith.constant 3 : i32
    %dma_wait3A_97 = arith.constant 3 : i32
    %dma_wait3A_98 = arith.constant 0 : i32
    %dma_wait3A_99 = arith.constant 0 : i32
    %dma_wait3A_100 = tpu.memref_slice %arg7[%dma_wait3A_96, %dma_wait3A_98, %dma_wait3A_99] : memref<4x16x1024xf32, #tpu.memory_space<vmem>> -> memref<1x16x1024xf32, #tpu.memory_space<vmem>>
    %dma_wait3A_101 = tpu.memref_squeeze %dma_wait3A_100 : memref<1x16x1024xf32, #tpu.memory_space<vmem>> -> memref<16x1024xf32, #tpu.memory_space<vmem>>
    %dma_wait3A_102 = arith.constant 0 : i32
    %dma_wait3A_103 = arith.constant 0 : i32
    %dma_wait3A_104 = tpu.memref_slice %arg4[%add3A_95, %dma_wait3A_102, %dma_wait3A_103] : memref<3200x16x1024xf32, #tpu.memory_space<hbm>> -> memref<1x16x1024xf32, #tpu.memory_space<hbm>>
    %dma_wait3A_105 = tpu.memref_squeeze %dma_wait3A_104 : memref<1x16x1024xf32, #tpu.memory_space<hbm>> -> memref<16x1024xf32, #tpu.memory_space<hbm>>
    %dma_wait3A_106 = tpu.memref_slice %arg9[%dma_wait3A_97] : memref<4x!tpu.dma_semaphore, #tpu.memory_space<semaphore_mem>> -> memref<1x!tpu.dma_semaphore, #tpu.memory_space<semaphore_mem>>
    %dma_wait3A_107 = tpu.memref_squeeze %dma_wait3A_106 : memref<1x!tpu.dma_semaphore, #tpu.memory_space<semaphore_mem>> -> memref<!tpu.dma_semaphore, #tpu.memory_space<semaphore_mem>>
    %dma_wait3A_108 = arith.constant 0 : i32
    %dma_wait3A_109 = arith.constant 0 : i32
    %dma_wait3A_110 = tpu.memref_slice %arg4[%add3A_95, %dma_wait3A_108, %dma_wait3A_109] : memref<3200x16x1024xf32, #tpu.memory_space<hbm>> -> memref<1x16x1024xf32, #tpu.memory_space<hbm>>
    %dma_wait3A_111 = tpu.memref_squeeze %dma_wait3A_110 : memref<1x16x1024xf32, #tpu.memory_space<hbm>> -> memref<16x1024xf32, #tpu.memory_space<hbm>>
    %dma_wait3A_112 = arith.constant 0 : i32
    %dma_wait3A_113 = arith.constant 0 : i32
    %dma_wait3A_114 = tpu.memref_slice %arg7[%dma_wait3A_96, %dma_wait3A_112, %dma_wait3A_113] : memref<4x16x1024xf32, #tpu.memory_space<vmem>> -> memref<1x16x1024xf32, #tpu.memory_space<vmem>>
    %dma_wait3A_115 = tpu.memref_squeeze %dma_wait3A_114 : memref<1x16x1024xf32, #tpu.memory_space<vmem>> -> memref<16x1024xf32, #tpu.memory_space<vmem>>
    tpu.wait_dma2 semaphore(%dma_wait3A_107 : memref<!tpu.dma_semaphore, #tpu.memory_space<semaphore_mem>>) src(%dma_wait3A_115 : memref<16x1024xf32, #tpu.memory_space<vmem>>) dst(%dma_wait3A_111 : memref<16x1024xf32, #tpu.memory_space<hbm>>)
    return
  }
}

</mosaic_0001>

<sc_bundles>
// kernel: _emb_lookup.3.cloned.1.call-start
scs
__scs_entry_jumppad:
0x0: {  	(pc) =	sbr.rel $0x88, $3  }
0x1: {  	(tag) =	ssettag $0x0;
	lr =	simm.s32 $0x1  }
0x2: {  	[smem:$0x3F9F] =	sst lr;
	_ =	strace $0xD0000000  }
0x3: {  	_ = 	snop  }
0x4: {  	_ = 	snop  }
0x5: {  	_ = 	snop  }
0x6: {  	_ = 	snop  }
0x7: {  	_ = 	snop  }
__scs_overlays_trampoline_lowered:
0x8: {  	[smem:$0x3FAE] =	sst s0  }
0x9: {  	[smem:$0x3FAF] =	sst s1  }
0xa: {  	[smem:$0x3FB0] =	sst s2  }
0xb: {  	[smem:$0x3FB1] =	sst s3  }
0xc: {  	[smem:$0x3FB2] =	sst s4  }
0xd: {  	[smem:$0x3FB3] =	sst s5  }
0xe: {  	[smem:$0x3FB4] =	sst s6  }
0xf: {  	[smem:$0x3FB5] =	sst s7  }
0x10: {  	[smem:$0x3FB6] =	sst s8  }
0x11: {  	[smem:$0x3FB7] =	sst s9;
	s0 =	simm.s32 @!p0 $0x0  }
0x12: {  	s1 =	sld [smem:$0x3F9D];
	s0 =	simm.s32 @p0 $0x1  }
0x13: {  	[smem:$0x3FB8] =	sst s0;
	s0 =	simm.s32 @!p1 $0x0  }
0x14: {  	s2 =	sld [smem:$0x3F9C];
	s0 =	simm.s32 @p1 $0x1  }
0x15: {  	[smem:$0x3FB9] =	sst s0;
	s0 =	simm.s32 @!p2 $0x0  }
0x16: {  	s3 =	sld [smem:$0x3FDB];
	s0 =	simm.s32 @p2 $0x1  }
0x17: {  	s4 =	simm.s32 $0x1BF5;
	[smem:$0x3FBB] =	sst s0  }
0x18: {  	s0 =	sld [smem:$0x3F9E];
	_ =	swait.ge [sflag:s4], $0x0  }
0x19: {  	s7 =	sld [smem:$0x3F9F]  }
0x1a: {  	s8 =	sadd.s32 $0xFFFFE003, lr  }
0x1b: {  	s9 =	sadd.s32 $0xFFFFFEF7, lr;
	s5 =	simm.s32 $0xFFFFFFFF;
	p2 =	slt.u32 s8, $0xFFFFF086  }
0x1c: {  	p1 =	slt.u32 s9, $0xF7A;
	s5 =	simm.s32 @!p2 $0x0  }
0x1d: {  	s5 =	simm.s32 @p1 $0x1;
	p0 =	seq.s32 s7, s2  }
0x1e: {  	s7 =	smul.u32 @!p0 $0xF7A, s2;
	p2 =	seq.s32 @!p0 s5, $0x0  }
0x1f: {  	s9 =	smul.u32 $0xF7A, s1;
	s8 =	simm.s32 @!p0 $0x1BF5;
	p2 =	por !p2, p0  }
0x20: {  	[sflag:s8] =	ssyncset.s32 @!p0 $0xFFFFF086;
	s6 =	sadd.s32 @!p0 s3, s7;
	s7 =	simm.s32 @!p0 $0x108  }
0x21: {  	s3 =	sadd.s32 s3, s9;
	s6 =	sadd.s32 @!p0 $0x88, s6;
	s7 =	simm.s32 @p2 $0x1082  }
0x22: {  	[simem:s7], [sflag:s8] =	dma.local @!p0 [hbm:s6], $0xF7A  }
0x23: {  	s9 =	sor.u32 $0xD0000000, s2;
	s6 =	simm.s32 $0x108;
	_ =	swait.ge @!p0 [sflag:s8], $0x0  }
0x24: {  	s3 =	sadd.s32 $0x88, s3;
	s6 =	simm.s32 @!p1 $0x1082;
	[sflag:s4] =	ssyncset.s32 $0xFFFFF086  }
0x25: {  	[simem:s6], [sflag:s4] =	dma.local [hbm:s3], $0xF7A  }
0x26: {  	[smem:$0x3F9F] =	sst s1;
	(tag) =	ssettag s2;
	_ =	strace s9  }
0x27: {  	s1 =	sld [smem:$0x3FAF]  }
0x28: {  	s2 =	sld [smem:$0x3FB0]  }
0x29: {  	s4 =	sld [smem:$0x3FB2]  }
0x2a: {  	p0 =	seq.s32 s5, $0x0;
	s5 =	sld [smem:$0x3FB3]  }
0x2b: {  	s6 =	sld [smem:$0x3FB4]  }
0x2c: {  	s7 =	sld [smem:$0x3FB5]  }
0x2d: {  	s3 =	simm.s32 $0x108;
	s8 =	sld [smem:$0x3FB6]  }
0x2e: {  	s3 =	simm.s32 @!p0 $0x1082;
	s9 =	sld [smem:$0x3FB7]  }
0x2f: {  	lr =	sadd.s32 s0, s3;
	s0 =	sld [smem:$0x3FAE]  }
0x30: {  	s3 =	sld [smem:$0x3FB1]  }
0x31: {  	[smem:$0x3FBA] =	sst s10  }
0x32: {  	s10 =	sld [smem:$0x3FB8];
	_ =	sdelay $0x3  }
0x33: {  	p0 =	seq.s32 s10, $0x1;
	s10 =	sld [smem:$0x3FBA];
	_ =	sdelay $0x3  }
0x34: {  	[smem:$0x3FBA] =	sst s10  }
0x35: {  	s10 =	sld [smem:$0x3FB9];
	_ =	sdelay $0x3  }
0x36: {  	p1 =	seq.s32 s10, $0x1;
	s10 =	sld [smem:$0x3FBA];
	_ =	sdelay $0x3  }
0x37: {  	[smem:$0x3FBA] =	sst s10  }
0x38: {  	s10 =	sld [smem:$0x3FBB]  }
0x39: {  	_ = 	snop;
	(pc) =	sbr.ind lr, $3  }
0x3a: {  	_ = 	snop  }
0x3b: {  	_ = 	snop  }
0x3c: {  	p2 =	seq.s32 s10, $0x1;
	s10 =	sld [smem:$0x3FBA]  }
0x3d: {  	_ =	shalt  }
0x3e: {  	_ =	shalt  }
0x3f: {  	_ =	shalt  }
0x40: {  	_ =	shalt  }
0x41: {  	_ =	shalt  }
0x42: {  	_ =	shalt  }
0x43: {  	_ =	shalt  }
0x44: {  	_ =	shalt  }
0x45: {  	_ =	shalt  }
0x46: {  	_ =	shalt  }
0x47: {  	_ =	shalt  }
0x48: {  	_ =	shalt  }
0x49: {  	_ =	shalt  }
0x4a: {  	_ =	shalt  }
0x4b: {  	_ =	shalt  }
0x4c: {  	_ =	shalt  }
0x4d: {  	_ =	shalt  }
0x4e: {  	_ =	shalt  }
0x4f: {  	_ =	shalt  }
0x50: {  	_ =	shalt  }
0x51: {  	_ =	shalt  }
0x52: {  	_ =	shalt  }
0x53: {  	_ =	shalt  }
0x54: {  	_ =	shalt  }
0x55: {  	_ =	shalt  }
0x56: {  	_ =	shalt  }
0x57: {  	_ =	shalt  }
0x58: {  	_ =	shalt  }
0x59: {  	_ =	shalt  }
0x5a: {  	_ =	shalt  }
0x5b: {  	_ =	shalt  }
0x5c: {  	_ =	shalt  }
0x5d: {  	_ =	shalt  }
0x5e: {  	_ =	shalt  }
0x5f: {  	_ =	shalt  }
0x60: {  	_ =	shalt  }
0x61: {  	_ =	shalt  }
0x62: {  	_ =	shalt  }
0x63: {  	_ =	shalt  }
0x64: {  	_ =	shalt  }
0x65: {  	_ =	shalt  }
0x66: {  	_ =	shalt  }
0x67: {  	_ =	shalt  }
0x68: {  	_ =	shalt  }
0x69: {  	_ =	shalt  }
0x6a: {  	_ =	shalt  }
0x6b: {  	_ =	shalt  }
0x6c: {  	_ =	shalt  }
0x6d: {  	_ =	shalt  }
0x6e: {  	_ =	shalt  }
0x6f: {  	_ =	shalt  }
0x70: {  	_ =	shalt  }
0x71: {  	_ =	shalt  }
0x72: {  	_ =	shalt  }
0x73: {  	_ =	shalt  }
0x74: {  	_ =	shalt  }
0x75: {  	_ =	shalt  }
0x76: {  	_ =	shalt  }
0x77: {  	_ =	shalt  }
0x78: {  	_ =	shalt  }
0x79: {  	_ =	shalt  }
0x7a: {  	_ =	shalt  }
0x7b: {  	_ =	shalt  }
0x7c: {  	_ =	shalt  }
0x7d: {  	_ =	shalt  }
0x7e: {  	_ =	shalt  }
0x7f: {  	_ =	shalt  }
0x80: {  	_ =	shalt  }
0x81: {  	_ =	shalt  }
0x82: {  	_ =	shalt  }
0x83: {  	_ =	shalt  }
0x84: {  	_ =	shalt  }
0x85: {  	_ =	shalt  }
0x86: {  	_ =	shalt  }
0x87: {  	_ =	shalt  }
.Lfunc_end0:
.L_simem_size_0:
called_computation_lowered:
.L_overlay_start_0:
0x88: {  	s2 =	sld [smem:$0x3FD9]  }
0x89: {  	s3 =	sld [smem:$0x3FFE];
	_ =	sdelay $0x1  }
0x8a: {  	s1 =	srdreg.scid  }
0x8b: {  	s0 =	sand.u32 $0x1, s1  }
0x8c: {  	s18 =	sshll.u32 s0, $0xA;
	s2 =	sadd.s32 s3, s2  }
0x8d: {  	s2 =	sadd.s32 s2, s18  }
0x8e: {  	[smem:$0x3FC6] =	sst s2  }
0x8f: {  	_ = 	snop  }
0x90: {  	s2 =	sld [smem:$0x3FC9]  }
0x91: {  	s19 =	sld [smem:$0x3FC8]  }
0x92: {  	s4 =	sld [smem:$0x3FD0];
	(tm) =	ssettm $0x1  }
0x93: {  	s5 =	sld [smem:$0x3FFB];
	_ =	sdelay $0x3  }
0x94: {  	_ =	strace s5  }
0x95: {  	s5 =	sld [smem:$0x3FFC];
	_ =	sdelay $0x3  }
0x96: {  	_ =	strace s5  }
0x97: {  	s5 =	sld [smem:$0x3FFD];
	_ =	sdelay $0x3  }
0x98: {  	_ =	strace s5  }
0x99: {  	_ =	strace $0x8FFFFFFF  }
0x9a: {  	s20 =	sld [smem:$0x3FDB];
	_ =	sdelay $0x1  }
0x9b: {  	s6 =	simm.s32 $_scs_section_size  }
0x9c: {  	s7 =	simm.s32 $_size__tile_overlayer_lowered;
	s8 =	simm.s32 $_tile_overlayer_lowered  }
0x9d: {  	s23 =	simm.s32 $0x1BFF;
	s22 =	sshll.u32 s8, $0x1;
	s5 =	sadd.s32 s6, s20  }
0x9e: {  	s9 =	simm.s32 $0x0;
	s21 =	sshll.u32 s7, $0x1;
	s7 =	sadd.s32 s22, s5  }
0x9f: {  	[timem:s9], [sflag:s23] =	dma.local [hbm:s7], s21  }
0xa0: {  	_ =	swait.ge [sflag:s23], s21  }
0xa1: {  	s6 =	ssub.s32 $0x0, s21;
	[sflag:s23] =	ssyncset.done $0x0  }
0xa2: {  	[sflag:s23] =	ssyncadd.s32 s6;
	_ =	sdelay $0x1  }
0xa3: {  	s24 =	simm.s32 $0x1B8B  }
0xa4: {  	_ =	swait.ge [sflag:s24], $0x1  }
0xa5: {  	[sflag:s24] =	ssyncset.done $0x0  }
0xa6: {  	s25 =	simm.s32 $0x1B8E;
	[sflag:s24] =	ssyncadd.s32 $0xFFFFFFFF  }
0xa7: {  	s26 =	simm.s32 $execute0_lowered;
	[smem:$0x3FD2] =	sst s25  }
0xa8: {  	s6 =	sshll.u32 s26, $0x1;
	_ =	strace $0x80000046;
	[dreg:$0x1] =	wrdreg $0xFFFFFFFF  }
0xa9: {  	s28 =	simm.s32 $_size_execute0_lowered;
	s5 =	sadd.s32 s5, s6;
	[dreg:$0x0] =	wrdreg $0x0  }
0xaa: {  	s6 =	sshll.u32 s28, $0x1;
	[dreg:$0x2] =	wrdreg s5  }
0xab: {  	[dreg:$0x3] =	wrdreg s6  }
0xac: {  	[dreg:$0x4] =	wrdreg $0xC0  }
0xad: {  	_ =	task [dreg:s9], $0x5FFFF  }
0xae: {  	[dreg:$0x1] =	wrdreg $0xFFFFFFFF  }
0xaf: {  	[dreg:$0x0] =	wrdreg $0x60  }
0xb0: {  	[dreg:$0x2] =	wrdreg s2  }
0xb1: {  	[dreg:$0x3] =	wrdreg s19  }
0xb2: {  	[dreg:$0x4] =	wrdreg s4  }
0xb3: {  	[dreg:$0x5] =	wrdreg $0x9  }
0xb4: {  	_ =	task.clear_ibuf [dreg:s9], $0x6FFFF;
	_ =	strace $0x90000046  }
0xb5: {  	s29 =	simm.s32 $0x9;
	_ =	strace $0x80000048  }
0xb6: {  	_ =	swait.ge [sflag:s29], $0x1  }
0xb7: {  	[sflag:s29] =	ssyncadd.s32 $0xFFFFFFFF  }
0xb8: {  	_ =	strace $0x90000048  }
0xb9: {  	_ =	sfence  }
0xba: {  	s30 =	sld [smem:$0x0];
	_ =	sdelay $0x2  }
0xbb: {  	s31 =	sshll.u32 s1, $0xD;
	s1 =	sshrl.u32 s1, $0x2  }
0xbc: {  	s3 =	sand.u32 $0x4000, s31;
	s1 =	sadd.s32 s1, s30  }
0xbd: {  	s0 =	sor.u32 s3, s0;
	s1 =	sshll.u32 s1, $0x11  }
0xbe: {  	s0 =	sor.u32 s1, s0  }
0xbf: {  	s0 =	sadd.s32 $0x8F2B, s0  }
0xc0: {  	[sflag:s0] =	ssyncadd.remote.s32 $0x1  }
0xc1: {  	_ =	sfence.sel $0xFFFF  }
0xc2: {  	[dreg:$0x0] =	wrdreg $0xFFFFFFFF;
	(pc) =	sbr.abs _section_cstart, $3  }
0xc3: {  	[dreg:$0x1] =	wrdreg $0xFFFFFFFF  }
0xc4: {  	_ =	task.clear_ibuf [dreg:s9], $0x2FFFF;
	_ =	strace $0x9FFFFFFF  }
0xc5: {  	(tm) =	ssettm $0x7FFFFFFF  }
tec
execute0_lowered:
.L_overlay_start_1:
0x0: {  	(tag) =	ssettag $0x1  }
0x1: {  	s0 =	rddreg [dreg:$0x0]  }
0x2: {  	s8 =	rddreg [dreg:$0x2];
	s3 =	simm.s32 $0x0;
	s1 =	srdreg.scid  }
0x3: {  	s9 =	stileid.u32;
	[smem:$0x7FF] =	sst s3;
	s1 =	sand.u32 $0x1, s1  }
0x4: {  	s6 =	sshll.u32 s9, $0xA;
	s26 =	sshll.u32 s9, $0xE;
	s28 =	sadd.s32 $0x800, s8  }
0x5: {  	s29 =	sadd.s32 $0x1000, s8;
	s30 =	sadd.s32 $0x1800, s8;
	_ =	strace $0x80000047  }
0x6: {  	s2 =	ssub.s32 $0x2, s1;
	s4 =	sshll.u32 s1, $0x6;
	[dreg:$0xd] =	wrdreg s28  }
0x7: {  	s1 =	sshll.u32 s1, $0xD;
	[dreg:$0xe] =	wrdreg s29;
	s7 =	sadd.s32 s0, s4  }
0x8: {  	[dreg:$0xf] =	wrdreg s30;
	s0 =	sadd.s32 s0, s6;
	s25 =	sadd.s32 s6, s7  }
0x9: {  	s5 =	sshrl.u32 s2, $0x1;
	s0 =	sadd.s32 s4, s0;
	[dreg:$0xa] =	wrdreg s25  }
0xa: {  	s2 =	ssub.s32 s2, s5;
	[dreg:$0xb] =	wrdreg s0;
	s0 =	sor.u32 s1, s26  }
0xb: {  	s31 =	smax.u32 s2, $0x1;
	[dreg:$0xc] =	wrdreg s0  }
0xc: {  	s2 =	simm.s32 $0x0;
	[dreg:$0x10] =	wrdreg s31  }
.LBB2_1:
0xd: {  	[dreg:$0x11] =	wrdreg s2  }
0xe: {  	s0 =	rddreg [dreg:$0x1];
	s29 =	simm.s32 $0x7  }
0xf: {  	[tilespmem:s3], [sflag:$0x7] =	stream.linear.gather [hbm4b:s0+s3], $0xC80, $0x38;
	[tilespmem:$0x12C80] =	vst v63  }
0x10: {  	_ =	swait.ge [sflag:s29], $0xC80  }
0x11: {  	s1 =	simm.s32 $0x200;
	s31 =	simm.s32 $0x400;
	[sflag:s29] =	ssyncset.done $0x0  }
0x12: {  	s4 =	simm.s32 $0xC80;
	s30 =	rddreg [dreg:$0xa];
	[sflag:s29] =	ssyncadd.s32 $0xFFFFF380  }
0x13: {  	[tilespmem:s4], [sflag:$0x1] =	stream.strided.gather [hbm4b:s30+s1], $0x1000, s31, s1, $0x38;
	[tilespmem:$0x12C80] =	vst v63  }
0x14: {  	s1 =	simm.s32 $0x0  }
.LBB2_2:
0x15: {  	s0 =	sand.u32 $0x1, s1;
	p0 =	seq.s32 s1, $0x18  }
0x16: {  	s5 =	sadd.s32 $0x1, s1;
	s6 =	rddreg [dreg:$0xb];
	s2 =	sxor.u32 @!p0 $0x1, s0  }
0x17: {  	[dreg:$0x12] =	wrdreg s5;
	s5 =	sshll.u32 @!p0 s5, $0xE;
	s11 =	simm.s32 @!p0 $0x200  }
0x18: {  	s12 =	simm.s32 @!p0 $0x400;
	s20 =	sadd.s32 $0x1, s0;
	s4 =	sshll.u32 @!p0 s2, $0xC  }
0x19: {  	s2 =	sadd.s32 @!p0 $0x1, s2;
	s5 =	sadd.s32 @!p0 s5, s6;
	s4 =	sor.u32 @!p0 $0xC80, s4  }
0x1a: {  	[tilespmem:s4], [sflag:s2] =	stream.strided.gather @!p0 [hbm4b:s5+s11], $0x1000, s12, s11, $0x38;
	[tilespmem:$0x12C80] =	vst v63  }
0x1b: {  	s21 =	simm.s32 $0x0;
	s22 =	simm.s32 $0x0;
	_ =	swait.ge [sflag:s20], $0x1000  }
0x1c: {  	s0 =	sshll.u32 s0, $0xC;
	p0 =	seq.s32 s1, $0x0;
	[sflag:s20] =	ssyncset.done $0x0  }
0x1d: {  	s29 =	sand.u32 $0x60, s21;
	s2 =	simm.s32 @!p0 $0x3;
	[sflag:s20] =	ssyncadd.s32 $0xFFFFF000  }
0x1e: {  	s24 =	sand.u32 $0x3FFFFE00, s22;
	s23 =	sor.u32 $0xC80, s0;
	_ =	swait.ge @!p0 [sflag:s2], $0x4000  }
0x1f: {  	s0 =	sor.u32 $0x10, s29;
	s4 =	sadd.s32 s24, s23;
	[sflag:s2] =	ssyncset.done @!p0 $0x0  }
0x20: {  	s25 =	sadd.s32 s0, s4;
	[dreg:$0x4] =	wrdreg s23;
	[sflag:s2] =	ssyncadd.s32 @!p0 $0xFFFFC000  }
0x21: {  	v1 =	vld [tilespmem:s25+$0x0];
	_ =	sdelay $0x4  }
0x22: {  	v2 =	vadd.s32 $0xC8, v1  }
0x23: {  	v3 =	vadd.s32 $0x190, v1  }
0x24: {  	s26 =	sadd.s32 s29, s4;
	v4 =	vadd.s32 $0x258, v1  }
0x25: {  	v0 =	vld [tilespmem:s26+$0x0];
	v5 =	vadd.s32 $0x320, v1  }
0x26: {  	v7 =	vadd.s32 $0x3E8, v1;
	v6 =	vld.idx.msk [tilespmem:v1+s3+$0x0], $0xffff  }
0x27: {  	v8 =	vadd.s32 $0x4B0, v1;
	v2 =	vld.idx.msk [tilespmem:v2+s3+$0x0], $0xffff  }
0x28: {  	v9 =	vadd.s32 $0x578, v1;
	v3 =	vld.idx.msk [tilespmem:v3+s3+$0x0], $0xffff  }
0x29: {  	v27 =	vld.idx.msk [tilespmem:v4+s3+$0x0], $0xffff;
	v4 =	vadd.s32 $0x640, v1  }
0x2a: {  	v28 =	vld.idx.msk [tilespmem:v5+s3+$0x0], $0xffff;
	v5 =	vadd.s32 $0x708, v1  }
0x2b: {  	v26 =	vld.idx.msk [tilespmem:v7+s3+$0x0], $0xffff;
	v7 =	vadd.s32 $0x7D0, v1  }
0x2c: {  	v25 =	vld.idx.msk [tilespmem:v8+s3+$0x0], $0xffff;
	v8 =	vadd.s32 $0x898, v1  }
0x2d: {  	v24 =	vld.idx.msk [tilespmem:v9+s3+$0x0], $0xffff;
	v9 =	vadd.s32 $0x960, v1  }
0x2e: {  	v22 =	vld.idx.msk [tilespmem:v4+s3+$0x0], $0xffff;
	v4 =	vadd.s32 $0xA28, v1  }
0x2f: {  	v20 =	vld.idx.msk [tilespmem:v5+s3+$0x0], $0xffff;
	v5 =	vadd.s32 $0xAF0, v1  }
0x30: {  	v18 =	vld.idx.msk [tilespmem:v7+s3+$0x0], $0xffff;
	v1 =	vadd.s32 $0xBB8, v1  }
0x31: {  	s28 =	simm.s32 $0x0;
	v16 =	vld.idx.msk [tilespmem:v8+s3+$0x0], $0xffff  }
0x32: {  	s11 =	sand.u32 $0x3FFFFC00, s28;
	v15 =	vld.idx.msk [tilespmem:v9+s3+$0x0], $0xffff  }
0x33: {  	s2 =	sadd.s32 $0x2C80, s11;
	v13 =	vld.idx.msk [tilespmem:v4+s3+$0x0], $0xffff  }
0x34: {  	s12 =	sor.u32 s0, s2;
	v7 =	vadd.s32 $0xC8, v0;
	v12 =	vld.idx.msk [tilespmem:v5+s3+$0x0], $0xffff  }
0x35: {  	v8 =	vadd.s32 $0x190, v0;
	v11 =	vld.idx.msk [tilespmem:v1+s3+$0x0], $0xffff;
	[tilespmem:s12+$0x0] =	vst v6  }
0x36: {  	v9 =	vadd.s32 $0x258, v0;
	[tilespmem:s12+$0x80] =	vst v2  }
0x37: {  	v29 =	vadd.s32 $0x320, v0;
	[tilespmem:s12+$0x100] =	vst v3  }
0x38: {  	s30 =	sshll.u32 s1, $0x12;
	s31 =	rddreg [dreg:$0xc]  }
0x39: {  	v23 =	vadd.s32 $0x3E8, v0;
	v19 =	vadd.s32 $0x4B0, v0;
	v5 =	vld.idx.msk [tilespmem:v7+s3+$0x0], $0xffff;
	s1 =	sor.u32 s31, s30  }
0x3a: {  	v21 =	vadd.s32 $0x578, v0;
	v17 =	vadd.s32 $0x640, v0;
	v14 =	vadd.s32 $0x708, v0;
	v6 =	vld.idx.msk [tilespmem:v8+s3+$0x0], $0xffff;
	[dreg:$0x13] =	wrdreg s1  }
0x3b: {  	v10 =	vadd.s32 $0x7D0, v0;
	v7 =	vadd.s32 $0x898, v0;
	v4 =	vadd.s32 $0x960, v0;
	v8 =	vld.idx.msk [tilespmem:v9+s3+$0x0], $0xffff;
	[tilespmem:s12+$0x180] =	vst v27  }
0x3c: {  	s5 =	simm.s32 $0x20;
	s4 =	simm.s32 $0x0;
	v3 =	vadd.s32 $0xA28, v0;
	v2 =	vadd.s32 $0xAF0, v0;
	v1 =	vadd.s32 $0xBB8, v0;
	s1 =	sor.u32 s29, s2;
	v9 =	vld.idx.msk [tilespmem:v29+s3+$0x0], $0xffff;
	[tilespmem:s12+$0x200] =	vst v28  }
.LBB2_3:
0x3d: {  	_ = 	snop  }
0x3e: {  	v27 =	vld.idx.msk [tilespmem:v23+s3+$0x0], $0xffff  }
0x3f: {  	s4 =	sadd.s32 $0x2, s4;
	s18 =	sand.u32 $0x60, s5;
	v28 =	vld.idx.msk [tilespmem:v17+s3+$0x0], $0xffff;
	[tilespmem:s12+$0x280] =	vst v26  }
0x40: {  	s13 =	sadd.s32 $0x4C80, s11;
	s14 =	sadd.s32 $0x4D00, s11;
	v29 =	vld.idx.msk [tilespmem:v14+s3+$0x0], $0xffff;
	s2 =	sshll.u32 s4, $0x6;
	[tilespmem:s12+$0x300] =	vst v25  }
0x41: {  	s6 =	rddreg [dreg:$0x4];
	v35 =	vld.idx.msk [tilespmem:v1+s3+$0x0], $0xffff;
	s26 =	sor.u32 s0, s13;
	s2 =	sand.u32 $0x3FFFFE00, s2;
	[tilespmem:s12+$0x380] =	vst v24  }
0x42: {  	s19 =	sor.u32 $0x10, s18;
	s28 =	sor.u32 s0, s14;
	s2 =	sadd.s32 s2, s6;
	v26 =	vld.idx.msk [tilespmem:v19+s3+$0x0], $0xffff;
	[tilespmem:s26+$0x0] =	vst v22  }
0x43: {  	s15 =	sadd.s32 $0x4D80, s11;
	v25 =	vld.idx.msk [tilespmem:v21+s3+$0x0], $0xffff;
	s16 =	sadd.s32 s19, s2;
	[tilespmem:s28+$0x0] =	vst v20  }
0x44: {  	s17 =	sadd.s32 $0x4E00, s11;
	s30 =	sor.u32 s0, s15;
	s2 =	sadd.s32 s18, s2;
	v30 =	vld [tilespmem:s16+$0x0]  }
0x45: {  	s31 =	sadd.s32 $0x4E80, s11;
	s20 =	sor.u32 s0, s17;
	v14 =	vld [tilespmem:s2+$0x0];
	[tilespmem:s30+$0x0] =	vst v18  }
0x46: {  	s7 =	sadd.s32 $0x4F00, s11;
	s8 =	sor.u32 s0, s31;
	v22 =	vld.idx.msk [tilespmem:v0+s3+$0x0], $0xffff;
	[tilespmem:s20+$0x0] =	vst v16  }
0x47: {  	s10 =	sadd.s32 $0x4F80, s11;
	s22 =	sor.u32 s0, s7;
	v16 =	vld.idx.msk [tilespmem:v10+s3+$0x0], $0xffff;
	[tilespmem:s8+$0x0] =	vst v15  }
0x48: {  	s21 =	sadd.s32 $0x5000, s11;
	s23 =	sor.u32 s0, s10;
	v15 =	vld.idx.msk [tilespmem:v7+s3+$0x0], $0xffff;
	[tilespmem:s22+$0x0] =	vst v13  }
0x49: {  	s25 =	sor.u32 s0, s21;
	v13 =	vld.idx.msk [tilespmem:v4+s3+$0x0], $0xffff;
	[tilespmem:s23+$0x0] =	vst v12;
	v4 =	vadd.s32 $0xC8, v30  }
0x4a: {  	v12 =	vld.idx.msk [tilespmem:v3+s3+$0x0], $0xffff;
	[tilespmem:s25+$0x0] =	vst v11;
	v3 =	vadd.s32 $0x190, v30  }
0x4b: {  	v11 =	vld.idx.msk [tilespmem:v2+s3+$0x0], $0xffff;
	v18 =	vadd.s32 $0x258, v30;
	[tilespmem:s1+$0x80] =	vst v5  }
0x4c: {  	v20 =	vadd.s32 $0x320, v30;
	[tilespmem:s1+$0x100] =	vst v6  }
0x4d: {  	v24 =	vadd.s32 $0x3E8, v30;
	[tilespmem:s1+$0x180] =	vst v8;
	v5 =	vld.idx.msk [tilespmem:v30+s3+$0x0], $0xffff  }
0x4e: {  	v36 =	vadd.s32 $0x4B0, v30;
	[tilespmem:s1+$0x200] =	vst v9;
	v6 =	vld.idx.msk [tilespmem:v4+s3+$0x0], $0xffff  }
0x4f: {  	v37 =	vadd.s32 $0x578, v30;
	[tilespmem:s1+$0x280] =	vst v27;
	v8 =	vld.idx.msk [tilespmem:v3+s3+$0x0], $0xffff  }
0x50: {  	[tilespmem:s1+$0x300] =	vst v26;
	v60 =	vadd.s32 $0x898, v30;
	v9 =	vld.idx.msk [tilespmem:v18+s3+$0x0], $0xffff  }
0x51: {  	[tilespmem:s1+$0x380] =	vst v25;
	v61 =	vadd.s32 $0x960, v30;
	v27 =	vld.idx.msk [tilespmem:v20+s3+$0x0], $0xffff  }
0x52: {  	s6 =	sor.u32 s29, s13;
	[tilespmem:s1+$0x0] =	vst v22;
	v62 =	vadd.s32 $0xA28, v30;
	v26 =	vld.idx.msk [tilespmem:v24+s3+$0x0], $0xffff  }
0x53: {  	s9 =	sor.u32 s29, s14;
	v63 =	vadd.s32 $0xAF0, v30;
	[tilespmem:s6+$0x0] =	vst v28;
	v25 =	vld.idx.msk [tilespmem:v36+s3+$0x0], $0xffff  }
0x54: {  	s15 =	sor.u32 s29, s15;
	[tilespmem:s9+$0x0] =	vst v29;
	v18 =	vadd.s32 $0x640, v30;
	v24 =	vld.idx.msk [tilespmem:v37+s3+$0x0], $0xffff  }
0x55: {  	s17 =	sor.u32 s29, s17;
	[tilespmem:s15+$0x0] =	vst v16;
	v20 =	vadd.s32 $0x708, v30;
	v16 =	vld.idx.msk [tilespmem:v60+s3+$0x0], $0xffff  }
0x56: {  	s24 =	sor.u32 s29, s31;
	v38 =	vadd.s32 $0x7D0, v30;
	[tilespmem:s17+$0x0] =	vst v15;
	v15 =	vld.idx.msk [tilespmem:v61+s3+$0x0], $0xffff  }
0x57: {  	s26 =	sor.u32 s29, s7;
	v30 =	vadd.s32 $0xBB8, v30;
	[tilespmem:s24+$0x0] =	vst v13;
	v13 =	vld.idx.msk [tilespmem:v62+s3+$0x0], $0xffff  }
0x58: {  	s30 =	sshll.u32 s4, $0x7;
	v31 =	vadd.s32 $0xC8, v14;
	[tilespmem:s26+$0x0] =	vst v12;
	v12 =	vld.idx.msk [tilespmem:v63+s3+$0x0], $0xffff  }
0x59: {  	s14 =	sor.u32 s29, s10;
	s11 =	sand.u32 $0x3FFFFC00, s30;
	v32 =	vadd.s32 $0x190, v14;
	v22 =	vld.idx.msk [tilespmem:v18+s3+$0x0], $0xffff  }
0x5a: {  	s0 =	smov.u32 s19;
	s28 =	sor.u32 s29, s21;
	s31 =	sadd.s32 $0x2C80, s11;
	v33 =	vadd.s32 $0x258, v14;
	[tilespmem:s14+$0x0] =	vst v11;
	v20 =	vld.idx.msk [tilespmem:v20+s3+$0x0], $0xffff  }
0x5b: {  	p1 =	slt.u32 s4, $0x3E;
	v34 =	vadd.s32 $0x320, v14;
	s12 =	sor.u32 s0, s31;
	[tilespmem:s28+$0x0] =	vst v35;
	v18 =	vld.idx.msk [tilespmem:v38+s3+$0x0], $0xffff  }
.Ltmp0:
0x5c: {  	v11 =	vld.idx.msk [tilespmem:v30+s3+$0x0], $0xffff;
	[tilespmem:s12+$0x0] =	vst v5;
	(pc) =	sbr.rel @p1 .LBB2_3-.Ltmp0, $4  }
0x5d: {  	v23 =	vadd.s32 $0x3E8, v14;
	v19 =	vadd.s32 $0x4B0, v14;
	v0 =	vmov v14;
	v5 =	vld.idx.msk [tilespmem:v31+s3+$0x0], $0xffff;
	[tilespmem:s12+$0x80] =	vst v6  }
0x5e: {  	v21 =	vadd.s32 $0x578, v0;
	v17 =	vadd.s32 $0x640, v0;
	v14 =	vadd.s32 $0x708, v0;
	v6 =	vld.idx.msk [tilespmem:v32+s3+$0x0], $0xffff;
	[tilespmem:s12+$0x100] =	vst v8  }
0x5f: {  	s29 =	smov.u32 s18;
	v10 =	vadd.s32 $0x7D0, v0;
	v7 =	vadd.s32 $0x898, v0;
	v1 =	vadd.s32 $0xBB8, v0;
	v8 =	vld.idx.msk [tilespmem:v33+s3+$0x0], $0xffff;
	[tilespmem:s12+$0x180] =	vst v9  }
0x60: {  	s5 =	sadd.s32 $0x20, s5;
	v2 =	vadd.s32 $0xAF0, v0;
	s1 =	sor.u32 s29, s31;
	v4 =	vadd.s32 $0x960, v0;
	v3 =	vadd.s32 $0xA28, v0;
	v9 =	vld.idx.msk [tilespmem:v34+s3+$0x0], $0xffff;
	[tilespmem:s12+$0x200] =	vst v27  }
0x61: {  	_ =	sdelay $0x3  }
0x62: {  	v23 =	vld.idx.msk [tilespmem:v23+s3+$0x0], $0xffff  }
0x63: {  	v19 =	vld.idx.msk [tilespmem:v19+s3+$0x0], $0xffff  }
0x64: {  	v21 =	vld.idx.msk [tilespmem:v21+s3+$0x0], $0xffff  }
0x65: {  	v17 =	vld.idx.msk [tilespmem:v17+s3+$0x0], $0xffff  }
0x66: {  	v14 =	vld.idx.msk [tilespmem:v14+s3+$0x0], $0xffff  }
0x67: {  	v10 =	vld.idx.msk [tilespmem:v10+s3+$0x0], $0xffff  }
0x68: {  	v7 =	vld.idx.msk [tilespmem:v7+s3+$0x0], $0xffff  }
0x69: {  	v4 =	vld.idx.msk [tilespmem:v4+s3+$0x0], $0xffff  }
0x6a: {  	[tilespmem:s12+$0x280] =	vst v26;
	v3 =	vld.idx.msk [tilespmem:v3+s3+$0x0], $0xffff  }
0x6b: {  	[tilespmem:s12+$0x300] =	vst v25;
	v2 =	vld.idx.msk [tilespmem:v2+s3+$0x0], $0xffff  }
0x6c: {  	s2 =	sadd.s32 $0x4C80, s11;
	[tilespmem:s12+$0x380] =	vst v24;
	v1 =	vld.idx.msk [tilespmem:v1+s3+$0x0], $0xffff  }
0x6d: {  	v0 =	vld.idx.msk [tilespmem:v0+s3+$0x0], $0xffff;
	s5 =	sor.u32 s0, s2;
	[tilespmem:s1+$0x80] =	vst v5  }
0x6e: {  	s4 =	sadd.s32 $0x4D00, s11;
	[tilespmem:s5+$0x0] =	vst v22  }
0x6f: {  	s20 =	sor.u32 s0, s4;
	[tilespmem:s1+$0x100] =	vst v6  }
0x70: {  	s19 =	sadd.s32 $0x4D80, s11;
	[tilespmem:s20+$0x0] =	vst v20  }
0x71: {  	s21 =	sor.u32 s0, s19;
	[tilespmem:s1+$0x180] =	vst v8  }
0x72: {  	s13 =	sadd.s32 $0x4E00, s11;
	[tilespmem:s21+$0x0] =	vst v18  }
0x73: {  	s22 =	sor.u32 s0, s13;
	[tilespmem:s1+$0x200] =	vst v9  }
0x74: {  	[tilespmem:s22+$0x0] =	vst v16  }
0x75: {  	[tilespmem:s1+$0x280] =	vst v23  }
0x76: {  	[tilespmem:s1+$0x300] =	vst v19  }
0x77: {  	s14 =	sadd.s32 $0x4E80, s11;
	[tilespmem:s1+$0x380] =	vst v21  }
0x78: {  	s23 =	sor.u32 s0, s14;
	[tilespmem:s1+$0x0] =	vst v0  }
0x79: {  	s15 =	sadd.s32 $0x4F00, s11;
	s6 =	sor.u32 s29, s2;
	[tilespmem:s23+$0x0] =	vst v15  }
0x7a: {  	s24 =	sor.u32 s0, s15;
	[tilespmem:s6+$0x0] =	vst v17  }
0x7b: {  	s16 =	sadd.s32 $0x4F80, s11;
	s7 =	sor.u32 s29, s4;
	[tilespmem:s24+$0x0] =	vst v13  }
0x7c: {  	s26 =	sor.u32 s0, s16;
	[tilespmem:s7+$0x0] =	vst v14  }
0x7d: {  	s25 =	sadd.s32 $0x5000, s11;
	s8 =	sor.u32 s29, s19;
	[tilespmem:s26+$0x0] =	vst v12  }
0x7e: {  	s5 =	sor.u32 s0, s25;
	[tilespmem:s8+$0x0] =	vst v10  }
0x7f: {  	s9 =	sor.u32 s29, s13;
	[tilespmem:s5+$0x0] =	vst v11  }
0x80: {  	s10 =	sor.u32 s29, s14;
	[tilespmem:s9+$0x0] =	vst v7  }
0x81: {  	s12 =	sor.u32 s29, s15;
	[tilespmem:s10+$0x0] =	vst v4  }
0x82: {  	s13 =	sor.u32 s29, s16;
	[tilespmem:s12+$0x0] =	vst v3  }
0x83: {  	s14 =	sor.u32 s29, s25;
	[tilespmem:s13+$0x0] =	vst v2  }
0x84: {  	s15 =	rddreg [dreg:$0x2];
	[tilespmem:s14+$0x0] =	vst v1  }
0x85: {  	s1 =	rddreg [dreg:$0x13]  }
0x86: {  	s16 =	simm.s32 $0x2C80;
	s2 =	simm.s32 @!p0 $0x4;
	s0 =	sadd.s32 s15, s1  }
0x87: {  	[hbm4b:s0+s3] =	stream.linear.scatter [tilespmem:s16], [sflag:$0x3], $0x4000, $0x38;
	[tilespmem:$0x12C80] =	vst v63  }
0x88: {  	s17 =	simm.s32 $0x0;
	s18 =	simm.s32 $0x0;
	_ =	swait.ge @!p0 [sflag:s2], $0x4000  }
0x89: {  	s19 =	sand.u32 $0x3FFFFE00, s18;
	s0 =	sand.u32 $0x60, s17;
	s6 =	rddreg [dreg:$0x4]  }
0x8a: {  	s1 =	sor.u32 $0x10, s0;
	[sflag:s2] =	ssyncset.done @!p0 $0x0;
	s4 =	sadd.s32 s19, s6  }
0x8b: {  	[sflag:s2] =	ssyncadd.s32 @!p0 $0xFFFFC000;
	s20 =	sadd.s32 s1, s4  }
0x8c: {  	v0 =	vld [tilespmem:s20+$0x80];
	_ =	sdelay $0x4  }
0x8d: {  	v1 =	vadd.s32 $0xC8, v0  }
0x8e: {  	v2 =	vadd.s32 $0x190, v0  }
0x8f: {  	s21 =	sadd.s32 s0, s4;
	v3 =	vadd.s32 $0x258, v0  }
0x90: {  	v7 =	vld [tilespmem:s21+$0x80];
	v4 =	vadd.s32 $0x320, v0  }
0x91: {  	v6 =	vadd.s32 $0x3E8, v0;
	v5 =	vld.idx.msk [tilespmem:v0+s3+$0x0], $0xffff  }
0x92: {  	v8 =	vadd.s32 $0x4B0, v0;
	v1 =	vld.idx.msk [tilespmem:v1+s3+$0x0], $0xffff  }
0x93: {  	v9 =	vadd.s32 $0x578, v0;
	v2 =	vld.idx.msk [tilespmem:v2+s3+$0x0], $0xffff  }
0x94: {  	v10 =	vadd.s32 $0x640, v0;
	v3 =	vld.idx.msk [tilespmem:v3+s3+$0x0], $0xffff  }
0x95: {  	v11 =	vadd.s32 $0x708, v0;
	v4 =	vld.idx.msk [tilespmem:v4+s3+$0x0], $0xffff  }
0x96: {  	v12 =	vadd.s32 $0x7D0, v0;
	v6 =	vld.idx.msk [tilespmem:v6+s3+$0x0], $0xffff  }
0x97: {  	v13 =	vadd.s32 $0x898, v0;
	v8 =	vld.idx.msk [tilespmem:v8+s3+$0x0], $0xffff  }
0x98: {  	v14 =	vadd.s32 $0x960, v0;
	v9 =	vld.idx.msk [tilespmem:v9+s3+$0x0], $0xffff  }
0x99: {  	v15 =	vadd.s32 $0xA28, v0;
	v10 =	vld.idx.msk [tilespmem:v10+s3+$0x0], $0xffff  }
0x9a: {  	v16 =	vadd.s32 $0xAF0, v0;
	v11 =	vld.idx.msk [tilespmem:v11+s3+$0x0], $0xffff  }
0x9b: {  	v17 =	vadd.s32 $0xC8, v7;
	v12 =	vld.idx.msk [tilespmem:v12+s3+$0x0], $0xffff  }
0x9c: {  	v18 =	vadd.s32 $0x190, v7;
	v13 =	vld.idx.msk [tilespmem:v13+s3+$0x0], $0xffff  }
0x9d: {  	v19 =	vadd.s32 $0x258, v7;
	v14 =	vld.idx.msk [tilespmem:v14+s3+$0x0], $0xffff  }
0x9e: {  	v20 =	vadd.s32 $0x320, v7;
	v15 =	vld.idx.msk [tilespmem:v15+s3+$0x0], $0xffff  }
0x9f: {  	v21 =	vadd.s32 $0x3E8, v7;
	v16 =	vld.idx.msk [tilespmem:v16+s3+$0x0], $0xffff  }
0xa0: {  	v23 =	vadd.s32 $0x578, v7;
	v17 =	vld.idx.msk [tilespmem:v17+s3+$0x0], $0xffff  }
0xa1: {  	v24 =	vadd.s32 $0x640, v7;
	v18 =	vld.idx.msk [tilespmem:v18+s3+$0x0], $0xffff  }
0xa2: {  	v25 =	vadd.s32 $0x708, v7;
	v19 =	vld.idx.msk [tilespmem:v19+s3+$0x0], $0xffff  }
0xa3: {  	v20 =	vld.idx.msk [tilespmem:v20+s3+$0x0], $0xffff  }
0xa4: {  	s23 =	simm.s32 $0x20;
	s24 =	simm.s32 $0x80;
	v0 =	vadd.s32 $0xBB8, v0;
	v21 =	vld.idx.msk [tilespmem:v21+s3+$0x0], $0xffff  }
0xa5: {  	s29 =	sand.u32 $0x60, s23;
	s25 =	sand.u32 $0x3FFFFE00, s24;
	v29 =	vld.idx.msk [tilespmem:v23+s3+$0x0], $0xffff  }
0xa6: {  	s22 =	simm.s32 $0x0;
	s30 =	sor.u32 $0x10, s29;
	s6 =	sadd.s32 s25, s6;
	v27 =	vadd.s32 $0x7D0, v7;
	v34 =	vld.idx.msk [tilespmem:v24+s3+$0x0], $0xffff  }
0xa7: {  	s11 =	sand.u32 $0x3FFFFC00, s22;
	s8 =	sadd.s32 s30, s6;
	v23 =	vadd.s32 $0x898, v7;
	v35 =	vld.idx.msk [tilespmem:v25+s3+$0x0], $0xffff  }
0xa8: {  	s2 =	sadd.s32 $0x6C80, s11;
	v24 =	vadd.s32 $0x960, v7;
	v25 =	vld [tilespmem:s8+$0x80]  }
0xa9: {  	s4 =	sadd.s32 $0x6D00, s11;
	s26 =	sor.u32 s1, s2;
	v22 =	vld.idx.msk [tilespmem:v0+s3+$0x0], $0xffff;
	v0 =	vadd.s32 $0x4B0, v7  }
0xaa: {  	s5 =	sadd.s32 $0x6D80, s11;
	s7 =	sor.u32 s1, s4;
	v28 =	vadd.s32 $0xAF0, v7;
	v30 =	vadd.s32 $0xBB8, v7;
	[tilespmem:s26+$0x0] =	vst v5;
	v5 =	vadd.s32 $0xA28, v7;
	v7 =	vld.idx.msk [tilespmem:v7+s3+$0x0], $0xffff  }
0xab: {  	s12 =	sadd.s32 $0x6E00, s11;
	s9 =	sor.u32 s1, s5;
	[tilespmem:s7+$0x0] =	vst v1;
	v1 =	vld.idx.msk [tilespmem:v27+s3+$0x0], $0xffff  }
0xac: {  	s17 =	sor.u32 s1, s12;
	[tilespmem:s9+$0x0] =	vst v2;
	v2 =	vld.idx.msk [tilespmem:v23+s3+$0x0], $0xffff  }
0xad: {  	s13 =	sadd.s32 $0x6E80, s11;
	[tilespmem:s17+$0x0] =	vst v3;
	v3 =	vld.idx.msk [tilespmem:v24+s3+$0x0], $0xffff  }
0xae: {  	s14 =	sadd.s32 $0x6F00, s11;
	s18 =	sor.u32 s1, s13;
	v26 =	vld.idx.msk [tilespmem:v0+s3+$0x0], $0xffff  }
0xaf: {  	s19 =	sor.u32 s1, s14;
	[tilespmem:s18+$0x0] =	vst v4;
	v4 =	vld.idx.msk [tilespmem:v5+s3+$0x0], $0xffff  }
0xb0: {  	s16 =	sadd.s32 $0x6F80, s11;
	s8 =	sor.u32 s0, s2;
	v5 =	vld.idx.msk [tilespmem:v28+s3+$0x0], $0xffff;
	[tilespmem:s19+$0x0] =	vst v6  }
0xb1: {  	s20 =	sor.u32 s1, s16;
	v6 =	vld.idx.msk [tilespmem:v30+s3+$0x0], $0xffff;
	[tilespmem:s8+$0x0] =	vst v7  }
0xb2: {  	v23 =	vadd.s32 $0x3E8, v25;
	s9 =	sor.u32 s0, s4;
	s17 =	sadd.s32 $0x7000, s11;
	[tilespmem:s20+$0x0] =	vst v8  }
0xb3: {  	s10 =	sadd.s32 s29, s6;
	s21 =	sor.u32 s1, s17;
	[tilespmem:s9+$0x0] =	vst v17  }
0xb4: {  	v0 =	vld [tilespmem:s10+$0x80];
	s18 =	sadd.s32 $0x8C80, s11;
	s10 =	sor.u32 s0, s5;
	v7 =	vadd.s32 $0x898, v25;
	[tilespmem:s21+$0x0] =	vst v9  }
0xb5: {  	s19 =	sadd.s32 $0x8D00, s11;
	s22 =	sor.u32 s1, s18;
	v9 =	vadd.s32 $0x190, v25;
	[tilespmem:s10+$0x0] =	vst v18  }
0xb6: {  	s20 =	sadd.s32 $0x8D80, s11;
	s23 =	sor.u32 s1, s19;
	[tilespmem:s22+$0x0] =	vst v10;
	v10 =	vadd.s32 $0x258, v25  }
0xb7: {  	s21 =	sadd.s32 $0x8E00, s11;
	s24 =	sor.u32 s1, s20;
	v31 =	vld.idx.msk [tilespmem:v23+s3+$0x0], $0xffff;
	[tilespmem:s23+$0x0] =	vst v11;
	v11 =	vadd.s32 $0x320, v25  }
0xb8: {  	v8 =	vadd.s32 $0xC8, v25;
	s25 =	sor.u32 s1, s21;
	[tilespmem:s24+$0x0] =	vst v12;
	v12 =	vld.idx.msk [tilespmem:v25+s3+$0x0], $0xffff  }
0xb9: {  	s12 =	sor.u32 s0, s12;
	v24 =	vld.idx.msk [tilespmem:v7+s3+$0x0], $0xffff;
	[tilespmem:s25+$0x0] =	vst v13;
	v13 =	vadd.s32 $0x4B0, v25  }
0xba: {  	s13 =	sor.u32 s0, s13;
	[tilespmem:s12+$0x0] =	vst v19;
	v36 =	vld.idx.msk [tilespmem:v9+s3+$0x0], $0xffff;
	v9 =	vadd.s32 $0x578, v25  }
0xbb: {  	s14 =	sor.u32 s0, s14;
	s22 =	sadd.s32 $0x8E80, s11;
	[tilespmem:s13+$0x0] =	vst v20;
	v32 =	vld.idx.msk [tilespmem:v10+s3+$0x0], $0xffff;
	v10 =	vadd.s32 $0x640, v25  }
0xbc: {  	s26 =	sor.u32 s1, s22;
	[tilespmem:s14+$0x0] =	vst v21;
	v33 =	vld.idx.msk [tilespmem:v11+s3+$0x0], $0xffff;
	v11 =	vadd.s32 $0x708, v25  }
0xbd: {  	s16 =	sor.u32 s0, s16;
	s23 =	sadd.s32 $0x8F00, s11;
	v8 =	vld.idx.msk [tilespmem:v8+s3+$0x0], $0xffff;
	[tilespmem:s26+$0x0] =	vst v14;
	v14 =	vadd.s32 $0x7D0, v25  }
0xbe: {  	s24 =	sadd.s32 $0x8F80, s11;
	s6 =	sor.u32 s1, s23;
	[tilespmem:s16+$0x0] =	vst v26;
	v30 =	vld.idx.msk [tilespmem:v13+s3+$0x0], $0xffff;
	v13 =	vadd.s32 $0xBB8, v25  }
0xbf: {  	s11 =	sadd.s32 $0x9000, s11;
	s7 =	sor.u32 s1, s24;
	[tilespmem:s6+$0x0] =	vst v15;
	v28 =	vld.idx.msk [tilespmem:v9+s3+$0x0], $0xffff;
	v9 =	vadd.s32 $0x960, v25  }
0xc0: {  	s15 =	simm.s32 $0x2;
	s1 =	sor.u32 s1, s11;
	[tilespmem:s7+$0x0] =	vst v16;
	v27 =	vld.idx.msk [tilespmem:v10+s3+$0x0], $0xffff;
	v10 =	vadd.s32 $0xA28, v25  }
0xc1: {  	s17 =	sor.u32 s0, s17;
	s18 =	sor.u32 s0, s18;
	s19 =	sor.u32 s0, s19;
	[tilespmem:s1+$0x0] =	vst v22;
	v22 =	vld.idx.msk [tilespmem:v11+s3+$0x0], $0xffff;
	v11 =	vadd.s32 $0xAF0, v25  }
0xc2: {  	s13 =	sor.u32 s0, s21;
	s21 =	simm.s32 $0x100;
	s28 =	sor.u32 s0, s22;
	v7 =	vadd.s32 $0xC8, v0;
	[tilespmem:s17+$0x0] =	vst v29;
	v23 =	vld.idx.msk [tilespmem:v14+s3+$0x0], $0xffff  }
0xc3: {  	v37 =	vadd.s32 $0x190, v0;
	s14 =	sor.u32 s0, s20;
	s21 =	sand.u32 $0x3FFFFC00, s21;
	s20 =	simm.s32 $0x40;
	[tilespmem:s18+$0x0] =	vst v34;
	v34 =	vld.idx.msk [tilespmem:v13+s3+$0x0], $0xffff  }
0xc4: {  	v21 =	vadd.s32 $0x258, v0;
	s4 =	sor.u32 s0, s24;
	s31 =	sor.u32 s0, s11;
	s2 =	sadd.s32 $0x6C80, s21;
	v25 =	vld.idx.msk [tilespmem:v9+s3+$0x0], $0xffff  }
0xc5: {  	v20 =	vadd.s32 $0x320, v0;
	v19 =	vadd.s32 $0x3E8, v0;
	v17 =	vadd.s32 $0x4B0, v0;
	s22 =	sadd.s32 $0x6D00, s21;
	[tilespmem:s19+$0x0] =	vst v35;
	s1 =	sor.u32 s29, s2;
	s2 =	sor.u32 s30, s2;
	v26 =	vld.idx.msk [tilespmem:v10+s3+$0x0], $0xffff  }
0xc6: {  	v18 =	vadd.s32 $0x578, v0;
	s26 =	sor.u32 s0, s23;
	s23 =	sadd.s32 $0x6D80, s21;
	s24 =	sor.u32 s30, s22;
	v15 =	vadd.s32 $0x708, v0;
	v16 =	vadd.s32 $0x640, v0;
	v29 =	vld.idx.msk [tilespmem:v11+s3+$0x0], $0xffff;
	[tilespmem:s2+$0x0] =	vst v12  }
0xc7: {  	s5 =	sor.u32 s29, s22;
	s22 =	sadd.s32 $0x6E00, s21;
	s25 =	sor.u32 s30, s23;
	v7 =	vld.idx.msk [tilespmem:v7+s3+$0x0], $0xffff;
	v14 =	vadd.s32 $0x898, v0;
	v13 =	vadd.s32 $0x7D0, v0;
	v9 =	vadd.s32 $0xBB8, v0;
	[tilespmem:s24+$0x0] =	vst v8  }
0xc8: {  	s11 =	sor.u32 s29, s23;
	s23 =	sadd.s32 $0x6E80, s21;
	v10 =	vadd.s32 $0xAF0, v0;
	v11 =	vadd.s32 $0x960, v0;
	v12 =	vadd.s32 $0xA28, v0;
	s2 =	sor.u32 s30, s22;
	v8 =	vld.idx.msk [tilespmem:v37+s3+$0x0], $0xffff;
	[tilespmem:s25+$0x0] =	vst v36  }
.LBB2_5:
0xc9: {  	v35 =	vld.idx.msk [tilespmem:v21+s3+$0x0], $0xffff  }
0xca: {  	v36 =	vld.idx.msk [tilespmem:v20+s3+$0x0], $0xffff  }
0xcb: {  	v37 =	vld.idx.msk [tilespmem:v19+s3+$0x0], $0xffff  }
0xcc: {  	s15 =	sadd.s32 $0x2, s15;
	s16 =	sadd.s32 $0x6F00, s21;
	[tilespmem:s2+$0x0] =	vst v32;
	s6 =	sor.u32 s30, s23;
	v38 =	vld.idx.msk [tilespmem:v17+s3+$0x0], $0xffff  }
0xcd: {  	s18 =	sand.u32 $0x60, s20;
	s17 =	sadd.s32 $0x6F80, s21;
	v39 =	vld.idx.msk [tilespmem:v18+s3+$0x0], $0xffff;
	s7 =	sor.u32 s30, s16;
	[tilespmem:s6+$0x0] =	vst v33  }
0xce: {  	s0 =	rddreg [dreg:$0x4];
	v40 =	vld.idx.msk [tilespmem:v16+s3+$0x0], $0xffff;
	s8 =	sor.u32 s30, s17;
	s6 =	sadd.s32 $0x7000, s21;
	[tilespmem:s7+$0x0] =	vst v31  }
0xcf: {  	v41 =	vld.idx.msk [tilespmem:v15+s3+$0x0], $0xffff;
	s24 =	sshll.u32 s15, $0x6;
	s7 =	sadd.s32 $0x8C80, s21;
	s9 =	sor.u32 s30, s6;
	[tilespmem:s8+$0x0] =	vst v30  }
0xd0: {  	v13 =	vld.idx.msk [tilespmem:v13+s3+$0x0], $0xffff;
	s24 =	sand.u32 $0x3FFFFE00, s24;
	s8 =	sadd.s32 $0x8D00, s21;
	s10 =	sor.u32 s30, s7;
	[tilespmem:s9+$0x0] =	vst v28  }
0xd1: {  	v14 =	vld.idx.msk [tilespmem:v14+s3+$0x0], $0xffff;
	s19 =	sor.u32 $0x10, s18;
	s24 =	sadd.s32 s24, s0;
	s12 =	sor.u32 s30, s8;
	[tilespmem:s10+$0x0] =	vst v27  }
0xd2: {  	v11 =	vld.idx.msk [tilespmem:v11+s3+$0x0], $0xffff;
	s9 =	sadd.s32 $0x8D80, s21;
	s10 =	sadd.s32 s19, s24;
	[tilespmem:s12+$0x0] =	vst v22  }
0xd3: {  	s25 =	sadd.s32 $0x8E00, s21;
	s0 =	sor.u32 s30, s9;
	s24 =	sadd.s32 s18, s24;
	v42 =	vld [tilespmem:s10+$0x80]  }
0xd4: {  	s12 =	sor.u32 s30, s25;
	v15 =	vld [tilespmem:s24+$0x80];
	s24 =	sor.u32 s29, s22;
	s22 =	smov.u32 s11;
	[tilespmem:s0+$0x0] =	vst v23  }
0xd5: {  	v12 =	vld.idx.msk [tilespmem:v12+s3+$0x0], $0xffff;
	s11 =	smov.u32 s1;
	s1 =	smov.u32 s4;
	s10 =	sadd.s32 $0x8E80, s21;
	[tilespmem:s12+$0x0] =	vst v24  }
0xd6: {  	s4 =	smov.u32 s26;
	s26 =	sadd.s32 $0x8F00, s21;
	s0 =	sor.u32 s30, s10;
	v24 =	vld.idx.msk [tilespmem:v10+s3+$0x0], $0xffff;
	[tilespmem:s14+$0x0] =	vst v1  }
0xd7: {  	[dreg:$0x9] =	wrdreg s24;
	s24 =	sor.u32 s29, s23;
	s23 =	sor.u32 s30, s26;
	[tilespmem:s0+$0x0] =	vst v25  }
0xd8: {  	s12 =	smov.u32 s5;
	s5 =	smov.u32 s28;
	s28 =	sadd.s32 $0x8F80, s21;
	[tilespmem:s23+$0x0] =	vst v26;
	v22 =	vadd.s32 $0xC8, v42  }
0xd9: {  	s0 =	sadd.s32 $0x9000, s21;
	s23 =	sor.u32 s30, s28;
	v26 =	vld.idx.msk [tilespmem:v9+s3+$0x0], $0xffff;
	[tilespmem:s13+$0x0] =	vst v2;
	v23 =	vadd.s32 $0x190, v42  }
0xda: {  	s2 =	sor.u32 s29, s6;
	s6 =	sor.u32 s30, s0;
	[tilespmem:s23+$0x0] =	vst v29;
	v25 =	vadd.s32 $0x258, v42  }
0xdb: {  	v28 =	vld.idx.msk [tilespmem:v0+s3+$0x0], $0xffff;
	[tilespmem:s6+$0x0] =	vst v34;
	v27 =	vadd.s32 $0x320, v42  }
0xdc: {  	v29 =	vadd.s32 $0x3E8, v42;
	v45 =	vld.idx.msk [tilespmem:v42+s3+$0x0], $0xffff  }
0xdd: {  	[tilespmem:s5+$0x0] =	vst v3;
	v63 =	vadd.s32 $0xBB8, v42;
	v46 =	vld.idx.msk [tilespmem:v22+s3+$0x0], $0xffff  }
0xde: {  	[tilespmem:s4+$0x0] =	vst v4;
	v22 =	vadd.s32 $0x4B0, v42;
	v47 =	vld.idx.msk [tilespmem:v23+s3+$0x0], $0xffff  }
0xdf: {  	[tilespmem:s1+$0x0] =	vst v5;
	v23 =	vadd.s32 $0x578, v42;
	v32 =	vld.idx.msk [tilespmem:v25+s3+$0x0], $0xffff  }
0xe0: {  	s16 =	sor.u32 s29, s16;
	s21 =	sor.u32 s29, s17;
	s17 =	sor.u32 s29, s7;
	[tilespmem:s31+$0x0] =	vst v6;
	v25 =	vadd.s32 $0x640, v42;
	v33 =	vld.idx.msk [tilespmem:v27+s3+$0x0], $0xffff  }
0xe1: {  	s7 =	sor.u32 s29, s9;
	s9 =	sor.u32 s29, s10;
	s10 =	sor.u32 s29, s26;
	v5 =	vmov v24;
	v24 =	vadd.s32 $0x708, v42;
	[tilespmem:s11+$0x0] =	vst v28;
	v31 =	vld.idx.msk [tilespmem:v29+s3+$0x0], $0xffff  }
0xe2: {  	s0 =	sor.u32 s29, s0;
	s23 =	sor.u32 s29, s8;
	s8 =	sor.u32 s29, s25;
	v6 =	vmov v26;
	v26 =	vadd.s32 $0x7D0, v42;
	[tilespmem:s12+$0x0] =	vst v7;
	v34 =	vld.idx.msk [tilespmem:v63+s3+$0x0], $0xffff  }
0xe3: {  	s25 =	sor.u32 s29, s28;
	s29 =	smov.u32 s18;
	s18 =	rddreg [dreg:$0x9];
	v29 =	vadd.s32 $0x898, v42;
	[tilespmem:s22+$0x0] =	vst v8;
	v30 =	vld.idx.msk [tilespmem:v22+s3+$0x0], $0xffff  }
0xe4: {  	v7 =	vadd.s32 $0x960, v42;
	[tilespmem:s18+$0x0] =	vst v35;
	v28 =	vld.idx.msk [tilespmem:v23+s3+$0x0], $0xffff  }
0xe5: {  	v62 =	vadd.s32 $0xAF0, v42;
	[tilespmem:s24+$0x0] =	vst v36;
	v27 =	vld.idx.msk [tilespmem:v25+s3+$0x0], $0xffff  }
0xe6: {  	s20 =	sadd.s32 $0x20, s20;
	p1 =	slt.u32 s15, $0x3E;
	s30 =	smov.u32 s19;
	v8 =	vadd.s32 $0xA28, v42;
	[tilespmem:s16+$0x0] =	vst v37;
	v22 =	vld.idx.msk [tilespmem:v24+s3+$0x0], $0xffff  }
0xe7: {  	s14 =	smov.u32 s7;
	s26 =	smov.u32 s10;
	s19 =	sshll.u32 s15, $0x7;
	v43 =	vadd.s32 $0xC8, v15;
	v23 =	vld.idx.msk [tilespmem:v26+s3+$0x0], $0xffff;
	[tilespmem:s21+$0x0] =	vst v38  }
0xe8: {  	v44 =	vadd.s32 $0x190, v15;
	s28 =	smov.u32 s9;
	s13 =	smov.u32 s8;
	v24 =	vld.idx.msk [tilespmem:v29+s3+$0x0], $0xffff;
	s21 =	sand.u32 $0x3FFFFC00, s19;
	[tilespmem:s2+$0x0] =	vst v39  }
.Ltmp1:
0xe9: {  	v21 =	vadd.s32 $0x258, v15;
	s31 =	smov.u32 s0;
	v25 =	vld.idx.msk [tilespmem:v7+s3+$0x0], $0xffff;
	s0 =	sadd.s32 $0x6C80, s21;
	[tilespmem:s17+$0x0] =	vst v40;
	(pc) =	sbr.rel @p1 .LBB2_5-.Ltmp1, $4  }
0xea: {  	v20 =	vadd.s32 $0x320, v15;
	v19 =	vadd.s32 $0x3E8, v15;
	v17 =	vadd.s32 $0x4B0, v15;
	v0 =	vmovc v15;
	v29 =	vld.idx.msk [tilespmem:v62+s3+$0x0], $0xffff;
	s22 =	sadd.s32 $0x6D00, s21;
	s1 =	sor.u32 s29, s0;
	s0 =	sor.u32 s30, s0;
	[tilespmem:s23+$0x0] =	vst v41  }
0xeb: {  	v1 =	vmovc v13;
	v18 =	vadd.s32 $0x578, v0;
	v16 =	vadd.s32 $0x640, v0;
	v15 =	vadd.s32 $0x708, v0;
	s4 =	smov.u32 s25;
	v26 =	vld.idx.msk [tilespmem:v8+s3+$0x0], $0xffff;
	s24 =	sor.u32 s30, s22;
	s23 =	sadd.s32 $0x6D80, s21;
	[tilespmem:s0+$0x0] =	vst v45  }
0xec: {  	v2 =	vmovc v14;
	v3 =	vmovc v11;
	v13 =	vadd.s32 $0x7D0, v0;
	v14 =	vadd.s32 $0x898, v0;
	v11 =	vadd.s32 $0x960, v0;
	s5 =	sor.u32 s29, s22;
	s22 =	sadd.s32 $0x6E00, s21;
	v7 =	vld.idx.msk [tilespmem:v43+s3+$0x0], $0xffff;
	[tilespmem:s24+$0x0] =	vst v46;
	s25 =	sor.u32 s30, s23  }
0xed: {  	v4 =	vmovc v12;
	v12 =	vadd.s32 $0xA28, v0;
	v10 =	vadd.s32 $0xAF0, v0;
	v9 =	vadd.s32 $0xBB8, v0;
	s2 =	sor.u32 s30, s22;
	s11 =	sor.u32 s29, s23;
	v8 =	vld.idx.msk [tilespmem:v44+s3+$0x0], $0xffff;
	s23 =	sadd.s32 $0x6E80, s21;
	[tilespmem:s25+$0x0] =	vst v47  }
0xee: {  	_ =	sdelay $0x3  }
0xef: {  	v21 =	vld.idx.msk [tilespmem:v21+s3+$0x0], $0xffff  }
0xf0: {  	[tilespmem:s2+$0x0] =	vst v32;
	v20 =	vld.idx.msk [tilespmem:v20+s3+$0x0], $0xffff  }
0xf1: {  	s8 =	sor.u32 s30, s23;
	v19 =	vld.idx.msk [tilespmem:v19+s3+$0x0], $0xffff;
	[tilespmem:s14+$0x0] =	vst v1  }
0xf2: {  	s0 =	sadd.s32 $0x6F00, s21;
	v17 =	vld.idx.msk [tilespmem:v17+s3+$0x0], $0xffff;
	[tilespmem:s8+$0x0] =	vst v33  }
0xf3: {  	v18 =	vld.idx.msk [tilespmem:v18+s3+$0x0], $0xffff;
	s9 =	sor.u32 s30, s0;
	[tilespmem:s13+$0x0] =	vst v2  }
0xf4: {  	s6 =	sadd.s32 $0x6F80, s21;
	v16 =	vld.idx.msk [tilespmem:v16+s3+$0x0], $0xffff;
	[tilespmem:s9+$0x0] =	vst v31  }
0xf5: {  	v15 =	vld.idx.msk [tilespmem:v15+s3+$0x0], $0xffff;
	s10 =	sor.u32 s30, s6;
	[tilespmem:s28+$0x0] =	vst v3  }
0xf6: {  	s7 =	sadd.s32 $0x7000, s21;
	v13 =	vld.idx.msk [tilespmem:v13+s3+$0x0], $0xffff;
	[tilespmem:s10+$0x0] =	vst v30  }
0xf7: {  	v0 =	vld.idx.msk [tilespmem:v0+s3+$0x0], $0xffff;
	s12 =	sor.u32 s30, s7;
	[tilespmem:s26+$0x0] =	vst v4  }
0xf8: {  	v1 =	vld.idx.msk [tilespmem:v14+s3+$0x0], $0xffff;
	s8 =	sadd.s32 $0x8C80, s21;
	[tilespmem:s12+$0x0] =	vst v28  }
0xf9: {  	v2 =	vld.idx.msk [tilespmem:v11+s3+$0x0], $0xffff;
	s15 =	sor.u32 s30, s8;
	[tilespmem:s4+$0x0] =	vst v5  }
0xfa: {  	v3 =	vld.idx.msk [tilespmem:v12+s3+$0x0], $0xffff;
	[tilespmem:s15+$0x0] =	vst v27  }
0xfb: {  	s9 =	sadd.s32 $0x8D00, s21;
	v4 =	vld.idx.msk [tilespmem:v10+s3+$0x0], $0xffff;
	[tilespmem:s31+$0x0] =	vst v6  }
0xfc: {  	s16 =	sor.u32 s30, s9;
	v5 =	vld.idx.msk [tilespmem:v9+s3+$0x0], $0xffff;
	[tilespmem:s1+$0x0] =	vst v0  }
0xfd: {  	s10 =	sadd.s32 $0x8D80, s21;
	[tilespmem:s16+$0x0] =	vst v22  }
0xfe: {  	s17 =	sor.u32 s30, s10;
	[tilespmem:s5+$0x0] =	vst v7  }
0xff: {  	s15 =	sadd.s32 $0x8E00, s21;
	[tilespmem:s17+$0x0] =	vst v23  }
0x100: {  	s18 =	sor.u32 s30, s15;
	[tilespmem:s11+$0x0] =	vst v8  }
0x101: {  	s4 =	sor.u32 s29, s22;
	s16 =	sadd.s32 $0x8E80, s21;
	[tilespmem:s18+$0x0] =	vst v24  }
0x102: {  	s19 =	sor.u32 s30, s16;
	[tilespmem:s4+$0x0] =	vst v21  }
0x103: {  	s5 =	sor.u32 s29, s23;
	s17 =	sadd.s32 $0x8F00, s21;
	[tilespmem:s19+$0x0] =	vst v25  }
0x104: {  	s20 =	sor.u32 s30, s17;
	[tilespmem:s5+$0x0] =	vst v20  }
0x105: {  	s0 =	sor.u32 s29, s0;
	s18 =	sadd.s32 $0x8F80, s21;
	[tilespmem:s20+$0x0] =	vst v26  }
0x106: {  	s24 =	sor.u32 s30, s18;
	[tilespmem:s0+$0x0] =	vst v19  }
0x107: {  	s6 =	sor.u32 s29, s6;
	s19 =	sadd.s32 $0x9000, s21;
	[tilespmem:s24+$0x0] =	vst v29  }
0x108: {  	s25 =	sor.u32 s30, s19;
	[tilespmem:s6+$0x0] =	vst v17  }
0x109: {  	s7 =	sor.u32 s29, s7;
	[tilespmem:s25+$0x0] =	vst v34  }
0x10a: {  	s8 =	sor.u32 s29, s8;
	[tilespmem:s7+$0x0] =	vst v18  }
0x10b: {  	s11 =	sor.u32 s29, s9;
	[tilespmem:s8+$0x0] =	vst v16  }
0x10c: {  	s12 =	sor.u32 s29, s10;
	[tilespmem:s11+$0x0] =	vst v15  }
0x10d: {  	s13 =	sor.u32 s29, s15;
	[tilespmem:s12+$0x0] =	vst v13  }
0x10e: {  	s14 =	sor.u32 s29, s16;
	[tilespmem:s13+$0x0] =	vst v1  }
0x10f: {  	s15 =	sor.u32 s29, s17;
	[tilespmem:s14+$0x0] =	vst v2  }
0x110: {  	s16 =	sor.u32 s29, s18;
	[tilespmem:s15+$0x0] =	vst v3  }
0x111: {  	s17 =	sor.u32 s29, s19;
	[tilespmem:s16+$0x0] =	vst v4  }
0x112: {  	[tilespmem:s17+$0x0] =	vst v5  }
0x113: {  	s0 =	rddreg [dreg:$0xd]  }
0x114: {  	s1 =	rddreg [dreg:$0x13]  }
0x115: {  	s18 =	simm.s32 $0x6C80;
	s0 =	sadd.s32 s1, s0;
	s1 =	simm.s32 @!p0 $0x5  }
0x116: {  	[hbm4b:s0+s3] =	stream.linear.scatter [tilespmem:s18], [sflag:$0x4], $0x4000, $0x38;
	[tilespmem:$0x12C80] =	vst v63  }
0x117: {  	s19 =	simm.s32 $0x0;
	s20 =	simm.s32 $0x0;
	_ =	swait.ge @!p0 [sflag:s1], $0x4000  }
0x118: {  	s5 =	sand.u32 $0x60, s19;
	s2 =	sand.u32 $0x3FFFFE00, s20;
	s21 =	rddreg [dreg:$0x4]  }
0x119: {  	s0 =	sor.u32 $0x10, s5;
	[sflag:s1] =	ssyncset.done @!p0 $0x0;
	s2 =	sadd.s32 s2, s21  }
0x11a: {  	[sflag:s1] =	ssyncadd.s32 @!p0 $0xFFFFC000;
	s22 =	sadd.s32 s0, s2  }
0x11b: {  	v0 =	vld [tilespmem:s22+$0x100];
	_ =	sdelay $0x4  }
0x11c: {  	v1 =	vadd.s32 $0xC8, v0  }
0x11d: {  	v2 =	vadd.s32 $0x190, v0  }
0x11e: {  	s23 =	sadd.s32 s5, s2;
	v3 =	vadd.s32 $0x258, v0  }
0x11f: {  	v7 =	vld [tilespmem:s23+$0x100];
	v4 =	vadd.s32 $0x320, v0  }
0x120: {  	v6 =	vadd.s32 $0x3E8, v0;
	v5 =	vld.idx.msk [tilespmem:v0+s3+$0x0], $0xffff  }
0x121: {  	v8 =	vadd.s32 $0x4B0, v0;
	v1 =	vld.idx.msk [tilespmem:v1+s3+$0x0], $0xffff  }
0x122: {  	v9 =	vadd.s32 $0x578, v0;
	v2 =	vld.idx.msk [tilespmem:v2+s3+$0x0], $0xffff  }
0x123: {  	v10 =	vadd.s32 $0x640, v0;
	v3 =	vld.idx.msk [tilespmem:v3+s3+$0x0], $0xffff  }
0x124: {  	v11 =	vadd.s32 $0x708, v0;
	v4 =	vld.idx.msk [tilespmem:v4+s3+$0x0], $0xffff  }
0x125: {  	v12 =	vadd.s32 $0x7D0, v0;
	v6 =	vld.idx.msk [tilespmem:v6+s3+$0x0], $0xffff  }
0x126: {  	v13 =	vadd.s32 $0x898, v0;
	v8 =	vld.idx.msk [tilespmem:v8+s3+$0x0], $0xffff  }
0x127: {  	v14 =	vadd.s32 $0x960, v0;
	v9 =	vld.idx.msk [tilespmem:v9+s3+$0x0], $0xffff  }
0x128: {  	v15 =	vadd.s32 $0xA28, v0;
	v10 =	vld.idx.msk [tilespmem:v10+s3+$0x0], $0xffff  }
0x129: {  	v16 =	vadd.s32 $0xAF0, v0;
	v11 =	vld.idx.msk [tilespmem:v11+s3+$0x0], $0xffff  }
0x12a: {  	v17 =	vadd.s32 $0xC8, v7;
	v12 =	vld.idx.msk [tilespmem:v12+s3+$0x0], $0xffff  }
0x12b: {  	v18 =	vadd.s32 $0x190, v7;
	v13 =	vld.idx.msk [tilespmem:v13+s3+$0x0], $0xffff  }
0x12c: {  	v19 =	vadd.s32 $0x258, v7;
	v14 =	vld.idx.msk [tilespmem:v14+s3+$0x0], $0xffff  }
0x12d: {  	v20 =	vadd.s32 $0x320, v7;
	v15 =	vld.idx.msk [tilespmem:v15+s3+$0x0], $0xffff  }
0x12e: {  	v21 =	vadd.s32 $0x3E8, v7;
	v16 =	vld.idx.msk [tilespmem:v16+s3+$0x0], $0xffff  }
0x12f: {  	v23 =	vadd.s32 $0x578, v7;
	v17 =	vld.idx.msk [tilespmem:v17+s3+$0x0], $0xffff  }
0x130: {  	v24 =	vadd.s32 $0x640, v7;
	v18 =	vld.idx.msk [tilespmem:v18+s3+$0x0], $0xffff  }
0x131: {  	v25 =	vadd.s32 $0x708, v7;
	v19 =	vld.idx.msk [tilespmem:v19+s3+$0x0], $0xffff  }
0x132: {  	v20 =	vld.idx.msk [tilespmem:v20+s3+$0x0], $0xffff  }
0x133: {  	s26 =	simm.s32 $0x80;
	s25 =	simm.s32 $0x20;
	v0 =	vadd.s32 $0xBB8, v0;
	v21 =	vld.idx.msk [tilespmem:v21+s3+$0x0], $0xffff  }
0x134: {  	s29 =	sand.u32 $0x60, s25;
	s8 =	sand.u32 $0x3FFFFE00, s26;
	v29 =	vld.idx.msk [tilespmem:v23+s3+$0x0], $0xffff  }
0x135: {  	s24 =	simm.s32 $0x0;
	s30 =	sor.u32 $0x10, s29;
	s7 =	sadd.s32 s8, s21;
	v27 =	vadd.s32 $0x7D0, v7;
	v63 =	vld.idx.msk [tilespmem:v24+s3+$0x0], $0xffff  }
0x136: {  	s11 =	sand.u32 $0x3FFFFC00, s24;
	s13 =	sadd.s32 s30, s7;
	v23 =	vadd.s32 $0x898, v7;
	v35 =	vld.idx.msk [tilespmem:v25+s3+$0x0], $0xffff  }
0x137: {  	s1 =	sadd.s32 $0xAC80, s11;
	v24 =	vadd.s32 $0x960, v7;
	v25 =	vld [tilespmem:s13+$0x100]  }
0x138: {  	s2 =	sadd.s32 $0xAD00, s11;
	s9 =	sor.u32 s0, s1;
	v22 =	vld.idx.msk [tilespmem:v0+s3+$0x0], $0xffff;
	v0 =	vadd.s32 $0x4B0, v7  }
0x139: {  	s4 =	sadd.s32 $0xAD80, s11;
	s10 =	sor.u32 s0, s2;
	v28 =	vadd.s32 $0xAF0, v7;
	v30 =	vadd.s32 $0xBB8, v7;
	[tilespmem:s9+$0x0] =	vst v5;
	v5 =	vadd.s32 $0xA28, v7;
	v7 =	vld.idx.msk [tilespmem:v7+s3+$0x0], $0xffff  }
0x13a: {  	s12 =	sadd.s32 $0xAE00, s11;
	s14 =	sor.u32 s0, s4;
	[tilespmem:s10+$0x0] =	vst v1;
	v1 =	vld.idx.msk [tilespmem:v27+s3+$0x0], $0xffff  }
0x13b: {  	s21 =	sor.u32 s0, s12;
	[tilespmem:s14+$0x0] =	vst v2;
	v2 =	vld.idx.msk [tilespmem:v23+s3+$0x0], $0xffff  }
0x13c: {  	s15 =	sadd.s32 $0xAE80, s11;
	[tilespmem:s21+$0x0] =	vst v3;
	v3 =	vld.idx.msk [tilespmem:v24+s3+$0x0], $0xffff  }
0x13d: {  	s22 =	sor.u32 s0, s15;
	s14 =	sadd.s32 $0xAF00, s11;
	v26 =	vld.idx.msk [tilespmem:v0+s3+$0x0], $0xffff  }
0x13e: {  	s23 =	sor.u32 s0, s14;
	[tilespmem:s22+$0x0] =	vst v4;
	v4 =	vld.idx.msk [tilespmem:v5+s3+$0x0], $0xffff  }
0x13f: {  	s16 =	sadd.s32 $0xAF80, s11;
	s1 =	sor.u32 s5, s1;
	v5 =	vld.idx.msk [tilespmem:v28+s3+$0x0], $0xffff;
	[tilespmem:s23+$0x0] =	vst v6  }
0x140: {  	s24 =	sor.u32 s0, s16;
	v23 =	vadd.s32 $0x3E8, v25;
	v6 =	vld.idx.msk [tilespmem:v30+s3+$0x0], $0xffff;
	[tilespmem:s1+$0x0] =	vst v7  }
0x141: {  	s17 =	sadd.s32 $0xB000, s11;
	s2 =	sor.u32 s5, s2;
	[tilespmem:s24+$0x0] =	vst v8  }
0x142: {  	s18 =	sadd.s32 $0xCC80, s11;
	s25 =	sor.u32 s0, s17;
	v7 =	vadd.s32 $0x898, v25;
	[tilespmem:s2+$0x0] =	vst v17  }
0x143: {  	s19 =	sadd.s32 $0xCD00, s11;
	s26 =	sor.u32 s0, s18;
	s7 =	sadd.s32 s29, s7;
	[tilespmem:s25+$0x0] =	vst v9;
	v9 =	vadd.s32 $0x190, v25  }
0x144: {  	s20 =	sadd.s32 $0xCD80, s11;
	v0 =	vld [tilespmem:s7+$0x100];
	s7 =	sor.u32 s0, s19;
	[tilespmem:s26+$0x0] =	vst v10;
	v10 =	vadd.s32 $0x258, v25  }
0x145: {  	s8 =	sadd.s32 $0xCE00, s11;
	s9 =	sor.u32 s0, s20;
	v31 =	vld.idx.msk [tilespmem:v23+s3+$0x0], $0xffff;
	[tilespmem:s7+$0x0] =	vst v11;
	v11 =	vadd.s32 $0x320, v25  }
0x146: {  	s21 =	sor.u32 s0, s8;
	v8 =	vadd.s32 $0xC8, v25;
	[tilespmem:s9+$0x0] =	vst v12;
	v12 =	vld.idx.msk [tilespmem:v25+s3+$0x0], $0xffff  }
0x147: {  	s6 =	sor.u32 s5, s4;
	v24 =	vld.idx.msk [tilespmem:v7+s3+$0x0], $0xffff;
	[tilespmem:s21+$0x0] =	vst v13;
	v13 =	vadd.s32 $0x4B0, v25  }
0x148: {  	s12 =	sor.u32 s5, s12;
	[tilespmem:s6+$0x0] =	vst v18;
	v36 =	vld.idx.msk [tilespmem:v9+s3+$0x0], $0xffff;
	v9 =	vadd.s32 $0x578, v25  }
0x149: {  	s13 =	sor.u32 s5, s15;
	s10 =	sadd.s32 $0xCE80, s11;
	[tilespmem:s12+$0x0] =	vst v19;
	v32 =	vld.idx.msk [tilespmem:v10+s3+$0x0], $0xffff;
	v10 =	vadd.s32 $0x640, v25  }
0x14a: {  	s23 =	sor.u32 s0, s10;
	[tilespmem:s13+$0x0] =	vst v20;
	v33 =	vld.idx.msk [tilespmem:v11+s3+$0x0], $0xffff;
	v11 =	vadd.s32 $0x708, v25  }
0x14b: {  	s14 =	sor.u32 s5, s14;
	s22 =	sadd.s32 $0xCF00, s11;
	v8 =	vld.idx.msk [tilespmem:v8+s3+$0x0], $0xffff;
	[tilespmem:s23+$0x0] =	vst v14;
	v14 =	vadd.s32 $0x7D0, v25  }
0x14c: {  	s24 =	sadd.s32 $0xCF80, s11;
	s25 =	sor.u32 s0, s22;
	[tilespmem:s14+$0x0] =	vst v21;
	v30 =	vld.idx.msk [tilespmem:v13+s3+$0x0], $0xffff;
	v13 =	vadd.s32 $0xBB8, v25  }
0x14d: {  	s11 =	sadd.s32 $0xD000, s11;
	s26 =	sor.u32 s0, s24;
	[tilespmem:s25+$0x0] =	vst v15;
	v28 =	vld.idx.msk [tilespmem:v9+s3+$0x0], $0xffff;
	v9 =	vadd.s32 $0x960, v25  }
0x14e: {  	s31 =	sor.u32 s5, s20;
	s16 =	sor.u32 s5, s16;
	s0 =	sor.u32 s0, s11;
	[tilespmem:s26+$0x0] =	vst v16;
	v27 =	vld.idx.msk [tilespmem:v10+s3+$0x0], $0xffff;
	v10 =	vadd.s32 $0xA28, v25  }
0x14f: {  	s17 =	sor.u32 s5, s17;
	s18 =	sor.u32 s5, s18;
	s15 =	simm.s32 $0x2;
	[tilespmem:s0+$0x0] =	vst v22;
	v22 =	vld.idx.msk [tilespmem:v11+s3+$0x0], $0xffff;
	v11 =	vadd.s32 $0xAF0, v25  }
0x150: {  	s20 =	simm.s32 $0x40;
	s28 =	sor.u32 s5, s10;
	v7 =	vadd.s32 $0xC8, v0;
	s21 =	simm.s32 $0x100;
	[tilespmem:s16+$0x0] =	vst v26;
	v23 =	vld.idx.msk [tilespmem:v14+s3+$0x0], $0xffff  }
0x151: {  	s19 =	sor.u32 s5, s19;
	s4 =	sor.u32 s5, s11;
	v37 =	vadd.s32 $0x190, v0;
	s21 =	sand.u32 $0x3FFFFC00, s21;
	[tilespmem:s17+$0x0] =	vst v29;
	v34 =	vld.idx.msk [tilespmem:v13+s3+$0x0], $0xffff  }
0x152: {  	s13 =	sor.u32 s5, s24;
	v21 =	vadd.s32 $0x258, v0;
	s25 =	sor.u32 s5, s22;
	s22 =	sadd.s32 $0xAC80, s21;
	[tilespmem:s18+$0x0] =	vst v63;
	v25 =	vld.idx.msk [tilespmem:v9+s3+$0x0], $0xffff  }
0x153: {  	v20 =	vadd.s32 $0x320, v0;
	v19 =	vadd.s32 $0x3E8, v0;
	v17 =	vadd.s32 $0x4B0, v0;
	s14 =	sor.u32 s5, s8;
	s23 =	sadd.s32 $0xAD00, s21;
	s2 =	sor.u32 s30, s22;
	[tilespmem:s19+$0x0] =	vst v35;
	v26 =	vld.idx.msk [tilespmem:v10+s3+$0x0], $0xffff  }
0x154: {  	v18 =	vadd.s32 $0x578, v0;
	v15 =	vadd.s32 $0x708, v0;
	s7 =	sadd.s32 $0xAD80, s21;
	s1 =	sor.u32 s29, s22;
	v16 =	vadd.s32 $0x640, v0;
	s24 =	sor.u32 s30, s23;
	v29 =	vld.idx.msk [tilespmem:v11+s3+$0x0], $0xffff;
	[tilespmem:s2+$0x0] =	vst v12  }
0x155: {  	s5 =	sor.u32 s29, s23;
	s22 =	sadd.s32 $0xAE00, s21;
	s26 =	sor.u32 s30, s7;
	v7 =	vld.idx.msk [tilespmem:v7+s3+$0x0], $0xffff;
	v14 =	vadd.s32 $0x898, v0;
	v13 =	vadd.s32 $0x7D0, v0;
	v9 =	vadd.s32 $0xBB8, v0;
	[tilespmem:s24+$0x0] =	vst v8  }
0x156: {  	s12 =	sor.u32 s29, s7;
	s23 =	sadd.s32 $0xAE80, s21;
	v10 =	vadd.s32 $0xAF0, v0;
	v11 =	vadd.s32 $0x960, v0;
	v12 =	vadd.s32 $0xA28, v0;
	s2 =	sor.u32 s30, s22;
	v8 =	vld.idx.msk [tilespmem:v37+s3+$0x0], $0xffff;
	[tilespmem:s26+$0x0] =	vst v36  }
.LBB2_7:
0x157: {  	v35 =	vld.idx.msk [tilespmem:v21+s3+$0x0], $0xffff  }
0x158: {  	v36 =	vld.idx.msk [tilespmem:v20+s3+$0x0], $0xffff  }
0x159: {  	[dreg:$0x5] =	wrdreg s1;
	s15 =	sadd.s32 $0x2, s15;
	s6 =	sadd.s32 $0xAF00, s21;
	v37 =	vld.idx.msk [tilespmem:v19+s3+$0x0], $0xffff  }
0x15a: {  	[tilespmem:s2+$0x0] =	vst v32;
	s10 =	sor.u32 s30, s23;
	s18 =	sand.u32 $0x60, s20;
	s7 =	sadd.s32 $0xAF80, s21;
	v38 =	vld.idx.msk [tilespmem:v17+s3+$0x0], $0xffff  }
0x15b: {  	s9 =	sadd.s32 $0xB000, s21;
	v39 =	vld.idx.msk [tilespmem:v18+s3+$0x0], $0xffff;
	s1 =	smov.u32 s4;
	s11 =	sor.u32 s30, s6;
	[tilespmem:s10+$0x0] =	vst v33  }
0x15c: {  	s4 =	smov.u32 s25;
	s25 =	sadd.s32 $0xCD00, s21;
	v40 =	vld.idx.msk [tilespmem:v16+s3+$0x0], $0xffff;
	s16 =	sor.u32 s30, s7;
	[tilespmem:s11+$0x0] =	vst v31  }
0x15d: {  	v41 =	vld.idx.msk [tilespmem:v15+s3+$0x0], $0xffff;
	s8 =	sshll.u32 s15, $0x6;
	s17 =	sor.u32 s30, s9;
	s10 =	sadd.s32 $0xCC80, s21;
	[tilespmem:s16+$0x0] =	vst v30  }
0x15e: {  	s0 =	rddreg [dreg:$0x4];
	v13 =	vld.idx.msk [tilespmem:v13+s3+$0x0], $0xffff;
	s8 =	sand.u32 $0x3FFFFE00, s8;
	s24 =	sor.u32 s30, s10;
	[tilespmem:s17+$0x0] =	vst v28  }
0x15f: {  	v14 =	vld.idx.msk [tilespmem:v14+s3+$0x0], $0xffff;
	s19 =	sor.u32 $0x10, s18;
	s8 =	sadd.s32 s8, s0;
	s0 =	sor.u32 s30, s25;
	[tilespmem:s24+$0x0] =	vst v27  }
0x160: {  	[dreg:$0x8] =	wrdreg s5;
	s26 =	sadd.s32 $0xCD80, s21;
	v11 =	vld.idx.msk [tilespmem:v11+s3+$0x0], $0xffff;
	s16 =	sadd.s32 s19, s8;
	[tilespmem:s0+$0x0] =	vst v22  }
0x161: {  	s5 =	smov.u32 s28;
	s28 =	sadd.s32 $0xCE00, s21;
	s11 =	sor.u32 s30, s26;
	v42 =	vld [tilespmem:s16+$0x100]  }
0x162: {  	v12 =	vld.idx.msk [tilespmem:v12+s3+$0x0], $0xffff;
	s8 =	sadd.s32 s18, s8;
	[tilespmem:s11+$0x0] =	vst v23;
	s16 =	sor.u32 s30, s28  }
0x163: {  	v15 =	vld [tilespmem:s8+$0x100];
	s0 =	sadd.s32 $0xCE80, s21;
	s11 =	smov.u32 s31;
	[tilespmem:s16+$0x0] =	vst v24  }
0x164: {  	s8 =	sadd.s32 $0xCF00, s21;
	s17 =	sor.u32 s30, s0;
	v24 =	vld.idx.msk [tilespmem:v10+s3+$0x0], $0xffff;
	[tilespmem:s11+$0x0] =	vst v1  }
0x165: {  	s24 =	sor.u32 s29, s23;
	s23 =	sor.u32 s30, s8;
	[tilespmem:s17+$0x0] =	vst v25  }
0x166: {  	s31 =	sadd.s32 $0xCF80, s21;
	[tilespmem:s23+$0x0] =	vst v26;
	v22 =	vadd.s32 $0xC8, v42  }
0x167: {  	s16 =	sor.u32 s29, s6;
	s6 =	sadd.s32 $0xD000, s21;
	s17 =	sor.u32 s30, s31;
	v26 =	vld.idx.msk [tilespmem:v9+s3+$0x0], $0xffff;
	[tilespmem:s14+$0x0] =	vst v2;
	v23 =	vadd.s32 $0x190, v42  }
0x168: {  	s2 =	sor.u32 s29, s9;
	s9 =	sor.u32 s30, s6;
	[tilespmem:s17+$0x0] =	vst v29;
	v25 =	vadd.s32 $0x258, v42  }
0x169: {  	v28 =	vld.idx.msk [tilespmem:v0+s3+$0x0], $0xffff;
	[tilespmem:s9+$0x0] =	vst v34;
	v27 =	vadd.s32 $0x320, v42  }
0x16a: {  	v29 =	vadd.s32 $0x3E8, v42;
	v45 =	vld.idx.msk [tilespmem:v42+s3+$0x0], $0xffff  }
0x16b: {  	s22 =	sor.u32 s29, s22;
	[tilespmem:s5+$0x0] =	vst v3;
	v63 =	vadd.s32 $0xBB8, v42;
	v46 =	vld.idx.msk [tilespmem:v22+s3+$0x0], $0xffff  }
0x16c: {  	s8 =	sor.u32 s29, s8;
	s0 =	sor.u32 s29, s0;
	s21 =	sor.u32 s29, s7;
	[tilespmem:s4+$0x0] =	vst v4;
	v22 =	vadd.s32 $0x4B0, v42;
	v47 =	vld.idx.msk [tilespmem:v23+s3+$0x0], $0xffff  }
0x16d: {  	s11 =	rddreg [dreg:$0x5];
	s6 =	sor.u32 s29, s6;
	s23 =	sor.u32 s29, s25;
	[tilespmem:s13+$0x0] =	vst v5;
	v23 =	vadd.s32 $0x578, v42;
	v32 =	vld.idx.msk [tilespmem:v25+s3+$0x0], $0xffff  }
0x16e: {  	s25 =	sor.u32 s29, s28;
	s17 =	sor.u32 s29, s10;
	s10 =	sor.u32 s29, s26;
	[tilespmem:s1+$0x0] =	vst v6;
	v25 =	vadd.s32 $0x640, v42;
	v33 =	vld.idx.msk [tilespmem:v27+s3+$0x0], $0xffff  }
0x16f: {  	s26 =	sor.u32 s29, s31;
	s29 =	smov.u32 s18;
	s18 =	rddreg [dreg:$0x8];
	v5 =	vmov v24;
	v24 =	vadd.s32 $0x708, v42;
	[tilespmem:s11+$0x0] =	vst v28;
	v31 =	vld.idx.msk [tilespmem:v29+s3+$0x0], $0xffff  }
0x170: {  	v6 =	vmov v26;
	v26 =	vadd.s32 $0x7D0, v42;
	[tilespmem:s18+$0x0] =	vst v7;
	v34 =	vld.idx.msk [tilespmem:v63+s3+$0x0], $0xffff  }
0x171: {  	v29 =	vadd.s32 $0x898, v42;
	[tilespmem:s12+$0x0] =	vst v8;
	v30 =	vld.idx.msk [tilespmem:v22+s3+$0x0], $0xffff  }
0x172: {  	v7 =	vadd.s32 $0x960, v42;
	[tilespmem:s22+$0x0] =	vst v35;
	v28 =	vld.idx.msk [tilespmem:v23+s3+$0x0], $0xffff  }
0x173: {  	v62 =	vadd.s32 $0xAF0, v42;
	[tilespmem:s24+$0x0] =	vst v36;
	v27 =	vld.idx.msk [tilespmem:v25+s3+$0x0], $0xffff  }
0x174: {  	s20 =	sadd.s32 $0x20, s20;
	p1 =	slt.u32 s15, $0x3E;
	s30 =	smov.u32 s19;
	v8 =	vadd.s32 $0xA28, v42;
	[tilespmem:s16+$0x0] =	vst v37;
	v22 =	vld.idx.msk [tilespmem:v24+s3+$0x0], $0xffff  }
0x175: {  	v43 =	vadd.s32 $0xC8, v15;
	s19 =	sshll.u32 s15, $0x7;
	s28 =	smov.u32 s0;
	s14 =	smov.u32 s25;
	v23 =	vld.idx.msk [tilespmem:v26+s3+$0x0], $0xffff;
	[tilespmem:s21+$0x0] =	vst v38  }
0x176: {  	v44 =	vadd.s32 $0x190, v15;
	s25 =	smov.u32 s8;
	s31 =	smov.u32 s10;
	v24 =	vld.idx.msk [tilespmem:v29+s3+$0x0], $0xffff;
	s21 =	sand.u32 $0x3FFFFC00, s19;
	[tilespmem:s2+$0x0] =	vst v39  }
.Ltmp2:
0x177: {  	v21 =	vadd.s32 $0x258, v15;
	s4 =	smov.u32 s6;
	v25 =	vld.idx.msk [tilespmem:v7+s3+$0x0], $0xffff;
	s0 =	sadd.s32 $0xAC80, s21;
	[tilespmem:s17+$0x0] =	vst v40;
	(pc) =	sbr.rel @p1 .LBB2_7-.Ltmp2, $4  }
0x178: {  	v20 =	vadd.s32 $0x320, v15;
	v19 =	vadd.s32 $0x3E8, v15;
	v17 =	vadd.s32 $0x4B0, v15;
	v0 =	vmovc v15;
	v29 =	vld.idx.msk [tilespmem:v62+s3+$0x0], $0xffff;
	s22 =	sadd.s32 $0xAD00, s21;
	s1 =	sor.u32 s29, s0;
	s0 =	sor.u32 s30, s0;
	[tilespmem:s23+$0x0] =	vst v41  }
0x179: {  	v1 =	vmovc v13;
	v18 =	vadd.s32 $0x578, v0;
	v16 =	vadd.s32 $0x640, v0;
	v15 =	vadd.s32 $0x708, v0;
	s13 =	smov.u32 s26;
	v26 =	vld.idx.msk [tilespmem:v8+s3+$0x0], $0xffff;
	s24 =	sor.u32 s30, s22;
	s23 =	sadd.s32 $0xAD80, s21;
	[tilespmem:s0+$0x0] =	vst v45  }
0x17a: {  	v2 =	vmovc v14;
	v3 =	vmovc v11;
	v13 =	vadd.s32 $0x7D0, v0;
	v14 =	vadd.s32 $0x898, v0;
	v11 =	vadd.s32 $0x960, v0;
	s5 =	sor.u32 s29, s22;
	s22 =	sadd.s32 $0xAE00, s21;
	v7 =	vld.idx.msk [tilespmem:v43+s3+$0x0], $0xffff;
	[tilespmem:s24+$0x0] =	vst v46;
	s26 =	sor.u32 s30, s23  }
0x17b: {  	v4 =	vmovc v12;
	v12 =	vadd.s32 $0xA28, v0;
	v10 =	vadd.s32 $0xAF0, v0;
	v9 =	vadd.s32 $0xBB8, v0;
	s2 =	sor.u32 s30, s22;
	s12 =	sor.u32 s29, s23;
	v8 =	vld.idx.msk [tilespmem:v44+s3+$0x0], $0xffff;
	s23 =	sadd.s32 $0xAE80, s21;
	[tilespmem:s26+$0x0] =	vst v47  }
0x17c: {  	_ =	sdelay $0x3  }
0x17d: {  	v21 =	vld.idx.msk [tilespmem:v21+s3+$0x0], $0xffff  }
0x17e: {  	[tilespmem:s2+$0x0] =	vst v32;
	v20 =	vld.idx.msk [tilespmem:v20+s3+$0x0], $0xffff  }
0x17f: {  	s8 =	sor.u32 s30, s23;
	v19 =	vld.idx.msk [tilespmem:v19+s3+$0x0], $0xffff;
	[tilespmem:s31+$0x0] =	vst v1  }
0x180: {  	s0 =	sadd.s32 $0xAF00, s21;
	v17 =	vld.idx.msk [tilespmem:v17+s3+$0x0], $0xffff;
	[tilespmem:s8+$0x0] =	vst v33  }
0x181: {  	v18 =	vld.idx.msk [tilespmem:v18+s3+$0x0], $0xffff;
	s9 =	sor.u32 s30, s0;
	[tilespmem:s14+$0x0] =	vst v2  }
0x182: {  	s6 =	sadd.s32 $0xAF80, s21;
	v16 =	vld.idx.msk [tilespmem:v16+s3+$0x0], $0xffff;
	[tilespmem:s9+$0x0] =	vst v31  }
0x183: {  	v15 =	vld.idx.msk [tilespmem:v15+s3+$0x0], $0xffff;
	s10 =	sor.u32 s30, s6;
	[tilespmem:s28+$0x0] =	vst v3  }
0x184: {  	s7 =	sadd.s32 $0xB000, s21;
	v13 =	vld.idx.msk [tilespmem:v13+s3+$0x0], $0xffff;
	[tilespmem:s10+$0x0] =	vst v30  }
0x185: {  	v0 =	vld.idx.msk [tilespmem:v0+s3+$0x0], $0xffff;
	s11 =	sor.u32 s30, s7;
	[tilespmem:s25+$0x0] =	vst v4  }
0x186: {  	v1 =	vld.idx.msk [tilespmem:v14+s3+$0x0], $0xffff;
	s8 =	sadd.s32 $0xCC80, s21;
	[tilespmem:s11+$0x0] =	vst v28  }
0x187: {  	v2 =	vld.idx.msk [tilespmem:v11+s3+$0x0], $0xffff;
	s15 =	sor.u32 s30, s8;
	[tilespmem:s13+$0x0] =	vst v5  }
0x188: {  	v3 =	vld.idx.msk [tilespmem:v12+s3+$0x0], $0xffff;
	[tilespmem:s15+$0x0] =	vst v27  }
0x189: {  	s9 =	sadd.s32 $0xCD00, s21;
	v4 =	vld.idx.msk [tilespmem:v10+s3+$0x0], $0xffff;
	[tilespmem:s4+$0x0] =	vst v6  }
0x18a: {  	s16 =	sor.u32 s30, s9;
	v5 =	vld.idx.msk [tilespmem:v9+s3+$0x0], $0xffff;
	[tilespmem:s1+$0x0] =	vst v0  }
0x18b: {  	s10 =	sadd.s32 $0xCD80, s21;
	[tilespmem:s16+$0x0] =	vst v22  }
0x18c: {  	s17 =	sor.u32 s30, s10;
	[tilespmem:s5+$0x0] =	vst v7  }
0x18d: {  	s15 =	sadd.s32 $0xCE00, s21;
	[tilespmem:s17+$0x0] =	vst v23  }
0x18e: {  	s18 =	sor.u32 s30, s15;
	[tilespmem:s12+$0x0] =	vst v8  }
0x18f: {  	s4 =	sor.u32 s29, s22;
	s16 =	sadd.s32 $0xCE80, s21;
	[tilespmem:s18+$0x0] =	vst v24  }
0x190: {  	s19 =	sor.u32 s30, s16;
	[tilespmem:s4+$0x0] =	vst v21  }
0x191: {  	s5 =	sor.u32 s29, s23;
	s17 =	sadd.s32 $0xCF00, s21;
	[tilespmem:s19+$0x0] =	vst v25  }
0x192: {  	s20 =	sor.u32 s30, s17;
	[tilespmem:s5+$0x0] =	vst v20  }
0x193: {  	s0 =	sor.u32 s29, s0;
	s18 =	sadd.s32 $0xCF80, s21;
	[tilespmem:s20+$0x0] =	vst v26  }
0x194: {  	s24 =	sor.u32 s30, s18;
	[tilespmem:s0+$0x0] =	vst v19  }
0x195: {  	s6 =	sor.u32 s29, s6;
	s19 =	sadd.s32 $0xD000, s21;
	[tilespmem:s24+$0x0] =	vst v29  }
0x196: {  	s26 =	sor.u32 s30, s19;
	[tilespmem:s6+$0x0] =	vst v17  }
0x197: {  	s7 =	sor.u32 s29, s7;
	[tilespmem:s26+$0x0] =	vst v34  }
0x198: {  	s8 =	sor.u32 s29, s8;
	[tilespmem:s7+$0x0] =	vst v18  }
0x199: {  	s11 =	sor.u32 s29, s9;
	[tilespmem:s8+$0x0] =	vst v16  }
0x19a: {  	s12 =	sor.u32 s29, s10;
	[tilespmem:s11+$0x0] =	vst v15  }
0x19b: {  	s13 =	sor.u32 s29, s15;
	[tilespmem:s12+$0x0] =	vst v13  }
0x19c: {  	s14 =	sor.u32 s29, s16;
	[tilespmem:s13+$0x0] =	vst v1  }
0x19d: {  	s15 =	sor.u32 s29, s17;
	[tilespmem:s14+$0x0] =	vst v2  }
0x19e: {  	s16 =	sor.u32 s29, s18;
	[tilespmem:s15+$0x0] =	vst v3  }
0x19f: {  	s17 =	sor.u32 s29, s19;
	[tilespmem:s16+$0x0] =	vst v4  }
0x1a0: {  	[tilespmem:s17+$0x0] =	vst v5  }
0x1a1: {  	s0 =	rddreg [dreg:$0xe]  }
0x1a2: {  	s1 =	rddreg [dreg:$0x13]  }
0x1a3: {  	s18 =	simm.s32 $0xAC80;
	s0 =	sadd.s32 s1, s0;
	s1 =	simm.s32 @!p0 $0x6  }
0x1a4: {  	[hbm4b:s0+s3] =	stream.linear.scatter [tilespmem:s18], [sflag:$0x5], $0x4000, $0x38;
	[tilespmem:$0x12C80] =	vst v63  }
0x1a5: {  	s19 =	simm.s32 $0x0;
	s20 =	simm.s32 $0x0;
	_ =	swait.ge @!p0 [sflag:s1], $0x4000  }
0x1a6: {  	s4 =	sand.u32 $0x60, s19;
	s2 =	sand.u32 $0x3FFFFE00, s20;
	s21 =	rddreg [dreg:$0x4]  }
0x1a7: {  	s0 =	sor.u32 $0x10, s4;
	[sflag:s1] =	ssyncset.done @!p0 $0x0;
	s2 =	sadd.s32 s2, s21  }
0x1a8: {  	[sflag:s1] =	ssyncadd.s32 @!p0 $0xFFFFC000;
	s22 =	sadd.s32 s0, s2  }
0x1a9: {  	v0 =	vld [tilespmem:s22+$0x180];
	_ =	sdelay $0x4  }
0x1aa: {  	v1 =	vadd.s32 $0xC8, v0  }
0x1ab: {  	v2 =	vadd.s32 $0x190, v0  }
0x1ac: {  	s23 =	sadd.s32 s4, s2;
	v3 =	vadd.s32 $0x258, v0  }
0x1ad: {  	v7 =	vld [tilespmem:s23+$0x180];
	v4 =	vadd.s32 $0x320, v0  }
0x1ae: {  	v6 =	vadd.s32 $0x3E8, v0;
	v5 =	vld.idx.msk [tilespmem:v0+s3+$0x0], $0xffff  }
0x1af: {  	v8 =	vadd.s32 $0x4B0, v0;
	v1 =	vld.idx.msk [tilespmem:v1+s3+$0x0], $0xffff  }
0x1b0: {  	v9 =	vadd.s32 $0x578, v0;
	v2 =	vld.idx.msk [tilespmem:v2+s3+$0x0], $0xffff  }
0x1b1: {  	v10 =	vadd.s32 $0x640, v0;
	v3 =	vld.idx.msk [tilespmem:v3+s3+$0x0], $0xffff  }
0x1b2: {  	v11 =	vadd.s32 $0x708, v0;
	v4 =	vld.idx.msk [tilespmem:v4+s3+$0x0], $0xffff  }
0x1b3: {  	v12 =	vadd.s32 $0x7D0, v0;
	v6 =	vld.idx.msk [tilespmem:v6+s3+$0x0], $0xffff  }
0x1b4: {  	v13 =	vadd.s32 $0x898, v0;
	v8 =	vld.idx.msk [tilespmem:v8+s3+$0x0], $0xffff  }
0x1b5: {  	v14 =	vadd.s32 $0x960, v0;
	v9 =	vld.idx.msk [tilespmem:v9+s3+$0x0], $0xffff  }
0x1b6: {  	v15 =	vadd.s32 $0xA28, v0;
	v10 =	vld.idx.msk [tilespmem:v10+s3+$0x0], $0xffff  }
0x1b7: {  	v16 =	vadd.s32 $0xAF0, v0;
	v11 =	vld.idx.msk [tilespmem:v11+s3+$0x0], $0xffff  }
0x1b8: {  	v17 =	vadd.s32 $0xC8, v7;
	v12 =	vld.idx.msk [tilespmem:v12+s3+$0x0], $0xffff  }
0x1b9: {  	v18 =	vadd.s32 $0x190, v7;
	v13 =	vld.idx.msk [tilespmem:v13+s3+$0x0], $0xffff  }
0x1ba: {  	v19 =	vadd.s32 $0x258, v7;
	v14 =	vld.idx.msk [tilespmem:v14+s3+$0x0], $0xffff  }
0x1bb: {  	v20 =	vadd.s32 $0x320, v7;
	v15 =	vld.idx.msk [tilespmem:v15+s3+$0x0], $0xffff  }
0x1bc: {  	v21 =	vadd.s32 $0x3E8, v7;
	v16 =	vld.idx.msk [tilespmem:v16+s3+$0x0], $0xffff  }
0x1bd: {  	v23 =	vadd.s32 $0x578, v7;
	v17 =	vld.idx.msk [tilespmem:v17+s3+$0x0], $0xffff  }
0x1be: {  	v24 =	vadd.s32 $0x640, v7;
	v18 =	vld.idx.msk [tilespmem:v18+s3+$0x0], $0xffff  }
0x1bf: {  	v25 =	vadd.s32 $0x708, v7;
	v19 =	vld.idx.msk [tilespmem:v19+s3+$0x0], $0xffff  }
0x1c0: {  	v20 =	vld.idx.msk [tilespmem:v20+s3+$0x0], $0xffff  }
0x1c1: {  	s25 =	simm.s32 $0x20;
	s26 =	simm.s32 $0x80;
	v0 =	vadd.s32 $0xBB8, v0;
	v21 =	vld.idx.msk [tilespmem:v21+s3+$0x0], $0xffff  }
0x1c2: {  	s29 =	sand.u32 $0x60, s25;
	s8 =	sand.u32 $0x3FFFFE00, s26;
	v29 =	vld.idx.msk [tilespmem:v23+s3+$0x0], $0xffff  }
0x1c3: {  	s24 =	simm.s32 $0x0;
	s30 =	sor.u32 $0x10, s29;
	s7 =	sadd.s32 s8, s21;
	v27 =	vadd.s32 $0x7D0, v7;
	v63 =	vld.idx.msk [tilespmem:v24+s3+$0x0], $0xffff  }
0x1c4: {  	s11 =	sand.u32 $0x3FFFFC00, s24;
	s12 =	sadd.s32 s30, s7;
	v23 =	vadd.s32 $0x898, v7;
	v35 =	vld.idx.msk [tilespmem:v25+s3+$0x0], $0xffff  }
0x1c5: {  	s1 =	sadd.s32 $0xEC80, s11;
	v24 =	vadd.s32 $0x960, v7;
	v25 =	vld [tilespmem:s12+$0x180]  }
0x1c6: {  	s2 =	sadd.s32 $0xED00, s11;
	s9 =	sor.u32 s0, s1;
	v22 =	vld.idx.msk [tilespmem:v0+s3+$0x0], $0xffff;
	v0 =	vadd.s32 $0x4B0, v7  }
0x1c7: {  	s5 =	sadd.s32 $0xED80, s11;
	s10 =	sor.u32 s0, s2;
	v28 =	vadd.s32 $0xAF0, v7;
	v30 =	vadd.s32 $0xBB8, v7;
	[tilespmem:s9+$0x0] =	vst v5;
	v5 =	vadd.s32 $0xA28, v7;
	v7 =	vld.idx.msk [tilespmem:v7+s3+$0x0], $0xffff  }
0x1c8: {  	s13 =	sadd.s32 $0xEE00, s11;
	s14 =	sor.u32 s0, s5;
	[tilespmem:s10+$0x0] =	vst v1;
	v1 =	vld.idx.msk [tilespmem:v27+s3+$0x0], $0xffff  }
0x1c9: {  	s21 =	sor.u32 s0, s13;
	[tilespmem:s14+$0x0] =	vst v2;
	v2 =	vld.idx.msk [tilespmem:v23+s3+$0x0], $0xffff  }
0x1ca: {  	s15 =	sadd.s32 $0xEE80, s11;
	[tilespmem:s21+$0x0] =	vst v3;
	v3 =	vld.idx.msk [tilespmem:v24+s3+$0x0], $0xffff  }
0x1cb: {  	s22 =	sor.u32 s0, s15;
	s14 =	sadd.s32 $0xEF00, s11;
	v26 =	vld.idx.msk [tilespmem:v0+s3+$0x0], $0xffff  }
0x1cc: {  	s23 =	sor.u32 s0, s14;
	[tilespmem:s22+$0x0] =	vst v4;
	v4 =	vld.idx.msk [tilespmem:v5+s3+$0x0], $0xffff  }
0x1cd: {  	s16 =	sadd.s32 $0xEF80, s11;
	s1 =	sor.u32 s4, s1;
	v5 =	vld.idx.msk [tilespmem:v28+s3+$0x0], $0xffff;
	[tilespmem:s23+$0x0] =	vst v6  }
0x1ce: {  	s24 =	sor.u32 s0, s16;
	v23 =	vadd.s32 $0x3E8, v25;
	v6 =	vld.idx.msk [tilespmem:v30+s3+$0x0], $0xffff;
	[tilespmem:s1+$0x0] =	vst v7  }
0x1cf: {  	s17 =	sadd.s32 $0xF000, s11;
	s2 =	sor.u32 s4, s2;
	[tilespmem:s24+$0x0] =	vst v8  }
0x1d0: {  	s18 =	sadd.s32 $0x10C80, s11;
	s25 =	sor.u32 s0, s17;
	v7 =	vadd.s32 $0x898, v25;
	[tilespmem:s2+$0x0] =	vst v17  }
0x1d1: {  	s19 =	sadd.s32 $0x10D00, s11;
	s26 =	sor.u32 s0, s18;
	s7 =	sadd.s32 s29, s7;
	[tilespmem:s25+$0x0] =	vst v9;
	v9 =	vadd.s32 $0x190, v25  }
0x1d2: {  	s20 =	sadd.s32 $0x10D80, s11;
	v0 =	vld [tilespmem:s7+$0x180];
	s7 =	sor.u32 s0, s19;
	[tilespmem:s26+$0x0] =	vst v10;
	v10 =	vadd.s32 $0x258, v25  }
0x1d3: {  	s8 =	sadd.s32 $0x10E00, s11;
	s9 =	sor.u32 s0, s20;
	v31 =	vld.idx.msk [tilespmem:v23+s3+$0x0], $0xffff;
	[tilespmem:s7+$0x0] =	vst v11;
	v11 =	vadd.s32 $0x320, v25  }
0x1d4: {  	s21 =	sor.u32 s0, s8;
	v8 =	vadd.s32 $0xC8, v25;
	[tilespmem:s9+$0x0] =	vst v12;
	v12 =	vld.idx.msk [tilespmem:v25+s3+$0x0], $0xffff  }
0x1d5: {  	s5 =	sor.u32 s4, s5;
	v24 =	vld.idx.msk [tilespmem:v7+s3+$0x0], $0xffff;
	[tilespmem:s21+$0x0] =	vst v13;
	v13 =	vadd.s32 $0x4B0, v25  }
0x1d6: {  	s6 =	sor.u32 s4, s13;
	[tilespmem:s5+$0x0] =	vst v18;
	v36 =	vld.idx.msk [tilespmem:v9+s3+$0x0], $0xffff;
	v9 =	vadd.s32 $0x578, v25  }
0x1d7: {  	s12 =	sor.u32 s4, s15;
	s10 =	sadd.s32 $0x10E80, s11;
	[tilespmem:s6+$0x0] =	vst v19;
	v32 =	vld.idx.msk [tilespmem:v10+s3+$0x0], $0xffff;
	v10 =	vadd.s32 $0x640, v25  }
0x1d8: {  	s23 =	sor.u32 s0, s10;
	[tilespmem:s12+$0x0] =	vst v20;
	v33 =	vld.idx.msk [tilespmem:v11+s3+$0x0], $0xffff;
	v11 =	vadd.s32 $0x708, v25  }
0x1d9: {  	s13 =	sor.u32 s4, s14;
	s22 =	sadd.s32 $0x10F00, s11;
	v8 =	vld.idx.msk [tilespmem:v8+s3+$0x0], $0xffff;
	[tilespmem:s23+$0x0] =	vst v14;
	v14 =	vadd.s32 $0x7D0, v25  }
0x1da: {  	s24 =	sadd.s32 $0x10F80, s11;
	s25 =	sor.u32 s0, s22;
	[tilespmem:s13+$0x0] =	vst v21;
	v30 =	vld.idx.msk [tilespmem:v13+s3+$0x0], $0xffff;
	v13 =	vadd.s32 $0xBB8, v25  }
0x1db: {  	s11 =	sadd.s32 $0x11000, s11;
	s26 =	sor.u32 s0, s24;
	[tilespmem:s25+$0x0] =	vst v15;
	v28 =	vld.idx.msk [tilespmem:v9+s3+$0x0], $0xffff;
	v9 =	vadd.s32 $0x960, v25  }
0x1dc: {  	s31 =	sor.u32 s4, s20;
	s28 =	sor.u32 s4, s8;
	s0 =	sor.u32 s0, s11;
	[tilespmem:s26+$0x0] =	vst v16;
	v27 =	vld.idx.msk [tilespmem:v10+s3+$0x0], $0xffff;
	v10 =	vadd.s32 $0xA28, v25  }
0x1dd: {  	s15 =	simm.s32 $0x2;
	s20 =	simm.s32 $0x40;
	s14 =	sor.u32 s4, s16;
	[tilespmem:s0+$0x0] =	vst v22;
	v22 =	vld.idx.msk [tilespmem:v11+s3+$0x0], $0xffff;
	v11 =	vadd.s32 $0xAF0, v25  }
0x1de: {  	s16 =	sor.u32 s4, s17;
	s17 =	sor.u32 s4, s18;
	v7 =	vadd.s32 $0xC8, v0;
	s21 =	simm.s32 $0x100;
	[tilespmem:s14+$0x0] =	vst v26;
	v23 =	vld.idx.msk [tilespmem:v14+s3+$0x0], $0xffff  }
0x1df: {  	s18 =	sor.u32 s4, s19;
	s19 =	sor.u32 s4, s22;
	v37 =	vadd.s32 $0x190, v0;
	s21 =	sand.u32 $0x3FFFFC00, s21;
	[tilespmem:s16+$0x0] =	vst v29;
	v34 =	vld.idx.msk [tilespmem:v13+s3+$0x0], $0xffff  }
0x1e0: {  	v21 =	vadd.s32 $0x258, v0;
	s13 =	sor.u32 s4, s11;
	s14 =	sor.u32 s4, s24;
	s22 =	sadd.s32 $0xEC80, s21;
	[tilespmem:s17+$0x0] =	vst v63;
	v25 =	vld.idx.msk [tilespmem:v9+s3+$0x0], $0xffff  }
0x1e1: {  	v20 =	vadd.s32 $0x320, v0;
	v19 =	vadd.s32 $0x3E8, v0;
	v17 =	vadd.s32 $0x4B0, v0;
	s23 =	sadd.s32 $0xED00, s21;
	s7 =	sadd.s32 $0xED80, s21;
	s2 =	sor.u32 s30, s22;
	[tilespmem:s18+$0x0] =	vst v35;
	v26 =	vld.idx.msk [tilespmem:v10+s3+$0x0], $0xffff  }
0x1e2: {  	v18 =	vadd.s32 $0x578, v0;
	v15 =	vadd.s32 $0x708, v0;
	s26 =	sor.u32 s4, s10;
	s5 =	sor.u32 s29, s22;
	v16 =	vadd.s32 $0x640, v0;
	s24 =	sor.u32 s30, s23;
	v29 =	vld.idx.msk [tilespmem:v11+s3+$0x0], $0xffff;
	[tilespmem:s2+$0x0] =	vst v12  }
0x1e3: {  	s11 =	sor.u32 s29, s23;
	s22 =	sadd.s32 $0xEE00, s21;
	s25 =	sor.u32 s30, s7;
	v7 =	vld.idx.msk [tilespmem:v7+s3+$0x0], $0xffff;
	v14 =	vadd.s32 $0x898, v0;
	v13 =	vadd.s32 $0x7D0, v0;
	v9 =	vadd.s32 $0xBB8, v0;
	[tilespmem:s24+$0x0] =	vst v8  }
0x1e4: {  	s12 =	sor.u32 s29, s7;
	s23 =	sadd.s32 $0xEE80, s21;
	s16 =	sor.u32 s30, s22;
	v10 =	vadd.s32 $0xAF0, v0;
	v11 =	vadd.s32 $0x960, v0;
	v12 =	vadd.s32 $0xA28, v0;
	v8 =	vld.idx.msk [tilespmem:v37+s3+$0x0], $0xffff;
	[tilespmem:s25+$0x0] =	vst v36  }
.LBB2_9:
0x1e5: {  	v35 =	vld.idx.msk [tilespmem:v21+s3+$0x0], $0xffff  }
0x1e6: {  	[dreg:$0x7] =	wrdreg s11;
	v36 =	vld.idx.msk [tilespmem:v20+s3+$0x0], $0xffff  }
0x1e7: {  	[dreg:$0x6] =	wrdreg s5;
	s15 =	sadd.s32 $0x2, s15;
	v37 =	vld.idx.msk [tilespmem:v19+s3+$0x0], $0xffff  }
0x1e8: {  	s2 =	sadd.s32 $0xEF00, s21;
	[tilespmem:s16+$0x0] =	vst v32;
	s6 =	sor.u32 s30, s23;
	s18 =	sand.u32 $0x60, s20;
	v38 =	vld.idx.msk [tilespmem:v17+s3+$0x0], $0xffff  }
0x1e9: {  	s7 =	sadd.s32 $0xEF80, s21;
	s9 =	sadd.s32 $0xF000, s21;
	v39 =	vld.idx.msk [tilespmem:v18+s3+$0x0], $0xffff;
	s1 =	sor.u32 s30, s2;
	[tilespmem:s6+$0x0] =	vst v33  }
0x1ea: {  	s10 =	sadd.s32 $0x10C80, s21;
	s25 =	sadd.s32 $0x10D00, s21;
	v40 =	vld.idx.msk [tilespmem:v16+s3+$0x0], $0xffff;
	s4 =	sor.u32 s30, s7;
	[tilespmem:s1+$0x0] =	vst v31  }
0x1eb: {  	s0 =	rddreg [dreg:$0x4];
	v41 =	vld.idx.msk [tilespmem:v15+s3+$0x0], $0xffff;
	s8 =	sshll.u32 s15, $0x6;
	s5 =	sor.u32 s30, s9;
	[tilespmem:s4+$0x0] =	vst v30  }
0x1ec: {  	v13 =	vld.idx.msk [tilespmem:v13+s3+$0x0], $0xffff;
	s11 =	sor.u32 s30, s10;
	s16 =	sor.u32 s30, s25;
	s8 =	sand.u32 $0x3FFFFE00, s8;
	[tilespmem:s5+$0x0] =	vst v28  }
0x1ed: {  	v14 =	vld.idx.msk [tilespmem:v14+s3+$0x0], $0xffff;
	s1 =	smov.u32 s19;
	s19 =	sor.u32 $0x10, s18;
	s8 =	sadd.s32 s8, s0;
	[tilespmem:s11+$0x0] =	vst v27  }
0x1ee: {  	v11 =	vld.idx.msk [tilespmem:v11+s3+$0x0], $0xffff;
	s17 =	sadd.s32 s19, s8;
	s5 =	smov.u32 s26;
	s26 =	sadd.s32 $0x10D80, s21;
	[tilespmem:s16+$0x0] =	vst v22  }
0x1ef: {  	s11 =	smov.u32 s28;
	s28 =	sadd.s32 $0x10E00, s21;
	s24 =	sor.u32 s30, s26;
	v42 =	vld [tilespmem:s17+$0x180]  }
0x1f0: {  	v12 =	vld.idx.msk [tilespmem:v12+s3+$0x0], $0xffff;
	s8 =	sadd.s32 s18, s8;
	s4 =	sor.u32 s30, s28;
	[tilespmem:s24+$0x0] =	vst v23  }
0x1f1: {  	s0 =	sadd.s32 $0x10E80, s21;
	v15 =	vld [tilespmem:s8+$0x180];
	s24 =	sor.u32 s29, s23;
	s23 =	smov.u32 s31;
	[tilespmem:s4+$0x0] =	vst v24  }
0x1f2: {  	s8 =	sadd.s32 $0x10F00, s21;
	s16 =	sor.u32 s30, s0;
	v24 =	vld.idx.msk [tilespmem:v10+s3+$0x0], $0xffff;
	[tilespmem:s23+$0x0] =	vst v1  }
0x1f3: {  	s17 =	sor.u32 s30, s8;
	[tilespmem:s16+$0x0] =	vst v25  }
0x1f4: {  	s4 =	sadd.s32 $0x10F80, s21;
	[tilespmem:s17+$0x0] =	vst v26;
	v22 =	vadd.s32 $0xC8, v42  }
0x1f5: {  	s31 =	sadd.s32 $0x11000, s21;
	s17 =	sor.u32 s30, s4;
	v26 =	vld.idx.msk [tilespmem:v9+s3+$0x0], $0xffff;
	[tilespmem:s11+$0x0] =	vst v2;
	v23 =	vadd.s32 $0x190, v42  }
0x1f6: {  	s16 =	sor.u32 s29, s2;
	s2 =	sor.u32 s29, s9;
	s9 =	sor.u32 s30, s31;
	[tilespmem:s17+$0x0] =	vst v29;
	v25 =	vadd.s32 $0x258, v42  }
0x1f7: {  	v28 =	vld.idx.msk [tilespmem:v0+s3+$0x0], $0xffff;
	[tilespmem:s9+$0x0] =	vst v34;
	v27 =	vadd.s32 $0x320, v42  }
0x1f8: {  	v29 =	vadd.s32 $0x3E8, v42;
	v45 =	vld.idx.msk [tilespmem:v42+s3+$0x0], $0xffff  }
0x1f9: {  	[tilespmem:s5+$0x0] =	vst v3;
	v63 =	vadd.s32 $0xBB8, v42;
	v46 =	vld.idx.msk [tilespmem:v22+s3+$0x0], $0xffff  }
0x1fa: {  	[tilespmem:s1+$0x0] =	vst v4;
	v22 =	vadd.s32 $0x4B0, v42;
	v47 =	vld.idx.msk [tilespmem:v23+s3+$0x0], $0xffff  }
0x1fb: {  	s9 =	sor.u32 s29, s28;
	[tilespmem:s14+$0x0] =	vst v5;
	v23 =	vadd.s32 $0x578, v42;
	v32 =	vld.idx.msk [tilespmem:v25+s3+$0x0], $0xffff  }
0x1fc: {  	s28 =	smov.u32 s9;
	s9 =	rddreg [dreg:$0x6];
	[tilespmem:s13+$0x0] =	vst v6;
	v25 =	vadd.s32 $0x640, v42;
	v33 =	vld.idx.msk [tilespmem:v27+s3+$0x0], $0xffff  }
0x1fd: {  	s11 =	rddreg [dreg:$0x7];
	v5 =	vmov v24;
	v24 =	vadd.s32 $0x708, v42;
	[tilespmem:s9+$0x0] =	vst v28;
	v31 =	vld.idx.msk [tilespmem:v29+s3+$0x0], $0xffff  }
0x1fe: {  	v6 =	vmov v26;
	v26 =	vadd.s32 $0x7D0, v42;
	[tilespmem:s11+$0x0] =	vst v7;
	v34 =	vld.idx.msk [tilespmem:v63+s3+$0x0], $0xffff  }
0x1ff: {  	s22 =	sor.u32 s29, s22;
	s20 =	sadd.s32 $0x20, s20;
	p0 =	slt.u32 s15, $0x3E;
	v29 =	vadd.s32 $0x898, v42;
	[tilespmem:s12+$0x0] =	vst v8;
	v30 =	vld.idx.msk [tilespmem:v22+s3+$0x0], $0xffff  }
0x200: {  	s26 =	sor.u32 s29, s26;
	s0 =	sor.u32 s29, s0;
	s8 =	sor.u32 s29, s8;
	v7 =	vadd.s32 $0x960, v42;
	[tilespmem:s22+$0x0] =	vst v35;
	v28 =	vld.idx.msk [tilespmem:v23+s3+$0x0], $0xffff  }
0x201: {  	s21 =	sor.u32 s29, s7;
	s4 =	sor.u32 s29, s4;
	s30 =	smov.u32 s19;
	v62 =	vadd.s32 $0xAF0, v42;
	[tilespmem:s24+$0x0] =	vst v36;
	v27 =	vld.idx.msk [tilespmem:v25+s3+$0x0], $0xffff  }
0x202: {  	s19 =	smov.u32 s8;
	s17 =	sor.u32 s29, s10;
	s10 =	sor.u32 s29, s25;
	v8 =	vadd.s32 $0xA28, v42;
	[tilespmem:s16+$0x0] =	vst v37;
	v22 =	vld.idx.msk [tilespmem:v24+s3+$0x0], $0xffff  }
0x203: {  	v43 =	vadd.s32 $0xC8, v15;
	s25 =	sor.u32 s29, s31;
	s29 =	smov.u32 s18;
	s18 =	sshll.u32 s15, $0x7;
	v23 =	vld.idx.msk [tilespmem:v26+s3+$0x0], $0xffff;
	[tilespmem:s21+$0x0] =	vst v38  }
0x204: {  	v44 =	vadd.s32 $0x190, v15;
	s31 =	smov.u32 s26;
	s26 =	smov.u32 s0;
	v24 =	vld.idx.msk [tilespmem:v29+s3+$0x0], $0xffff;
	s21 =	sand.u32 $0x3FFFFC00, s18;
	[tilespmem:s2+$0x0] =	vst v39  }
.Ltmp3:
0x205: {  	v21 =	vadd.s32 $0x258, v15;
	s14 =	smov.u32 s4;
	v25 =	vld.idx.msk [tilespmem:v7+s3+$0x0], $0xffff;
	s0 =	sadd.s32 $0xEC80, s21;
	[tilespmem:s17+$0x0] =	vst v40;
	(pc) =	sbr.rel @p0 .LBB2_9-.Ltmp3, $4  }
0x206: {  	v20 =	vadd.s32 $0x320, v15;
	v19 =	vadd.s32 $0x3E8, v15;
	v17 =	vadd.s32 $0x4B0, v15;
	v0 =	vmovc v15;
	v29 =	vld.idx.msk [tilespmem:v62+s3+$0x0], $0xffff;
	s22 =	sadd.s32 $0xED00, s21;
	s5 =	sor.u32 s29, s0;
	s0 =	sor.u32 s30, s0;
	[tilespmem:s10+$0x0] =	vst v41  }
0x207: {  	v1 =	vmovc v13;
	v18 =	vadd.s32 $0x578, v0;
	v16 =	vadd.s32 $0x640, v0;
	v15 =	vadd.s32 $0x708, v0;
	s13 =	smov.u32 s25;
	v26 =	vld.idx.msk [tilespmem:v8+s3+$0x0], $0xffff;
	s23 =	sadd.s32 $0xED80, s21;
	s24 =	sor.u32 s30, s22;
	[tilespmem:s0+$0x0] =	vst v45  }
0x208: {  	v2 =	vmovc v14;
	v3 =	vmovc v11;
	v13 =	vadd.s32 $0x7D0, v0;
	v14 =	vadd.s32 $0x898, v0;
	v11 =	vadd.s32 $0x960, v0;
	s11 =	sor.u32 s29, s22;
	s22 =	sadd.s32 $0xEE00, s21;
	s25 =	sor.u32 s30, s23;
	v7 =	vld.idx.msk [tilespmem:v43+s3+$0x0], $0xffff;
	[tilespmem:s24+$0x0] =	vst v46  }
0x209: {  	v4 =	vmovc v12;
	v12 =	vadd.s32 $0xA28, v0;
	v10 =	vadd.s32 $0xAF0, v0;
	v9 =	vadd.s32 $0xBB8, v0;
	s12 =	sor.u32 s29, s23;
	s23 =	sadd.s32 $0xEE80, s21;
	s16 =	sor.u32 s30, s22;
	v8 =	vld.idx.msk [tilespmem:v44+s3+$0x0], $0xffff;
	[tilespmem:s25+$0x0] =	vst v47  }
0x20a: {  	_ =	sdelay $0x3  }
0x20b: {  	v21 =	vld.idx.msk [tilespmem:v21+s3+$0x0], $0xffff  }
0x20c: {  	[tilespmem:s16+$0x0] =	vst v32;
	v20 =	vld.idx.msk [tilespmem:v20+s3+$0x0], $0xffff  }
0x20d: {  	s0 =	sor.u32 s30, s23;
	v19 =	vld.idx.msk [tilespmem:v19+s3+$0x0], $0xffff;
	[tilespmem:s31+$0x0] =	vst v1  }
0x20e: {  	s2 =	sadd.s32 $0xEF00, s21;
	v17 =	vld.idx.msk [tilespmem:v17+s3+$0x0], $0xffff;
	[tilespmem:s0+$0x0] =	vst v33  }
0x20f: {  	v18 =	vld.idx.msk [tilespmem:v18+s3+$0x0], $0xffff;
	s8 =	sor.u32 s30, s2;
	[tilespmem:s28+$0x0] =	vst v2  }
0x210: {  	s4 =	sadd.s32 $0xEF80, s21;
	v16 =	vld.idx.msk [tilespmem:v16+s3+$0x0], $0xffff;
	[tilespmem:s8+$0x0] =	vst v31  }
0x211: {  	v15 =	vld.idx.msk [tilespmem:v15+s3+$0x0], $0xffff;
	s9 =	sor.u32 s30, s4;
	[tilespmem:s26+$0x0] =	vst v3  }
0x212: {  	s6 =	sadd.s32 $0xF000, s21;
	v13 =	vld.idx.msk [tilespmem:v13+s3+$0x0], $0xffff;
	[tilespmem:s9+$0x0] =	vst v30  }
0x213: {  	v0 =	vld.idx.msk [tilespmem:v0+s3+$0x0], $0xffff;
	s10 =	sor.u32 s30, s6;
	[tilespmem:s19+$0x0] =	vst v4  }
0x214: {  	s7 =	sadd.s32 $0x10C80, s21;
	v59 =	vld.idx.msk [tilespmem:v14+s3+$0x0], $0xffff;
	[tilespmem:s10+$0x0] =	vst v28  }
0x215: {  	v60 =	vld.idx.msk [tilespmem:v11+s3+$0x0], $0xffff;
	s15 =	sor.u32 s30, s7;
	[tilespmem:s14+$0x0] =	vst v5  }
0x216: {  	v61 =	vld.idx.msk [tilespmem:v12+s3+$0x0], $0xffff;
	[tilespmem:s15+$0x0] =	vst v27  }
0x217: {  	v62 =	vld.idx.msk [tilespmem:v10+s3+$0x0], $0xffff;
	s8 =	sadd.s32 $0x10D00, s21;
	[tilespmem:s13+$0x0] =	vst v6  }
0x218: {  	v63 =	vld.idx.msk [tilespmem:v9+s3+$0x0], $0xffff;
	s16 =	sor.u32 s30, s8;
	[tilespmem:s5+$0x0] =	vst v0  }
0x219: {  	s9 =	sadd.s32 $0x10D80, s21;
	[tilespmem:s16+$0x0] =	vst v22  }
0x21a: {  	s17 =	sor.u32 s30, s9;
	[tilespmem:s11+$0x0] =	vst v7  }
0x21b: {  	s10 =	sadd.s32 $0x10E00, s21;
	[tilespmem:s17+$0x0] =	vst v23  }
0x21c: {  	s18 =	sor.u32 s30, s10;
	[tilespmem:s12+$0x0] =	vst v8  }
0x21d: {  	s15 =	sadd.s32 $0x10E80, s21;
	s13 =	sor.u32 s29, s22;
	[tilespmem:s18+$0x0] =	vst v24  }
0x21e: {  	s20 =	sor.u32 s30, s15;
	[tilespmem:s13+$0x0] =	vst v21  }
0x21f: {  	s14 =	sor.u32 s29, s23;
	s16 =	sadd.s32 $0x10F00, s21;
	[tilespmem:s20+$0x0] =	vst v25  }
0x220: {  	s24 =	sor.u32 s30, s16;
	[tilespmem:s14+$0x0] =	vst v20  }
0x221: {  	s19 =	sor.u32 s29, s2;
	s17 =	sadd.s32 $0x10F80, s21;
	[tilespmem:s24+$0x0] =	vst v26  }
0x222: {  	s25 =	sor.u32 s30, s17;
	[tilespmem:s19+$0x0] =	vst v19  }
0x223: {  	s18 =	sadd.s32 $0x11000, s21;
	s20 =	sor.u32 s29, s4;
	[tilespmem:s25+$0x0] =	vst v29  }
0x224: {  	s1 =	sor.u32 s30, s18;
	[tilespmem:s20+$0x0] =	vst v17  }
0x225: {  	s21 =	sor.u32 s29, s6;
	[tilespmem:s1+$0x0] =	vst v34  }
0x226: {  	s22 =	sor.u32 s29, s7;
	[tilespmem:s21+$0x0] =	vst v18  }
0x227: {  	s23 =	sor.u32 s29, s8;
	[tilespmem:s22+$0x0] =	vst v16  }
0x228: {  	s24 =	sor.u32 s29, s9;
	[tilespmem:s23+$0x0] =	vst v15  }
0x229: {  	s25 =	sor.u32 s29, s10;
	[tilespmem:s24+$0x0] =	vst v13  }
0x22a: {  	s26 =	sor.u32 s29, s15;
	[tilespmem:s25+$0x0] =	vst v59  }
0x22b: {  	s28 =	sor.u32 s29, s16;
	[tilespmem:s26+$0x0] =	vst v60  }
0x22c: {  	s30 =	sor.u32 s29, s17;
	[tilespmem:s28+$0x0] =	vst v61  }
0x22d: {  	s1 =	sor.u32 s29, s18;
	[tilespmem:s30+$0x0] =	vst v62  }
0x22e: {  	[tilespmem:s1+$0x0] =	vst v63  }
0x22f: {  	s0 =	rddreg [dreg:$0xf]  }
0x230: {  	s1 =	rddreg [dreg:$0x13]  }
0x231: {  	s0 =	sadd.s32 s1, s0;
	s1 =	rddreg [dreg:$0x12]  }
0x232: {  	p0 =	sne.s32 s1, $0x19  }
.Ltmp4:
0x233: {  	_ = 	snop;
	(pc) =	sbr.rel @p0 .LBB2_2-.Ltmp4, $3  }
0x234: {  	_ =	sdelay $0x1  }
0x235: {  	s31 =	simm.s32 $0xEC80  }
0x236: {  	[hbm4b:s0+s3] =	stream.linear.scatter [tilespmem:s31], [sflag:$0x6], $0x4000, $0x38;
	[tilespmem:$0x12C80] =	vst v63  }
0x237: {  	s0 =	simm.s32 $0x3  }
0x238: {  	_ =	swait.ge [sflag:s0], $0x4000  }
0x239: {  	[sflag:s0] =	ssyncset.done $0x0  }
0x23a: {  	s29 =	simm.s32 $0x4;
	[sflag:s0] =	ssyncadd.s32 $0xFFFFC000  }
0x23b: {  	_ =	swait.ge [sflag:s29], $0x4000  }
0x23c: {  	[sflag:s29] =	ssyncset.done $0x0  }
0x23d: {  	s30 =	simm.s32 $0x5;
	[sflag:s29] =	ssyncadd.s32 $0xFFFFC000  }
0x23e: {  	_ =	swait.ge [sflag:s30], $0x4000  }
0x23f: {  	[sflag:s30] =	ssyncset.done $0x0  }
0x240: {  	s1 =	simm.s32 $0x6;
	[sflag:s30] =	ssyncadd.s32 $0xFFFFC000  }
0x241: {  	_ =	swait.ge [sflag:s1], $0x4000  }
0x242: {  	s2 =	rddreg [dreg:$0x11]  }
0x243: {  	s31 =	rddreg [dreg:$0x10];
	s2 =	sadd.s32 $0x1, s2  }
0x244: {  	p0 =	sne.s32 s2, s31  }
.Ltmp5:
0x245: {  	_ = 	snop;
	(pc) =	sbr.rel @p0 .LBB2_1-.Ltmp5, $3  }
0x246: {  	_ =	sdelay $0x1  }
0x247: {  	[sflag:s1] =	ssyncset.done $0x0  }
0x248: {  	[sflag:s1] =	ssyncadd.s32 $0xFFFFC000  }
0x249: {  	_ =	sfence.sel $0x180000  }
0x24a: {  	[bflag:$0x0] =	sbarrier.arrive $0xFFFF  }
0x24b: {  	_ =	strace $0x90000047  }
0x24c: {  	s0 =	stileid.u32;
	[bflag:$0x2] =	sbarrier.arrive $0xFFFF  }
0x24d: {  	p0 =	sne.s32 s0, $0x0;
	s0 =	rddreg [dreg:$0x3]  }
0x24e: {  	s0 =	sadd.s32 @!p0 $0x100000, s0  }
0x24f: {  	[sflag:s0] =	ssyncadd.tile.s32 @!p0 $0x1;
	_ =	shalt  }
.Lfunc_end2:
_tile_overlayer_lowered:
.L_overlay_start_2:
0x250: {  	(tag) =	ssettag $0x2  }
0x251: {  	s0 =	rddreg [dreg:$0x0];
	s2 =	stileid.u32  }
0x252: {  	s1 =	rddreg [dreg:$0x1];
	p0 =	sne.s32 s2, $0x0  }
0x253: {  	s3 =	rddreg [dreg:$0x2];
	[bflag:$0x3] =	sbarrier.arrive $0xFFFF;
	s2 =	simm.s32 @!p0 $0x1C07  }
0x254: {  	[timem:s3], [sflag:s2] =	dma.local @!p0 [hbm:s0], s1  }
0x255: {  	s0 =	simm.s32 @!p0 $0x7  }
0x256: {  	_ =	swait.ge @!p0 [sflag:s0], s1  }
0x257: {  	s1 =	ssub.s32 @!p0 $0x0, s1;
	[sflag:s0] =	ssyncset.done @!p0 $0x0  }
0x258: {  	[sflag:s0] =	ssyncadd.s32 @!p0 s1  }
0x259: {  	[bflag:$0x3] =	sbarrier.arrive $0xFFFF  }
0x25a: {  	_ =	shalt  }

</sc_bundles>
